<compile_context>
chip_gen: v7x
topology: tpu7x:2x2x1
jax: 0.10.2.dev20260603
libtpu: 0.0.44.dev20260713+nightly
codegen_flags: <defaults>
</compile_context>

<pallas_src>
import functools

import jax
import jax.numpy as jnp
from jax import lax
from jax.experimental import pallas as pl
from jax.experimental.pallas import tpu as pltpu
from jax.experimental.pallas import tpu_sc as plsc

NC = 2
NS = 16
NW = NC * NS
LANE = 16
CHUNK = 128


def _zero_fill(ref, nrows, d):
    z = jnp.zeros((LANE,), jnp.float32)
    for r in range(nrows):
        for c in range(d // LANE):
            ref[r, pl.ds(c * LANE, LANE)] = z


def _zero_acc(acc, sid, n_per_tile, zbuf):
    zr = zbuf.shape[0]
    _zero_fill(zbuf, zr, zbuf.shape[1])
    base = sid * n_per_tile
    nfull = n_per_tile // zr

    def body(i, _):
        pltpu.sync_copy(zbuf, acc.at[pl.ds(base + i * zr, zr)])
        return _

    lax.fori_loop(0, nfull, body, None)
    rem = n_per_tile - nfull * zr
    if rem:
        pltpu.sync_copy(zbuf.at[pl.ds(0, rem)],
                        acc.at[pl.ds(base + nfull * zr, rem)])


@functools.lru_cache(maxsize=None)
def _make_deg(n_acc, rpw):
    npt = n_acc // NS
    mesh = plsc.VectorSubcoreMesh(core_axis_name="c", subcore_axis_name="s")

    @functools.partial(
        pl.kernel,
        out_type=jax.ShapeDtypeStruct((NC, n_acc, LANE), jnp.float32),
        mesh=mesh,
        compiler_params=pltpu.CompilerParams(use_tc_tiling_on_sc=False),
        scratch_types=[
            pltpu.VMEM((rpw, CHUNK), jnp.int32),
            pltpu.VMEM((CHUNK, LANE), jnp.float32),
            pltpu.VMEM((8, LANE), jnp.float32),
            pltpu.VMEM_SHARED((n_acc, LANE), jnp.float32),
        ],
    )
    def deg_kernel(dst_hbm, out_hbm, dstbuf, ones_v, zbuf, acc):
        c = lax.axis_index("c")
        s = lax.axis_index("s")
        wid = c * NS + s

        _zero_acc(acc, s, npt, zbuf)

        one = jnp.full((LANE,), 1.0, jnp.float32)
        for r in range(CHUNK):
            ones_v[r] = one

        pltpu.sync_copy(dst_hbm.at[wid], dstbuf)

        plsc.subcore_barrier()

        def scatter(j, _):
            pltpu.sync_copy(ones_v, acc.at[dstbuf.at[j]], add=True)
            return _

        lax.fori_loop(0, rpw, scatter, None)

        plsc.subcore_barrier()
        pltpu.sync_copy(acc.at[pl.ds(s * npt, npt)],
                        out_hbm.at[c, pl.ds(s * npt, npt)])

    return deg_kernel


@functools.lru_cache(maxsize=None)
def _make_agg(n, n_acc, rpw, d):
    npt = n_acc // NS
    mesh = plsc.VectorSubcoreMesh(core_axis_name="c", subcore_axis_name="s")

    nbuf = 2 if d <= 64 else 1

    scratch = [
        pltpu.VMEM((rpw, CHUNK), jnp.int32),
        pltpu.VMEM((rpw, CHUNK), jnp.int32),
    ]
    scratch += [pltpu.VMEM((CHUNK, d), jnp.float32)] * nbuf
    scratch += [
        pltpu.VMEM((8, d), jnp.float32),
        pltpu.VMEM_SHARED((n_acc, d), jnp.float32),
    ]
    scratch += [pltpu.SemaphoreType.DMA] * nbuf

    @functools.partial(
        pl.kernel,
        out_type=jax.ShapeDtypeStruct((NC, n_acc, d), jnp.float32),
        mesh=mesh,
        compiler_params=pltpu.CompilerParams(
            use_tc_tiling_on_sc=(d % 128 == 0)),
        scratch_types=scratch,
    )
    def agg_kernel(hs_hbm, src_hbm, dst_hbm, out_hbm, *refs):
        if nbuf == 2:
            srcbuf, dstbuf, rbuf0, rbuf1, zbuf, acc, sem0, sem1 = refs
        else:
            srcbuf, dstbuf, rbuf0, zbuf, acc, sem0 = refs
        c = lax.axis_index("c")
        s = lax.axis_index("s")
        wid = c * NS + s

        _zero_acc(acc, s, npt, zbuf)

        pltpu.sync_copy(src_hbm.at[wid], srcbuf)
        pltpu.sync_copy(dst_hbm.at[wid], dstbuf)

        plsc.subcore_barrier()

        if nbuf == 2:
            def step(p, _):
                j0 = 2 * p
                j1 = j0 + 1
                c0 = pltpu.async_copy(hs_hbm.at[srcbuf.at[j0]], rbuf0, sem0)
                c1 = pltpu.async_copy(hs_hbm.at[srcbuf.at[j1]], rbuf1, sem1)
                c0.wait()
                pltpu.sync_copy(rbuf0, acc.at[dstbuf.at[j0]], add=True)
                c1.wait()
                pltpu.sync_copy(rbuf1, acc.at[dstbuf.at[j1]], add=True)
                return _

            lax.fori_loop(0, rpw // 2, step, None)
            if rpw % 2:
                j = rpw - 1
                pltpu.async_copy(hs_hbm.at[srcbuf.at[j]], rbuf0, sem0).wait()
                pltpu.sync_copy(rbuf0, acc.at[dstbuf.at[j]], add=True)
        else:
            def step(j, _):
                pltpu.async_copy(hs_hbm.at[srcbuf.at[j]], rbuf0, sem0).wait()
                pltpu.sync_copy(rbuf0, acc.at[dstbuf.at[j]], add=True)
                return _

            lax.fori_loop(0, rpw, step, None)

        plsc.subcore_barrier()
        pltpu.sync_copy(acc.at[pl.ds(s * npt, npt)],
                        out_hbm.at[c, pl.ds(s * npt, npt)])

    return agg_kernel


def _dinv_block(degp):
    deg = jnp.sum(degp[0] + degp[1], axis=1, keepdims=True) * (1.0 / LANE)
    return lax.rsqrt(deg + 1.0)


def _k1_body(degp_ref, x_ref, w1_ref, hs_ref):
    dinv = _dinv_block(degp_ref[...])
    h = lax.dot_general(x_ref[...], w1_ref[...], (((1,), (1,)), ((), ())),
                        preferred_element_type=jnp.float32)
    hs_ref[...] = h * dinv


def _k2_body(degp_ref, aggp_ref, hs1_ref, b1_ref, w3_ref, hs2_ref):
    dinv = _dinv_block(degp_ref[...])
    aggp = aggp_ref[...]
    t = (aggp[0] + aggp[1] + hs1_ref[...]) * dinv + b1_ref[...]
    h1 = jnp.maximum(t, 0.0)
    h2 = lax.dot_general(h1, w3_ref[...], (((1,), (1,)), ((), ())),
                         preferred_element_type=jnp.float32)
    hs2_ref[...] = h2 * dinv


def _k3_body(degp_ref, aggp_ref, hs2_ref, b3_ref, z_ref):
    dinv = _dinv_block(degp_ref[...])
    aggp = aggp_ref[...]
    z_ref[...] = (aggp[0] + aggp[1] + hs2_ref[...]) * dinv + b3_ref[...]


def kernel(x, edge_index, W1, b1, W3, b3):
    n, d_in = x.shape
    e = edge_index.shape[1]
    d_hid = W1.shape[0]
    d_out = W3.shape[0]
    assert n % NS == 0
    rpw = -(-e // (NW * CHUNK))
    e_pad = NW * rpw * CHUNK
    n_acc = -(-(n + 1) // (NS * 8)) * (NS * 8)

    pad = e_pad - e
    dummy_dst = n + jnp.arange(pad, dtype=jnp.int32) % (n_acc - n)
    src3d = jnp.concatenate(
        [edge_index[0], jnp.zeros((pad,), jnp.int32)]).reshape(NW, rpw, CHUNK)
    dst3d = jnp.concatenate(
        [edge_index[1], dummy_dst]).reshape(NW, rpw, CHUNK)

    rb = 1000
    grid = n // rb

    degp = _make_deg(n_acc, rpw)(dst3d)

    hs1 = pl.pallas_call(
        _k1_body,
        grid=(grid,),
        in_specs=[
            pl.BlockSpec((NC, rb, LANE), lambda i: (0, i, 0)),
            pl.BlockSpec((rb, d_in), lambda i: (i, 0)),
            pl.BlockSpec((d_hid, d_in), lambda i: (0, 0)),
        ],
        out_specs=pl.BlockSpec((rb, d_hid), lambda i: (i, 0)),
        out_shape=jax.ShapeDtypeStruct((n, d_hid), jnp.float32),
    )(degp, x, W1)

    aggp1 = _make_agg(n, n_acc, rpw, d_hid)(hs1, src3d, dst3d)

    hs2 = pl.pallas_call(
        _k2_body,
        grid=(grid,),
        in_specs=[
            pl.BlockSpec((NC, rb, LANE), lambda i: (0, i, 0)),
            pl.BlockSpec((NC, rb, d_hid), lambda i: (0, i, 0)),
            pl.BlockSpec((rb, d_hid), lambda i: (i, 0)),
            pl.BlockSpec((1, d_hid), lambda i: (0, 0)),
            pl.BlockSpec((d_out, d_hid), lambda i: (0, 0)),
        ],
        out_specs=pl.BlockSpec((rb, d_out), lambda i: (i, 0)),
        out_shape=jax.ShapeDtypeStruct((n, d_out), jnp.float32),
    )(degp, aggp1, hs1, b1.reshape(1, d_hid), W3)

    aggp2 = _make_agg(n, n_acc, rpw, d_out)(hs2, src3d, dst3d)

    z = pl.pallas_call(
        _k3_body,
        grid=(grid,),
        in_specs=[
            pl.BlockSpec((NC, rb, LANE), lambda i: (0, i, 0)),
            pl.BlockSpec((NC, rb, d_out), lambda i: (0, i, 0)),
            pl.BlockSpec((rb, d_out), lambda i: (i, 0)),
            pl.BlockSpec((1, d_out), lambda i: (0, 0)),
        ],
        out_specs=pl.BlockSpec((rb, d_out), lambda i: (i, 0)),
        out_shape=jax.ShapeDtypeStruct((n, d_out), jnp.float32),
    )(degp, aggp2, hs2, b3.reshape(1, d_out))

    return z

# --- scband reference (transcript-rebuilt; emitter-appended) ---
"""Pipeline reference for scband-ccne-1967095021604 (READ-ONLY COPY).

The authoritative reference and input builder live on the scoring server;
editing this copy changes nothing except your own understanding.
"""

import jax, jax.numpy as jnp
import numpy as np

N = 10000
E = 320000
D_IN = 128
D_HID = 128  # 2 * output
D_OUT = 64


def gcn_conv(x, edge_index, W, b):
    # Faithful PyG GCNConv: add self-loops, symmetric normalization,
    # linear transform, scatter-add aggregation at target nodes, bias.
    n = x.shape[0]
    src = edge_index[0]
    dst = edge_index[1]
    loop = jnp.arange(n, dtype=src.dtype)
    src = jnp.concatenate([src, loop])
    dst = jnp.concatenate([dst, loop])
    h = x @ W.T
    deg = jnp.zeros((n,), x.dtype).at[dst].add(1.0)
    dinv = jnp.where(deg > 0, 1.0 / jnp.sqrt(deg), 0.0)
    norm = dinv[src] * dinv[dst]
    msg = h[src] * norm[:, None]
    out = jnp.zeros((n, h.shape[1]), x.dtype).at[dst].add(msg)
    return out + b


def setup_inputs(seed: int = 0) -> dict:
    key = jax.random.key(seed)
    ks = jax.random.split(key, 6)
    x = jax.random.normal(ks[0], (N, D_IN), dtype=jnp.float32)
    edge_index = jax.random.randint(ks[1], (2, E), 0, N, dtype=jnp.int32)
    W1 = jax.random.normal(ks[2], (D_HID, D_IN), dtype=jnp.float32) * 0.08
    b1 = jnp.zeros((D_HID,), dtype=jnp.float32)
    W3 = jax.random.normal(ks[3], (D_OUT, D_HID), dtype=jnp.float32) * 0.08
    b3 = jnp.zeros((D_OUT,), dtype=jnp.float32)
    return {"x": x, "edge_index": edge_index, "W1": W1, "b1": b1, "W3": W3, "b3": b3}


def reference(x, edge_index, W1, b1, W3, b3):
    # CCNE.s_forward: conv1 -> ReLU -> conv3
    h = gcn_conv(x, edge_index, W1, b1)
    h = jax.nn.relu(h)
    z = gcn_conv(h, edge_index, W3, b3)
    return z

if __name__ == "__main__":
    import jax
    _d = setup_inputs()
    print(jax.jit(kernel)(*tuple(_d.values())))

</pallas_src>

<mosaic_0001>
#map = affine_map<(d0, d1) -> (0, 0)>
#map1 = affine_map<(d0, d1) -> (0, 0, 0)>
module attributes {stable_mosaic.version = 14 : i64} {
  func.func @agg_kernel(%arg0: i32, %arg1: i32, %arg2: memref<10000x64xf32, #tpu.memory_space<hbm>>, %arg3: memref<32x79x128xi32, #tpu.memory_space<hbm>>, %arg4: memref<32x79x128xi32, #tpu.memory_space<hbm>>, %arg5: memref<2x10112x64xf32, #tpu.memory_space<hbm>>, %arg6: memref<79x128xi32, #tpu.memory_space<vmem>>, %arg7: memref<79x128xi32, #tpu.memory_space<vmem>>, %arg8: memref<128x64xf32, #tpu.memory_space<vmem>>, %arg9: memref<128x64xf32, #tpu.memory_space<vmem>>, %arg10: memref<8x64xf32, #tpu.memory_space<vmem>>, %arg11: memref<10112x64xf32, #tpu.memory_space<vmem_shared>>, %arg12: memref<!tpu.dma_semaphore, #tpu.memory_space<semaphore_mem>>, %arg13: memref<!tpu.dma_semaphore, #tpu.memory_space<semaphore_mem>>) attributes {dimension_semantics = [#tpu.dimension_semantics<core_parallel>, #tpu.dimension_semantics<subcore_parallel>], iteration_bounds = array<i64: 2, 16>, scalar_prefetch = 0 : i64, scratch_operands = 8 : i64, tpu.core_type = #tpu.core_type<sc_vector_subcore>, window_params = [{transform_indices = #map}, {transform_indices = #map1}, {transform_indices = #map1}, {transform_indices = #map1}]} {
    %mul3A = arith.constant 16 : i32
    %mul3A_0 = arith.muli %arg0, %mul3A : i32
    %add3A = arith.addi %mul3A_0, %arg1 : i32
    %broadcast_in_dim3A = arith.constant 0.000000e+00 : f32
    %broadcast_in_dim3A_1 = vector.broadcast %broadcast_in_dim3A : f32 to vector<16xf32>
    %swap3A = arith.constant 0 : i32
    %swap3A_2 = arith.index_cast %swap3A : i32 to index
    %swap3A_3 = arith.constant 0 : index
    %swap3A_4 = tpu.vector_load %arg10[%swap3A_2, %swap3A_3] {strides = array<i32>} : memref<8x64xf32, #tpu.memory_space<vmem>>, vector<1x16xf32>,
    %swap3A_5 = vector.shape_cast %swap3A_4 : vector<1x16xf32> to vector<16xf32>
    %swap3A_6 = vector.shape_cast %broadcast_in_dim3A_1 : vector<16xf32> to vector<1x16xf32>
    tpu.vector_store %arg10[%swap3A_2, %swap3A_3], %swap3A_6 {strides = array<i32>} : memref<8x64xf32, #tpu.memory_space<vmem>>, vector<1x16xf32>,
    %swap3A_7 = arith.constant 0 : i32
    %swap3A_8 = arith.index_cast %swap3A_7 : i32 to index
    %swap3A_9 = arith.constant 16 : index
    %swap3A_10 = tpu.vector_load %arg10[%swap3A_8, %swap3A_9] {strides = array<i32>} : memref<8x64xf32, #tpu.memory_space<vmem>>, vector<1x16xf32>,
    %swap3A_11 = vector.shape_cast %swap3A_10 : vector<1x16xf32> to vector<16xf32>
    %swap3A_12 = vector.shape_cast %broadcast_in_dim3A_1 : vector<16xf32> to vector<1x16xf32>
    tpu.vector_store %arg10[%swap3A_8, %swap3A_9], %swap3A_12 {strides = array<i32>} : memref<8x64xf32, #tpu.memory_space<vmem>>, vector<1x16xf32>,
    %swap3A_13 = arith.constant 0 : i32
    %swap3A_14 = arith.index_cast %swap3A_13 : i32 to index
    %swap3A_15 = arith.constant 32 : index
    %swap3A_16 = tpu.vector_load %arg10[%swap3A_14, %swap3A_15] {strides = array<i32>} : memref<8x64xf32, #tpu.memory_space<vmem>>, vector<1x16xf32>,
    %swap3A_17 = vector.shape_cast %swap3A_16 : vector<1x16xf32> to vector<16xf32>
    %swap3A_18 = vector.shape_cast %broadcast_in_dim3A_1 : vector<16xf32> to vector<1x16xf32>
    tpu.vector_store %arg10[%swap3A_14, %swap3A_15], %swap3A_18 {strides = array<i32>} : memref<8x64xf32, #tpu.memory_space<vmem>>, vector<1x16xf32>,
    %swap3A_19 = arith.constant 0 : i32
    %swap3A_20 = arith.index_cast %swap3A_19 : i32 to index
    %swap3A_21 = arith.constant 48 : index
    %swap3A_22 = tpu.vector_load %arg10[%swap3A_20, %swap3A_21] {strides = array<i32>} : memref<8x64xf32, #tpu.memory_space<vmem>>, vector<1x16xf32>,
    %swap3A_23 = vector.shape_cast %swap3A_22 : vector<1x16xf32> to vector<16xf32>
    %swap3A_24 = vector.shape_cast %broadcast_in_dim3A_1 : vector<16xf32> to vector<1x16xf32>
    tpu.vector_store %arg10[%swap3A_20, %swap3A_21], %swap3A_24 {strides = array<i32>} : memref<8x64xf32, #tpu.memory_space<vmem>>, vector<1x16xf32>,
    %swap3A_25 = arith.constant 1 : i32
    %swap3A_26 = arith.index_cast %swap3A_25 : i32 to index
    %swap3A_27 = arith.constant 0 : index
    %swap3A_28 = tpu.vector_load %arg10[%swap3A_26, %swap3A_27] {strides = array<i32>} : memref<8x64xf32, #tpu.memory_space<vmem>>, vector<1x16xf32>,
    %swap3A_29 = vector.shape_cast %swap3A_28 : vector<1x16xf32> to vector<16xf32>
    %swap3A_30 = vector.shape_cast %broadcast_in_dim3A_1 : vector<16xf32> to vector<1x16xf32>
    tpu.vector_store %arg10[%swap3A_26, %swap3A_27], %swap3A_30 {strides = array<i32>} : memref<8x64xf32, #tpu.memory_space<vmem>>, vector<1x16xf32>,
    %swap3A_31 = arith.constant 1 : i32
    %swap3A_32 = arith.index_cast %swap3A_31 : i32 to index
    %swap3A_33 = arith.constant 16 : index
    %swap3A_34 = tpu.vector_load %arg10[%swap3A_32, %swap3A_33] {strides = array<i32>} : memref<8x64xf32, #tpu.memory_space<vmem>>, vector<1x16xf32>,
    %swap3A_35 = vector.shape_cast %swap3A_34 : vector<1x16xf32> to vector<16xf32>
    %swap3A_36 = vector.shape_cast %broadcast_in_dim3A_1 : vector<16xf32> to vector<1x16xf32>
    tpu.vector_store %arg10[%swap3A_32, %swap3A_33], %swap3A_36 {strides = array<i32>} : memref<8x64xf32, #tpu.memory_space<vmem>>, vector<1x16xf32>,
    %swap3A_37 = arith.constant 1 : i32
    %swap3A_38 = arith.index_cast %swap3A_37 : i32 to index
    %swap3A_39 = arith.constant 32 : index
    %swap3A_40 = tpu.vector_load %arg10[%swap3A_38, %swap3A_39] {strides = array<i32>} : memref<8x64xf32, #tpu.memory_space<vmem>>, vector<1x16xf32>,
    %swap3A_41 = vector.shape_cast %swap3A_40 : vector<1x16xf32> to vector<16xf32>
    %swap3A_42 = vector.shape_cast %broadcast_in_dim3A_1 : vector<16xf32> to vector<1x16xf32>
    tpu.vector_store %arg10[%swap3A_38, %swap3A_39], %swap3A_42 {strides = array<i32>} : memref<8x64xf32, #tpu.memory_space<vmem>>, vector<1x16xf32>,
    %swap3A_43 = arith.constant 1 : i32
    %swap3A_44 = arith.index_cast %swap3A_43 : i32 to index
    %swap3A_45 = arith.constant 48 : index
    %swap3A_46 = tpu.vector_load %arg10[%swap3A_44, %swap3A_45] {strides = array<i32>} : memref<8x64xf32, #tpu.memory_space<vmem>>, vector<1x16xf32>,
    %swap3A_47 = vector.shape_cast %swap3A_46 : vector<1x16xf32> to vector<16xf32>
    %swap3A_48 = vector.shape_cast %broadcast_in_dim3A_1 : vector<16xf32> to vector<1x16xf32>
    tpu.vector_store %arg10[%swap3A_44, %swap3A_45], %swap3A_48 {strides = array<i32>} : memref<8x64xf32, #tpu.memory_space<vmem>>, vector<1x16xf32>,
    %swap3A_49 = arith.constant 2 : i32
    %swap3A_50 = arith.index_cast %swap3A_49 : i32 to index
    %swap3A_51 = arith.constant 0 : index
    %swap3A_52 = tpu.vector_load %arg10[%swap3A_50, %swap3A_51] {strides = array<i32>} : memref<8x64xf32, #tpu.memory_space<vmem>>, vector<1x16xf32>,
    %swap3A_53 = vector.shape_cast %swap3A_52 : vector<1x16xf32> to vector<16xf32>
    %swap3A_54 = vector.shape_cast %broadcast_in_dim3A_1 : vector<16xf32> to vector<1x16xf32>
    tpu.vector_store %arg10[%swap3A_50, %swap3A_51], %swap3A_54 {strides = array<i32>} : memref<8x64xf32, #tpu.memory_space<vmem>>, vector<1x16xf32>,
    %swap3A_55 = arith.constant 2 : i32
    %swap3A_56 = arith.index_cast %swap3A_55 : i32 to index
    %swap3A_57 = arith.constant 16 : index
    %swap3A_58 = tpu.vector_load %arg10[%swap3A_56, %swap3A_57] {strides = array<i32>} : memref<8x64xf32, #tpu.memory_space<vmem>>, vector<1x16xf32>,
    %swap3A_59 = vector.shape_cast %swap3A_58 : vector<1x16xf32> to vector<16xf32>
    %swap3A_60 = vector.shape_cast %broadcast_in_dim3A_1 : vector<16xf32> to vector<1x16xf32>
    tpu.vector_store %arg10[%swap3A_56, %swap3A_57], %swap3A_60 {strides = array<i32>} : memref<8x64xf32, #tpu.memory_space<vmem>>, vector<1x16xf32>,
    %swap3A_61 = arith.constant 2 : i32
    %swap3A_62 = arith.index_cast %swap3A_61 : i32 to index
    %swap3A_63 = arith.constant 32 : index
    %swap3A_64 = tpu.vector_load %arg10[%swap3A_62, %swap3A_63] {strides = array<i32>} : memref<8x64xf32, #tpu.memory_space<vmem>>, vector<1x16xf32>,
    %swap3A_65 = vector.shape_cast %swap3A_64 : vector<1x16xf32> to vector<16xf32>
    %swap3A_66 = vector.shape_cast %broadcast_in_dim3A_1 : vector<16xf32> to vector<1x16xf32>
    tpu.vector_store %arg10[%swap3A_62, %swap3A_63], %swap3A_66 {strides = array<i32>} : memref<8x64xf32, #tpu.memory_space<vmem>>, vector<1x16xf32>,
    %swap3A_67 = arith.constant 2 : i32
    %swap3A_68 = arith.index_cast %swap3A_67 : i32 to index
    %swap3A_69 = arith.constant 48 : index
    %swap3A_70 = tpu.vector_load %arg10[%swap3A_68, %swap3A_69] {strides = array<i32>} : memref<8x64xf32, #tpu.memory_space<vmem>>, vector<1x16xf32>,
    %swap3A_71 = vector.shape_cast %swap3A_70 : vector<1x16xf32> to vector<16xf32>
    %swap3A_72 = vector.shape_cast %broadcast_in_dim3A_1 : vector<16xf32> to vector<1x16xf32>
    tpu.vector_store %arg10[%swap3A_68, %swap3A_69], %swap3A_72 {strides = array<i32>} : memref<8x64xf32, #tpu.memory_space<vmem>>, vector<1x16xf32>,
    %swap3A_73 = arith.constant 3 : i32
    %swap3A_74 = arith.index_cast %swap3A_73 : i32 to index
    %swap3A_75 = arith.constant 0 : index
    %swap3A_76 = tpu.vector_load %arg10[%swap3A_74, %swap3A_75] {strides = array<i32>} : memref<8x64xf32, #tpu.memory_space<vmem>>, vector<1x16xf32>,
    %swap3A_77 = vector.shape_cast %swap3A_76 : vector<1x16xf32> to vector<16xf32>
    %swap3A_78 = vector.shape_cast %broadcast_in_dim3A_1 : vector<16xf32> to vector<1x16xf32>
    tpu.vector_store %arg10[%swap3A_74, %swap3A_75], %swap3A_78 {strides = array<i32>} : memref<8x64xf32, #tpu.memory_space<vmem>>, vector<1x16xf32>,
    %swap3A_79 = arith.constant 3 : i32
    %swap3A_80 = arith.index_cast %swap3A_79 : i32 to index
    %swap3A_81 = arith.constant 16 : index
    %swap3A_82 = tpu.vector_load %arg10[%swap3A_80, %swap3A_81] {strides = array<i32>} : memref<8x64xf32, #tpu.memory_space<vmem>>, vector<1x16xf32>,
    %swap3A_83 = vector.shape_cast %swap3A_82 : vector<1x16xf32> to vector<16xf32>
    %swap3A_84 = vector.shape_cast %broadcast_in_dim3A_1 : vector<16xf32> to vector<1x16xf32>
    tpu.vector_store %arg10[%swap3A_80, %swap3A_81], %swap3A_84 {strides = array<i32>} : memref<8x64xf32, #tpu.memory_space<vmem>>, vector<1x16xf32>,
    %swap3A_85 = arith.constant 3 : i32
    %swap3A_86 = arith.index_cast %swap3A_85 : i32 to index
    %swap3A_87 = arith.constant 32 : index
    %swap3A_88 = tpu.vector_load %arg10[%swap3A_86, %swap3A_87] {strides = array<i32>} : memref<8x64xf32, #tpu.memory_space<vmem>>, vector<1x16xf32>,
    %swap3A_89 = vector.shape_cast %swap3A_88 : vector<1x16xf32> to vector<16xf32>
    %swap3A_90 = vector.shape_cast %broadcast_in_dim3A_1 : vector<16xf32> to vector<1x16xf32>
    tpu.vector_store %arg10[%swap3A_86, %swap3A_87], %swap3A_90 {strides = array<i32>} : memref<8x64xf32, #tpu.memory_space<vmem>>, vector<1x16xf32>,
    %swap3A_91 = arith.constant 3 : i32
    %swap3A_92 = arith.index_cast %swap3A_91 : i32 to index
    %swap3A_93 = arith.constant 48 : index
    %swap3A_94 = tpu.vector_load %arg10[%swap3A_92, %swap3A_93] {strides = array<i32>} : memref<8x64xf32, #tpu.memory_space<vmem>>, vector<1x16xf32>,
    %swap3A_95 = vector.shape_cast %swap3A_94 : vector<1x16xf32> to vector<16xf32>
    %swap3A_96 = vector.shape_cast %broadcast_in_dim3A_1 : vector<16xf32> to vector<1x16xf32>
    tpu.vector_store %arg10[%swap3A_92, %swap3A_93], %swap3A_96 {strides = array<i32>} : memref<8x64xf32, #tpu.memory_space<vmem>>, vector<1x16xf32>,
    %swap3A_97 = arith.constant 4 : i32
    %swap3A_98 = arith.index_cast %swap3A_97 : i32 to index
    %swap3A_99 = arith.constant 0 : index
    %swap3A_100 = tpu.vector_load %arg10[%swap3A_98, %swap3A_99] {strides = array<i32>} : memref<8x64xf32, #tpu.memory_space<vmem>>, vector<1x16xf32>,
    %swap3A_101 = vector.shape_cast %swap3A_100 : vector<1x16xf32> to vector<16xf32>
    %swap3A_102 = vector.shape_cast %broadcast_in_dim3A_1 : vector<16xf32> to vector<1x16xf32>
    tpu.vector_store %arg10[%swap3A_98, %swap3A_99], %swap3A_102 {strides = array<i32>} : memref<8x64xf32, #tpu.memory_space<vmem>>, vector<1x16xf32>,
    %swap3A_103 = arith.constant 4 : i32
    %swap3A_104 = arith.index_cast %swap3A_103 : i32 to index
    %swap3A_105 = arith.constant 16 : index
    %swap3A_106 = tpu.vector_load %arg10[%swap3A_104, %swap3A_105] {strides = array<i32>} : memref<8x64xf32, #tpu.memory_space<vmem>>, vector<1x16xf32>,
    %swap3A_107 = vector.shape_cast %swap3A_106 : vector<1x16xf32> to vector<16xf32>
    %swap3A_108 = vector.shape_cast %broadcast_in_dim3A_1 : vector<16xf32> to vector<1x16xf32>
    tpu.vector_store %arg10[%swap3A_104, %swap3A_105], %swap3A_108 {strides = array<i32>} : memref<8x64xf32, #tpu.memory_space<vmem>>, vector<1x16xf32>,
    %swap3A_109 = arith.constant 4 : i32
    %swap3A_110 = arith.index_cast %swap3A_109 : i32 to index
    %swap3A_111 = arith.constant 32 : index
    %swap3A_112 = tpu.vector_load %arg10[%swap3A_110, %swap3A_111] {strides = array<i32>} : memref<8x64xf32, #tpu.memory_space<vmem>>, vector<1x16xf32>,
    %swap3A_113 = vector.shape_cast %swap3A_112 : vector<1x16xf32> to vector<16xf32>
    %swap3A_114 = vector.shape_cast %broadcast_in_dim3A_1 : vector<16xf32> to vector<1x16xf32>
    tpu.vector_store %arg10[%swap3A_110, %swap3A_111], %swap3A_114 {strides = array<i32>} : memref<8x64xf32, #tpu.memory_space<vmem>>, vector<1x16xf32>,
    %swap3A_115 = arith.constant 4 : i32
    %swap3A_116 = arith.index_cast %swap3A_115 : i32 to index
    %swap3A_117 = arith.constant 48 : index
    %swap3A_118 = tpu.vector_load %arg10[%swap3A_116, %swap3A_117] {strides = array<i32>} : memref<8x64xf32, #tpu.memory_space<vmem>>, vector<1x16xf32>,
    %swap3A_119 = vector.shape_cast %swap3A_118 : vector<1x16xf32> to vector<16xf32>
    %swap3A_120 = vector.shape_cast %broadcast_in_dim3A_1 : vector<16xf32> to vector<1x16xf32>
    tpu.vector_store %arg10[%swap3A_116, %swap3A_117], %swap3A_120 {strides = array<i32>} : memref<8x64xf32, #tpu.memory_space<vmem>>, vector<1x16xf32>,
    %swap3A_121 = arith.constant 5 : i32
    %swap3A_122 = arith.index_cast %swap3A_121 : i32 to index
    %swap3A_123 = arith.constant 0 : index
    %swap3A_124 = tpu.vector_load %arg10[%swap3A_122, %swap3A_123] {strides = array<i32>} : memref<8x64xf32, #tpu.memory_space<vmem>>, vector<1x16xf32>,
    %swap3A_125 = vector.shape_cast %swap3A_124 : vector<1x16xf32> to vector<16xf32>
    %swap3A_126 = vector.shape_cast %broadcast_in_dim3A_1 : vector<16xf32> to vector<1x16xf32>
    tpu.vector_store %arg10[%swap3A_122, %swap3A_123], %swap3A_126 {strides = array<i32>} : memref<8x64xf32, #tpu.memory_space<vmem>>, vector<1x16xf32>,
    %swap3A_127 = arith.constant 5 : i32
    %swap3A_128 = arith.index_cast %swap3A_127 : i32 to index
    %swap3A_129 = arith.constant 16 : index
    %swap3A_130 = tpu.vector_load %arg10[%swap3A_128, %swap3A_129] {strides = array<i32>} : memref<8x64xf32, #tpu.memory_space<vmem>>, vector<1x16xf32>,
    %swap3A_131 = vector.shape_cast %swap3A_130 : vector<1x16xf32> to vector<16xf32>
    %swap3A_132 = vector.shape_cast %broadcast_in_dim3A_1 : vector<16xf32> to vector<1x16xf32>
    tpu.vector_store %arg10[%swap3A_128, %swap3A_129], %swap3A_132 {strides = array<i32>} : memref<8x64xf32, #tpu.memory_space<vmem>>, vector<1x16xf32>,
    %swap3A_133 = arith.constant 5 : i32
    %swap3A_134 = arith.index_cast %swap3A_133 : i32 to index
    %swap3A_135 = arith.constant 32 : index
    %swap3A_136 = tpu.vector_load %arg10[%swap3A_134, %swap3A_135] {strides = array<i32>} : memref<8x64xf32, #tpu.memory_space<vmem>>, vector<1x16xf32>,
    %swap3A_137 = vector.shape_cast %swap3A_136 : vector<1x16xf32> to vector<16xf32>
    %swap3A_138 = vector.shape_cast %broadcast_in_dim3A_1 : vector<16xf32> to vector<1x16xf32>
    tpu.vector_store %arg10[%swap3A_134, %swap3A_135], %swap3A_138 {strides = array<i32>} : memref<8x64xf32, #tpu.memory_space<vmem>>, vector<1x16xf32>,
    %swap3A_139 = arith.constant 5 : i32
    %swap3A_140 = arith.index_cast %swap3A_139 : i32 to index
    %swap3A_141 = arith.constant 48 : index
    %swap3A_142 = tpu.vector_load %arg10[%swap3A_140, %swap3A_141] {strides = array<i32>} : memref<8x64xf32, #tpu.memory_space<vmem>>, vector<1x16xf32>,
    %swap3A_143 = vector.shape_cast %swap3A_142 : vector<1x16xf32> to vector<16xf32>
    %swap3A_144 = vector.shape_cast %broadcast_in_dim3A_1 : vector<16xf32> to vector<1x16xf32>
    tpu.vector_store %arg10[%swap3A_140, %swap3A_141], %swap3A_144 {strides = array<i32>} : memref<8x64xf32, #tpu.memory_space<vmem>>, vector<1x16xf32>,
    %swap3A_145 = arith.constant 6 : i32
    %swap3A_146 = arith.index_cast %swap3A_145 : i32 to index
    %swap3A_147 = arith.constant 0 : index
    %swap3A_148 = tpu.vector_load %arg10[%swap3A_146, %swap3A_147] {strides = array<i32>} : memref<8x64xf32, #tpu.memory_space<vmem>>, vector<1x16xf32>,
    %swap3A_149 = vector.shape_cast %swap3A_148 : vector<1x16xf32> to vector<16xf32>
    %swap3A_150 = vector.shape_cast %broadcast_in_dim3A_1 : vector<16xf32> to vector<1x16xf32>
    tpu.vector_store %arg10[%swap3A_146, %swap3A_147], %swap3A_150 {strides = array<i32>} : memref<8x64xf32, #tpu.memory_space<vmem>>, vector<1x16xf32>,
    %swap3A_151 = arith.constant 6 : i32
    %swap3A_152 = arith.index_cast %swap3A_151 : i32 to index
    %swap3A_153 = arith.constant 16 : index
    %swap3A_154 = tpu.vector_load %arg10[%swap3A_152, %swap3A_153] {strides = array<i32>} : memref<8x64xf32, #tpu.memory_space<vmem>>, vector<1x16xf32>,
    %swap3A_155 = vector.shape_cast %swap3A_154 : vector<1x16xf32> to vector<16xf32>
    %swap3A_156 = vector.shape_cast %broadcast_in_dim3A_1 : vector<16xf32> to vector<1x16xf32>
    tpu.vector_store %arg10[%swap3A_152, %swap3A_153], %swap3A_156 {strides = array<i32>} : memref<8x64xf32, #tpu.memory_space<vmem>>, vector<1x16xf32>,
    %swap3A_157 = arith.constant 6 : i32
    %swap3A_158 = arith.index_cast %swap3A_157 : i32 to index
    %swap3A_159 = arith.constant 32 : index
    %swap3A_160 = tpu.vector_load %arg10[%swap3A_158, %swap3A_159] {strides = array<i32>} : memref<8x64xf32, #tpu.memory_space<vmem>>, vector<1x16xf32>,
    %swap3A_161 = vector.shape_cast %swap3A_160 : vector<1x16xf32> to vector<16xf32>
    %swap3A_162 = vector.shape_cast %broadcast_in_dim3A_1 : vector<16xf32> to vector<1x16xf32>
    tpu.vector_store %arg10[%swap3A_158, %swap3A_159], %swap3A_162 {strides = array<i32>} : memref<8x64xf32, #tpu.memory_space<vmem>>, vector<1x16xf32>,
    %swap3A_163 = arith.constant 6 : i32
    %swap3A_164 = arith.index_cast %swap3A_163 : i32 to index
    %swap3A_165 = arith.constant 48 : index
    %swap3A_166 = tpu.vector_load %arg10[%swap3A_164, %swap3A_165] {strides = array<i32>} : memref<8x64xf32, #tpu.memory_space<vmem>>, vector<1x16xf32>,
    %swap3A_167 = vector.shape_cast %swap3A_166 : vector<1x16xf32> to vector<16xf32>
    %swap3A_168 = vector.shape_cast %broadcast_in_dim3A_1 : vector<16xf32> to vector<1x16xf32>
    tpu.vector_store %arg10[%swap3A_164, %swap3A_165], %swap3A_168 {strides = array<i32>} : memref<8x64xf32, #tpu.memory_space<vmem>>, vector<1x16xf32>,
    %swap3A_169 = arith.constant 7 : i32
    %swap3A_170 = arith.index_cast %swap3A_169 : i32 to index
    %swap3A_171 = arith.constant 0 : index
    %swap3A_172 = tpu.vector_load %arg10[%swap3A_170, %swap3A_171] {strides = array<i32>} : memref<8x64xf32, #tpu.memory_space<vmem>>, vector<1x16xf32>,
    %swap3A_173 = vector.shape_cast %swap3A_172 : vector<1x16xf32> to vector<16xf32>
    %swap3A_174 = vector.shape_cast %broadcast_in_dim3A_1 : vector<16xf32> to vector<1x16xf32>
    tpu.vector_store %arg10[%swap3A_170, %swap3A_171], %swap3A_174 {strides = array<i32>} : memref<8x64xf32, #tpu.memory_space<vmem>>, vector<1x16xf32>,
    %swap3A_175 = arith.constant 7 : i32
    %swap3A_176 = arith.index_cast %swap3A_175 : i32 to index
    %swap3A_177 = arith.constant 16 : index
    %swap3A_178 = tpu.vector_load %arg10[%swap3A_176, %swap3A_177] {strides = array<i32>} : memref<8x64xf32, #tpu.memory_space<vmem>>, vector<1x16xf32>,
    %swap3A_179 = vector.shape_cast %swap3A_178 : vector<1x16xf32> to vector<16xf32>
    %swap3A_180 = vector.shape_cast %broadcast_in_dim3A_1 : vector<16xf32> to vector<1x16xf32>
    tpu.vector_store %arg10[%swap3A_176, %swap3A_177], %swap3A_180 {strides = array<i32>} : memref<8x64xf32, #tpu.memory_space<vmem>>, vector<1x16xf32>,
    %swap3A_181 = arith.constant 7 : i32
    %swap3A_182 = arith.index_cast %swap3A_181 : i32 to index
    %swap3A_183 = arith.constant 32 : index
    %swap3A_184 = tpu.vector_load %arg10[%swap3A_182, %swap3A_183] {strides = array<i32>} : memref<8x64xf32, #tpu.memory_space<vmem>>, vector<1x16xf32>,
    %swap3A_185 = vector.shape_cast %swap3A_184 : vector<1x16xf32> to vector<16xf32>
    %swap3A_186 = vector.shape_cast %broadcast_in_dim3A_1 : vector<16xf32> to vector<1x16xf32>
    tpu.vector_store %arg10[%swap3A_182, %swap3A_183], %swap3A_186 {strides = array<i32>} : memref<8x64xf32, #tpu.memory_space<vmem>>, vector<1x16xf32>,
    %swap3A_187 = arith.constant 7 : i32
    %swap3A_188 = arith.index_cast %swap3A_187 : i32 to index
    %swap3A_189 = arith.constant 48 : index
    %swap3A_190 = tpu.vector_load %arg10[%swap3A_188, %swap3A_189] {strides = array<i32>} : memref<8x64xf32, #tpu.memory_space<vmem>>, vector<1x16xf32>,
    %swap3A_191 = vector.shape_cast %swap3A_190 : vector<1x16xf32> to vector<16xf32>
    %swap3A_192 = vector.shape_cast %broadcast_in_dim3A_1 : vector<16xf32> to vector<1x16xf32>
    tpu.vector_store %arg10[%swap3A_188, %swap3A_189], %swap3A_192 {strides = array<i32>} : memref<8x64xf32, #tpu.memory_space<vmem>>, vector<1x16xf32>,
    %mul3A_193 = arith.constant 632 : i32
    %mul3A_194 = arith.muli %arg1, %mul3A_193 : i32
    %scan3A = arith.constant 0 : i32
    %scan3A_195 = arith.constant 79 : i32
    %scan3A_196 = arith.addi %scan3A, %scan3A_195 : i32
    %scan3A_197 = arith.constant 1 : i32
    scf.for %scan3A_221 = %scan3A to %scan3A_196 step %scan3A_197  : i32 {
      %mul3A_222 = arith.constant 8 : i32
      %mul3A_223 = arith.muli %scan3A_221, %mul3A_222 : i32
      %add3A_224 = arith.addi %mul3A_194, %mul3A_223 : i32
      "tpu.region"() ({
        %run_scoped3A_225 = tpu.sem_alloc : memref<!tpu.dma_semaphore, #tpu.memory_space<semaphore_mem>>
        %dma_start3A_226 = arith.constant 0 : i32
        %dma_start3A_227 = tpu.memref_slice %arg11[%add3A_224, %dma_start3A_226] : memref<10112x64xf32, #tpu.memory_space<vmem_shared>> -> memref<8x64xf32, #tpu.memory_space<vmem_shared>>
        %dma_start3A_228 = arith.constant 0 : i32
        %dma_start3A_229 = tpu.memref_slice %arg11[%add3A_224, %dma_start3A_228] : memref<10112x64xf32, #tpu.memory_space<vmem_shared>> -> memref<8x64xf32, #tpu.memory_space<vmem_shared>>
        tpu.enqueue_dma source(%arg10 : memref<8x64xf32, #tpu.memory_space<vmem>>) target(%dma_start3A_229 : memref<8x64xf32, #tpu.memory_space<vmem_shared>>) target_semaphore(%run_scoped3A_225 : memref<!tpu.dma_semaphore, #tpu.memory_space<semaphore_mem>>)
        %dma_wait3A_230 = arith.constant 0 : i32
        %dma_wait3A_231 = tpu.memref_slice %arg11[%add3A_224, %dma_wait3A_230] : memref<10112x64xf32, #tpu.memory_space<vmem_shared>> -> memref<8x64xf32, #tpu.memory_space<vmem_shared>>
        %dma_wait3A_232 = arith.constant 0 : i32
        %dma_wait3A_233 = tpu.memref_slice %arg11[%add3A_224, %dma_wait3A_232] : memref<10112x64xf32, #tpu.memory_space<vmem_shared>> -> memref<8x64xf32, #tpu.memory_space<vmem_shared>>
        tpu.wait_dma2 semaphore(%run_scoped3A_225 : memref<!tpu.dma_semaphore, #tpu.memory_space<semaphore_mem>>) src(%arg10 : memref<8x64xf32, #tpu.memory_space<vmem>>) dst(%dma_wait3A_233 : memref<8x64xf32, #tpu.memory_space<vmem_shared>>)
        tpu.yield
      }) : () -> ()
    }
    %scan3A_198 = arith.constant 79 : i32
    "tpu.region"() ({
      %run_scoped3A_221 = tpu.sem_alloc : memref<!tpu.dma_semaphore, #tpu.memory_space<semaphore_mem>>
      %dma_start3A_222 = arith.constant 0 : i32
      %dma_start3A_223 = arith.constant 0 : i32
      %dma_start3A_224 = tpu.memref_slice %arg3[%add3A, %dma_start3A_222, %dma_start3A_223] : memref<32x79x128xi32, #tpu.memory_space<hbm>> -> memref<1x79x128xi32, #tpu.memory_space<hbm>>
      %dma_start3A_225 = tpu.memref_squeeze %dma_start3A_224 : memref<1x79x128xi32, #tpu.memory_space<hbm>> -> memref<79x128xi32, #tpu.memory_space<hbm>>
      %dma_start3A_226 = arith.constant 0 : i32
      %dma_start3A_227 = arith.constant 0 : i32
      %dma_start3A_228 = tpu.memref_slice %arg3[%add3A, %dma_start3A_226, %dma_start3A_227] : memref<32x79x128xi32, #tpu.memory_space<hbm>> -> memref<1x79x128xi32, #tpu.memory_space<hbm>>
      %dma_start3A_229 = tpu.memref_squeeze %dma_start3A_228 : memref<1x79x128xi32, #tpu.memory_space<hbm>> -> memref<79x128xi32, #tpu.memory_space<hbm>>
      tpu.enqueue_dma source(%dma_start3A_229 : memref<79x128xi32, #tpu.memory_space<hbm>>) target(%arg6 : memref<79x128xi32, #tpu.memory_space<vmem>>) target_semaphore(%run_scoped3A_221 : memref<!tpu.dma_semaphore, #tpu.memory_space<semaphore_mem>>)
      %dma_wait3A_230 = arith.constant 0 : i32
      %dma_wait3A_231 = arith.constant 0 : i32
      %dma_wait3A_232 = tpu.memref_slice %arg3[%add3A, %dma_wait3A_230, %dma_wait3A_231] : memref<32x79x128xi32, #tpu.memory_space<hbm>> -> memref<1x79x128xi32, #tpu.memory_space<hbm>>
      %dma_wait3A_233 = tpu.memref_squeeze %dma_wait3A_232 : memref<1x79x128xi32, #tpu.memory_space<hbm>> -> memref<79x128xi32, #tpu.memory_space<hbm>>
      %dma_wait3A_234 = arith.constant 0 : i32
      %dma_wait3A_235 = arith.constant 0 : i32
      %dma_wait3A_236 = tpu.memref_slice %arg3[%add3A, %dma_wait3A_234, %dma_wait3A_235] : memref<32x79x128xi32, #tpu.memory_space<hbm>> -> memref<1x79x128xi32, #tpu.memory_space<hbm>>
      %dma_wait3A_237 = tpu.memref_squeeze %dma_wait3A_236 : memref<1x79x128xi32, #tpu.memory_space<hbm>> -> memref<79x128xi32, #tpu.memory_space<hbm>>
      tpu.wait_dma2 semaphore(%run_scoped3A_221 : memref<!tpu.dma_semaphore, #tpu.memory_space<semaphore_mem>>) src(%dma_wait3A_237 : memref<79x128xi32, #tpu.memory_space<hbm>>) dst(%arg6 : memref<79x128xi32, #tpu.memory_space<vmem>>)
      tpu.yield
    }) : () -> ()
    "tpu.region"() ({
      %run_scoped3A_221 = tpu.sem_alloc : memref<!tpu.dma_semaphore, #tpu.memory_space<semaphore_mem>>
      %dma_start3A_222 = arith.constant 0 : i32
      %dma_start3A_223 = arith.constant 0 : i32
      %dma_start3A_224 = tpu.memref_slice %arg4[%add3A, %dma_start3A_222, %dma_start3A_223] : memref<32x79x128xi32, #tpu.memory_space<hbm>> -> memref<1x79x128xi32, #tpu.memory_space<hbm>>
      %dma_start3A_225 = tpu.memref_squeeze %dma_start3A_224 : memref<1x79x128xi32, #tpu.memory_space<hbm>> -> memref<79x128xi32, #tpu.memory_space<hbm>>
      %dma_start3A_226 = arith.constant 0 : i32
      %dma_start3A_227 = arith.constant 0 : i32
      %dma_start3A_228 = tpu.memref_slice %arg4[%add3A, %dma_start3A_226, %dma_start3A_227] : memref<32x79x128xi32, #tpu.memory_space<hbm>> -> memref<1x79x128xi32, #tpu.memory_space<hbm>>
      %dma_start3A_229 = tpu.memref_squeeze %dma_start3A_228 : memref<1x79x128xi32, #tpu.memory_space<hbm>> -> memref<79x128xi32, #tpu.memory_space<hbm>>
      tpu.enqueue_dma source(%dma_start3A_229 : memref<79x128xi32, #tpu.memory_space<hbm>>) target(%arg7 : memref<79x128xi32, #tpu.memory_space<vmem>>) target_semaphore(%run_scoped3A_221 : memref<!tpu.dma_semaphore, #tpu.memory_space<semaphore_mem>>)
      %dma_wait3A_230 = arith.constant 0 : i32
      %dma_wait3A_231 = arith.constant 0 : i32
      %dma_wait3A_232 = tpu.memref_slice %arg4[%add3A, %dma_wait3A_230, %dma_wait3A_231] : memref<32x79x128xi32, #tpu.memory_space<hbm>> -> memref<1x79x128xi32, #tpu.memory_space<hbm>>
      %dma_wait3A_233 = tpu.memref_squeeze %dma_wait3A_232 : memref<1x79x128xi32, #tpu.memory_space<hbm>> -> memref<79x128xi32, #tpu.memory_space<hbm>>
      %dma_wait3A_234 = arith.constant 0 : i32
      %dma_wait3A_235 = arith.constant 0 : i32
      %dma_wait3A_236 = tpu.memref_slice %arg4[%add3A, %dma_wait3A_234, %dma_wait3A_235] : memref<32x79x128xi32, #tpu.memory_space<hbm>> -> memref<1x79x128xi32, #tpu.memory_space<hbm>>
      %dma_wait3A_237 = tpu.memref_squeeze %dma_wait3A_236 : memref<1x79x128xi32, #tpu.memory_space<hbm>> -> memref<79x128xi32, #tpu.memory_space<hbm>>
      tpu.wait_dma2 semaphore(%run_scoped3A_221 : memref<!tpu.dma_semaphore, #tpu.memory_space<semaphore_mem>>) src(%dma_wait3A_237 : memref<79x128xi32, #tpu.memory_space<hbm>>) dst(%arg7 : memref<79x128xi32, #tpu.memory_space<vmem>>)
      tpu.yield
    }) : () -> ()
    %barrier3A = arith.constant 0 : index
    tpu.barrier barrier_id(%barrier3A)
    %scan3A_199 = arith.constant 0 : i32
    %scan3A_200 = arith.constant 39 : i32
    %scan3A_201 = arith.addi %scan3A_199, %scan3A_200 : i32
    %scan3A_202 = arith.constant 1 : i32
    scf.for %scan3A_221 = %scan3A_199 to %scan3A_201 step %scan3A_202  : i32 {
      %mul3A_222 = arith.constant 2 : i32
      %mul3A_223 = arith.muli %mul3A_222, %scan3A_221 : i32
      %add3A_224 = arith.constant 1 : i32
      %add3A_225 = arith.addi %mul3A_223, %add3A_224 : i32
      %dma_start3A_226 = arith.constant 0 : i32
      %dma_start3A_227 = tpu.memref_slice %arg6[%mul3A_223, %dma_start3A_226] : memref<79x128xi32, #tpu.memory_space<vmem>> -> memref<1x128xi32, #tpu.memory_space<vmem>>
      %dma_start3A_228 = tpu.memref_squeeze %dma_start3A_227 : memref<1x128xi32, #tpu.memory_space<vmem>> -> memref<128xi32, #tpu.memory_space<vmem>>
      %dma_start3A_229 = arith.constant 0 : i32
      %dma_start3A_230 = arith.constant 0 : i32
      %dma_start3A_231 = tpu.memref_slice %arg2[%dma_start3A_229, %dma_start3A_230] : memref<10000x64xf32, #tpu.memory_space<hbm>> -> memref<10000x64xf32, #tpu.memory_space<hbm>>
      tpu.enqueue_indirect_dma source(%dma_start3A_231 : memref<10000x64xf32, #tpu.memory_space<hbm>>) target(%arg8 : memref<128x64xf32, #tpu.memory_space<vmem>>) offsets(%dma_start3A_228 : memref<128xi32, #tpu.memory_space<vmem>>) semaphore(%arg12 : memref<!tpu.dma_semaphore, #tpu.memory_space<semaphore_mem>>)
      %dma_start3A_232 = arith.constant 0 : i32
      %dma_start3A_233 = tpu.memref_slice %arg6[%add3A_225, %dma_start3A_232] : memref<79x128xi32, #tpu.memory_space<vmem>> -> memref<1x128xi32, #tpu.memory_space<vmem>>
      %dma_start3A_234 = tpu.memref_squeeze %dma_start3A_233 : memref<1x128xi32, #tpu.memory_space<vmem>> -> memref<128xi32, #tpu.memory_space<vmem>>
      %dma_start3A_235 = arith.constant 0 : i32
      %dma_start3A_236 = arith.constant 0 : i32
      %dma_start3A_237 = tpu.memref_slice %arg2[%dma_start3A_235, %dma_start3A_236] : memref<10000x64xf32, #tpu.memory_space<hbm>> -> memref<10000x64xf32, #tpu.memory_space<hbm>>
      tpu.enqueue_indirect_dma source(%dma_start3A_237 : memref<10000x64xf32, #tpu.memory_space<hbm>>) target(%arg9 : memref<128x64xf32, #tpu.memory_space<vmem>>) offsets(%dma_start3A_234 : memref<128xi32, #tpu.memory_space<vmem>>) semaphore(%arg13 : memref<!tpu.dma_semaphore, #tpu.memory_space<semaphore_mem>>)
      %dma_wait3A_238 = arith.constant 0 : i32
      %dma_wait3A_239 = tpu.memref_slice %arg6[%mul3A_223, %dma_wait3A_238] : memref<79x128xi32, #tpu.memory_space<vmem>> -> memref<1x128xi32, #tpu.memory_space<vmem>>
      %dma_wait3A_240 = tpu.memref_squeeze %dma_wait3A_239 : memref<1x128xi32, #tpu.memory_space<vmem>> -> memref<128xi32, #tpu.memory_space<vmem>>
      %dma_wait3A_241 = arith.constant 0 : i32
      %dma_wait3A_242 = arith.constant 0 : i32
      %dma_wait3A_243 = tpu.memref_slice %arg2[%dma_wait3A_241, %dma_wait3A_242] : memref<10000x64xf32, #tpu.memory_space<hbm>> -> memref<10000x64xf32, #tpu.memory_space<hbm>>
      tpu.wait_indirect_dma semaphore(%arg12 : memref<!tpu.dma_semaphore, #tpu.memory_space<semaphore_mem>>) src(%dma_wait3A_243 : memref<10000x64xf32, #tpu.memory_space<hbm>>) dst(%arg8 : memref<128x64xf32, #tpu.memory_space<vmem>>)
      "tpu.region"() ({
        %run_scoped3A_250 = tpu.sem_alloc : memref<!tpu.dma_semaphore, #tpu.memory_space<semaphore_mem>>
        %dma_start3A_251 = arith.constant 0 : i32
        %dma_start3A_252 = tpu.memref_slice %arg7[%mul3A_223, %dma_start3A_251] : memref<79x128xi32, #tpu.memory_space<vmem>> -> memref<1x128xi32, #tpu.memory_space<vmem>>
        %dma_start3A_253 = tpu.memref_squeeze %dma_start3A_252 : memref<1x128xi32, #tpu.memory_space<vmem>> -> memref<128xi32, #tpu.memory_space<vmem>>
        %dma_start3A_254 = arith.constant 0 : i32
        %dma_start3A_255 = arith.constant 0 : i32
        %dma_start3A_256 = tpu.memref_slice %arg11[%dma_start3A_254, %dma_start3A_255] : memref<10112x64xf32, #tpu.memory_space<vmem_shared>> -> memref<10112x64xf32, #tpu.memory_space<vmem_shared>>
        tpu.enqueue_indirect_dma source(%arg8 : memref<128x64xf32, #tpu.memory_space<vmem>>) target(%dma_start3A_256 : memref<10112x64xf32, #tpu.memory_space<vmem_shared>>) offsets(%dma_start3A_253 : memref<128xi32, #tpu.memory_space<vmem>>) semaphore(%run_scoped3A_250 : memref<!tpu.dma_semaphore, #tpu.memory_space<semaphore_mem>>) {add = true}
        %dma_wait3A_257 = arith.constant 0 : i32
        %dma_wait3A_258 = tpu.memref_slice %arg7[%mul3A_223, %dma_wait3A_257] : memref<79x128xi32, #tpu.memory_space<vmem>> -> memref<1x128xi32, #tpu.memory_space<vmem>>
        %dma_wait3A_259 = tpu.memref_squeeze %dma_wait3A_258 : memref<1x128xi32, #tpu.memory_space<vmem>> -> memref<128xi32, #tpu.memory_space<vmem>>
        %dma_wait3A_260 = arith.constant 0 : i32
        %dma_wait3A_261 = arith.constant 0 : i32
        %dma_wait3A_262 = tpu.memref_slice %arg11[%dma_wait3A_260, %dma_wait3A_261] : memref<10112x64xf32, #tpu.memory_space<vmem_shared>> -> memref<10112x64xf32, #tpu.memory_space<vmem_shared>>
        tpu.wait_indirect_dma semaphore(%run_scoped3A_250 : memref<!tpu.dma_semaphore, #tpu.memory_space<semaphore_mem>>) src(%arg8 : memref<128x64xf32, #tpu.memory_space<vmem>>) dst(%dma_wait3A_262 : memref<10112x64xf32, #tpu.memory_space<vmem_shared>>)
        tpu.yield
      }) : () -> ()
      %dma_wait3A_244 = arith.constant 0 : i32
      %dma_wait3A_245 = tpu.memref_slice %arg6[%add3A_225, %dma_wait3A_244] : memref<79x128xi32, #tpu.memory_space<vmem>> -> memref<1x128xi32, #tpu.memory_space<vmem>>
      %dma_wait3A_246 = tpu.memref_squeeze %dma_wait3A_245 : memref<1x128xi32, #tpu.memory_space<vmem>> -> memref<128xi32, #tpu.memory_space<vmem>>
      %dma_wait3A_247 = arith.constant 0 : i32
      %dma_wait3A_248 = arith.constant 0 : i32
      %dma_wait3A_249 = tpu.memref_slice %arg2[%dma_wait3A_247, %dma_wait3A_248] : memref<10000x64xf32, #tpu.memory_space<hbm>> -> memref<10000x64xf32, #tpu.memory_space<hbm>>
      tpu.wait_indirect_dma semaphore(%arg13 : memref<!tpu.dma_semaphore, #tpu.memory_space<semaphore_mem>>) src(%dma_wait3A_249 : memref<10000x64xf32, #tpu.memory_space<hbm>>) dst(%arg9 : memref<128x64xf32, #tpu.memory_space<vmem>>)
      "tpu.region"() ({
        %run_scoped3A_250 = tpu.sem_alloc : memref<!tpu.dma_semaphore, #tpu.memory_space<semaphore_mem>>
        %dma_start3A_251 = arith.constant 0 : i32
        %dma_start3A_252 = tpu.memref_slice %arg7[%add3A_225, %dma_start3A_251] : memref<79x128xi32, #tpu.memory_space<vmem>> -> memref<1x128xi32, #tpu.memory_space<vmem>>
        %dma_start3A_253 = tpu.memref_squeeze %dma_start3A_252 : memref<1x128xi32, #tpu.memory_space<vmem>> -> memref<128xi32, #tpu.memory_space<vmem>>
        %dma_start3A_254 = arith.constant 0 : i32
        %dma_start3A_255 = arith.constant 0 : i32
        %dma_start3A_256 = tpu.memref_slice %arg11[%dma_start3A_254, %dma_start3A_255] : memref<10112x64xf32, #tpu.memory_space<vmem_shared>> -> memref<10112x64xf32, #tpu.memory_space<vmem_shared>>
        tpu.enqueue_indirect_dma source(%arg9 : memref<128x64xf32, #tpu.memory_space<vmem>>) target(%dma_start3A_256 : memref<10112x64xf32, #tpu.memory_space<vmem_shared>>) offsets(%dma_start3A_253 : memref<128xi32, #tpu.memory_space<vmem>>) semaphore(%run_scoped3A_250 : memref<!tpu.dma_semaphore, #tpu.memory_space<semaphore_mem>>) {add = true}
        %dma_wait3A_257 = arith.constant 0 : i32
        %dma_wait3A_258 = tpu.memref_slice %arg7[%add3A_225, %dma_wait3A_257] : memref<79x128xi32, #tpu.memory_space<vmem>> -> memref<1x128xi32, #tpu.memory_space<vmem>>
        %dma_wait3A_259 = tpu.memref_squeeze %dma_wait3A_258 : memref<1x128xi32, #tpu.memory_space<vmem>> -> memref<128xi32, #tpu.memory_space<vmem>>
        %dma_wait3A_260 = arith.constant 0 : i32
        %dma_wait3A_261 = arith.constant 0 : i32
        %dma_wait3A_262 = tpu.memref_slice %arg11[%dma_wait3A_260, %dma_wait3A_261] : memref<10112x64xf32, #tpu.memory_space<vmem_shared>> -> memref<10112x64xf32, #tpu.memory_space<vmem_shared>>
        tpu.wait_indirect_dma semaphore(%run_scoped3A_250 : memref<!tpu.dma_semaphore, #tpu.memory_space<semaphore_mem>>) src(%arg9 : memref<128x64xf32, #tpu.memory_space<vmem>>) dst(%dma_wait3A_262 : memref<10112x64xf32, #tpu.memory_space<vmem_shared>>)
        tpu.yield
      }) : () -> ()
    }
    %scan3A_203 = arith.constant 39 : i32
    %dma_start3A = arith.constant 78 : i32
    %dma_start3A_204 = arith.constant 0 : i32
    %dma_start3A_205 = tpu.memref_slice %arg6[%dma_start3A, %dma_start3A_204] : memref<79x128xi32, #tpu.memory_space<vmem>> -> memref<1x128xi32, #tpu.memory_space<vmem>>
    %dma_start3A_206 = tpu.memref_squeeze %dma_start3A_205 : memref<1x128xi32, #tpu.memory_space<vmem>> -> memref<128xi32, #tpu.memory_space<vmem>>
    %dma_start3A_207 = arith.constant 0 : i32
    %dma_start3A_208 = arith.constant 0 : i32
    %dma_start3A_209 = tpu.memref_slice %arg2[%dma_start3A_207, %dma_start3A_208] : memref<10000x64xf32, #tpu.memory_space<hbm>> -> memref<10000x64xf32, #tpu.memory_space<hbm>>
    tpu.enqueue_indirect_dma source(%dma_start3A_209 : memref<10000x64xf32, #tpu.memory_space<hbm>>) target(%arg8 : memref<128x64xf32, #tpu.memory_space<vmem>>) offsets(%dma_start3A_206 : memref<128xi32, #tpu.memory_space<vmem>>) semaphore(%arg12 : memref<!tpu.dma_semaphore, #tpu.memory_space<semaphore_mem>>)
    %dma_wait3A = arith.constant 78 : i32
    %dma_wait3A_210 = arith.constant 0 : i32
    %dma_wait3A_211 = tpu.memref_slice %arg6[%dma_wait3A, %dma_wait3A_210] : memref<79x128xi32, #tpu.memory_space<vmem>> -> memref<1x128xi32, #tpu.memory_space<vmem>>
    %dma_wait3A_212 = tpu.memref_squeeze %dma_wait3A_211 : memref<1x128xi32, #tpu.memory_space<vmem>> -> memref<128xi32, #tpu.memory_space<vmem>>
    %dma_wait3A_213 = arith.constant 0 : i32
    %dma_wait3A_214 = arith.constant 0 : i32
    %dma_wait3A_215 = tpu.memref_slice %arg2[%dma_wait3A_213, %dma_wait3A_214] : memref<10000x64xf32, #tpu.memory_space<hbm>> -> memref<10000x64xf32, #tpu.memory_space<hbm>>
    tpu.wait_indirect_dma semaphore(%arg12 : memref<!tpu.dma_semaphore, #tpu.memory_space<semaphore_mem>>) src(%dma_wait3A_215 : memref<10000x64xf32, #tpu.memory_space<hbm>>) dst(%arg8 : memref<128x64xf32, #tpu.memory_space<vmem>>)
    %run_scoped3A = arith.constant 78 : i32
    "tpu.region"() ({
      %run_scoped3A_221 = tpu.sem_alloc : memref<!tpu.dma_semaphore, #tpu.memory_space<semaphore_mem>>
      %dma_start3A_222 = arith.constant 0 : i32
      %dma_start3A_223 = tpu.memref_slice %arg7[%run_scoped3A, %dma_start3A_222] : memref<79x128xi32, #tpu.memory_space<vmem>> -> memref<1x128xi32, #tpu.memory_space<vmem>>
      %dma_start3A_224 = tpu.memref_squeeze %dma_start3A_223 : memref<1x128xi32, #tpu.memory_space<vmem>> -> memref<128xi32, #tpu.memory_space<vmem>>
      %dma_start3A_225 = arith.constant 0 : i32
      %dma_start3A_226 = arith.constant 0 : i32
      %dma_start3A_227 = tpu.memref_slice %arg11[%dma_start3A_225, %dma_start3A_226] : memref<10112x64xf32, #tpu.memory_space<vmem_shared>> -> memref<10112x64xf32, #tpu.memory_space<vmem_shared>>
      tpu.enqueue_indirect_dma source(%arg8 : memref<128x64xf32, #tpu.memory_space<vmem>>) target(%dma_start3A_227 : memref<10112x64xf32, #tpu.memory_space<vmem_shared>>) offsets(%dma_start3A_224 : memref<128xi32, #tpu.memory_space<vmem>>) semaphore(%run_scoped3A_221 : memref<!tpu.dma_semaphore, #tpu.memory_space<semaphore_mem>>) {add = true}
      %dma_wait3A_228 = arith.constant 0 : i32
      %dma_wait3A_229 = tpu.memref_slice %arg7[%run_scoped3A, %dma_wait3A_228] : memref<79x128xi32, #tpu.memory_space<vmem>> -> memref<1x128xi32, #tpu.memory_space<vmem>>
      %dma_wait3A_230 = tpu.memref_squeeze %dma_wait3A_229 : memref<1x128xi32, #tpu.memory_space<vmem>> -> memref<128xi32, #tpu.memory_space<vmem>>
      %dma_wait3A_231 = arith.constant 0 : i32
      %dma_wait3A_232 = arith.constant 0 : i32
      %dma_wait3A_233 = tpu.memref_slice %arg11[%dma_wait3A_231, %dma_wait3A_232] : memref<10112x64xf32, #tpu.memory_space<vmem_shared>> -> memref<10112x64xf32, #tpu.memory_space<vmem_shared>>
      tpu.wait_indirect_dma semaphore(%run_scoped3A_221 : memref<!tpu.dma_semaphore, #tpu.memory_space<semaphore_mem>>) src(%arg8 : memref<128x64xf32, #tpu.memory_space<vmem>>) dst(%dma_wait3A_233 : memref<10112x64xf32, #tpu.memory_space<vmem_shared>>)
      tpu.yield
    }) : () -> ()
    %barrier3A_216 = arith.constant 0 : index
    tpu.barrier barrier_id(%barrier3A_216)
    %mul3A_217 = arith.constant 632 : i32
    %mul3A_218 = arith.muli %arg1, %mul3A_217 : i32
    %mul3A_219 = arith.constant 632 : i32
    %mul3A_220 = arith.muli %arg1, %mul3A_219 : i32
    "tpu.region"() ({
      %run_scoped3A_221 = tpu.sem_alloc : memref<!tpu.dma_semaphore, #tpu.memory_space<semaphore_mem>>
      %dma_start3A_222 = arith.constant 0 : i32
      %dma_start3A_223 = tpu.memref_slice %arg5[%arg0, %mul3A_220, %dma_start3A_222] : memref<2x10112x64xf32, #tpu.memory_space<hbm>> -> memref<1x632x64xf32, #tpu.memory_space<hbm>>
      %dma_start3A_224 = tpu.memref_squeeze %dma_start3A_223 : memref<1x632x64xf32, #tpu.memory_space<hbm>> -> memref<632x64xf32, #tpu.memory_space<hbm>>
      %dma_start3A_225 = arith.constant 0 : i32
      %dma_start3A_226 = tpu.memref_slice %arg11[%mul3A_218, %dma_start3A_225] : memref<10112x64xf32, #tpu.memory_space<vmem_shared>> -> memref<632x64xf32, #tpu.memory_space<vmem_shared>>
      tpu.enqueue_dma source(%dma_start3A_226 : memref<632x64xf32, #tpu.memory_space<vmem_shared>>) target(%dma_start3A_224 : memref<632x64xf32, #tpu.memory_space<hbm>>) target_semaphore(%run_scoped3A_221 : memref<!tpu.dma_semaphore, #tpu.memory_space<semaphore_mem>>)
      %dma_wait3A_227 = arith.constant 0 : i32
      %dma_wait3A_228 = tpu.memref_slice %arg5[%arg0, %mul3A_220, %dma_wait3A_227] : memref<2x10112x64xf32, #tpu.memory_space<hbm>> -> memref<1x632x64xf32, #tpu.memory_space<hbm>>
      %dma_wait3A_229 = tpu.memref_squeeze %dma_wait3A_228 : memref<1x632x64xf32, #tpu.memory_space<hbm>> -> memref<632x64xf32, #tpu.memory_space<hbm>>
      %dma_wait3A_230 = arith.constant 0 : i32
      %dma_wait3A_231 = tpu.memref_slice %arg11[%mul3A_218, %dma_wait3A_230] : memref<10112x64xf32, #tpu.memory_space<vmem_shared>> -> memref<632x64xf32, #tpu.memory_space<vmem_shared>>
      tpu.wait_dma2 semaphore(%run_scoped3A_221 : memref<!tpu.dma_semaphore, #tpu.memory_space<semaphore_mem>>) src(%dma_wait3A_231 : memref<632x64xf32, #tpu.memory_space<vmem_shared>>) dst(%dma_wait3A_229 : memref<632x64xf32, #tpu.memory_space<hbm>>)
      tpu.yield
    }) : () -> ()
    return
  }
}

#map = affine_map<(d0, d1) -> (0, 0, 0)>
module attributes {stable_mosaic.version = 14 : i64} {
  func.func @deg_kernel(%arg0: i32, %arg1: i32, %arg2: memref<32x79x128xi32, #tpu.memory_space<hbm>>, %arg3: memref<2x10112x16xf32, #tpu.memory_space<hbm>>, %arg4: memref<79x128xi32, #tpu.memory_space<vmem>>, %arg5: memref<128x16xf32, #tpu.memory_space<vmem>>, %arg6: memref<8x16xf32, #tpu.memory_space<vmem>>, %arg7: memref<10112x16xf32, #tpu.memory_space<vmem_shared>>) attributes {dimension_semantics = [#tpu.dimension_semantics<core_parallel>, #tpu.dimension_semantics<subcore_parallel>], iteration_bounds = array<i64: 2, 16>, scalar_prefetch = 0 : i64, scratch_operands = 4 : i64, tpu.core_type = #tpu.core_type<sc_vector_subcore>, window_params = [{transform_indices = #map}, {transform_indices = #map}]} {
    %mul3A = arith.constant 16 : i32
    %mul3A_0 = arith.muli %arg0, %mul3A : i32
    %add3A = arith.addi %mul3A_0, %arg1 : i32
    %broadcast_in_dim3A = arith.constant 0.000000e+00 : f32
    %broadcast_in_dim3A_1 = vector.broadcast %broadcast_in_dim3A : f32 to vector<16xf32>
    %swap3A = arith.constant 0 : i32
    %swap3A_2 = arith.index_cast %swap3A : i32 to index
    %swap3A_3 = arith.constant 0 : index
    %swap3A_4 = tpu.vector_load %arg6[%swap3A_2, %swap3A_3] {strides = array<i32>} : memref<8x16xf32, #tpu.memory_space<vmem>>, vector<1x16xf32>,
    %swap3A_5 = vector.shape_cast %swap3A_4 : vector<1x16xf32> to vector<16xf32>
    %swap3A_6 = vector.shape_cast %broadcast_in_dim3A_1 : vector<16xf32> to vector<1x16xf32>
    tpu.vector_store %arg6[%swap3A_2, %swap3A_3], %swap3A_6 {strides = array<i32>} : memref<8x16xf32, #tpu.memory_space<vmem>>, vector<1x16xf32>,
    %swap3A_7 = arith.constant 1 : i32
    %swap3A_8 = arith.index_cast %swap3A_7 : i32 to index
    %swap3A_9 = arith.constant 0 : index
    %swap3A_10 = tpu.vector_load %arg6[%swap3A_8, %swap3A_9] {strides = array<i32>} : memref<8x16xf32, #tpu.memory_space<vmem>>, vector<1x16xf32>,
    %swap3A_11 = vector.shape_cast %swap3A_10 : vector<1x16xf32> to vector<16xf32>
    %swap3A_12 = vector.shape_cast %broadcast_in_dim3A_1 : vector<16xf32> to vector<1x16xf32>
    tpu.vector_store %arg6[%swap3A_8, %swap3A_9], %swap3A_12 {strides = array<i32>} : memref<8x16xf32, #tpu.memory_space<vmem>>, vector<1x16xf32>,
    %swap3A_13 = arith.constant 2 : i32
    %swap3A_14 = arith.index_cast %swap3A_13 : i32 to index
    %swap3A_15 = arith.constant 0 : index
    %swap3A_16 = tpu.vector_load %arg6[%swap3A_14, %swap3A_15] {strides = array<i32>} : memref<8x16xf32, #tpu.memory_space<vmem>>, vector<1x16xf32>,
    %swap3A_17 = vector.shape_cast %swap3A_16 : vector<1x16xf32> to vector<16xf32>
    %swap3A_18 = vector.shape_cast %broadcast_in_dim3A_1 : vector<16xf32> to vector<1x16xf32>
    tpu.vector_store %arg6[%swap3A_14, %swap3A_15], %swap3A_18 {strides = array<i32>} : memref<8x16xf32, #tpu.memory_space<vmem>>, vector<1x16xf32>,
    %swap3A_19 = arith.constant 3 : i32
    %swap3A_20 = arith.index_cast %swap3A_19 : i32 to index
    %swap3A_21 = arith.constant 0 : index
    %swap3A_22 = tpu.vector_load %arg6[%swap3A_20, %swap3A_21] {strides = array<i32>} : memref<8x16xf32, #tpu.memory_space<vmem>>, vector<1x16xf32>,
    %swap3A_23 = vector.shape_cast %swap3A_22 : vector<1x16xf32> to vector<16xf32>
    %swap3A_24 = vector.shape_cast %broadcast_in_dim3A_1 : vector<16xf32> to vector<1x16xf32>
    tpu.vector_store %arg6[%swap3A_20, %swap3A_21], %swap3A_24 {strides = array<i32>} : memref<8x16xf32, #tpu.memory_space<vmem>>, vector<1x16xf32>,
    %swap3A_25 = arith.constant 4 : i32
    %swap3A_26 = arith.index_cast %swap3A_25 : i32 to index
    %swap3A_27 = arith.constant 0 : index
    %swap3A_28 = tpu.vector_load %arg6[%swap3A_26, %swap3A_27] {strides = array<i32>} : memref<8x16xf32, #tpu.memory_space<vmem>>, vector<1x16xf32>,
    %swap3A_29 = vector.shape_cast %swap3A_28 : vector<1x16xf32> to vector<16xf32>
    %swap3A_30 = vector.shape_cast %broadcast_in_dim3A_1 : vector<16xf32> to vector<1x16xf32>
    tpu.vector_store %arg6[%swap3A_26, %swap3A_27], %swap3A_30 {strides = array<i32>} : memref<8x16xf32, #tpu.memory_space<vmem>>, vector<1x16xf32>,
    %swap3A_31 = arith.constant 5 : i32
    %swap3A_32 = arith.index_cast %swap3A_31 : i32 to index
    %swap3A_33 = arith.constant 0 : index
    %swap3A_34 = tpu.vector_load %arg6[%swap3A_32, %swap3A_33] {strides = array<i32>} : memref<8x16xf32, #tpu.memory_space<vmem>>, vector<1x16xf32>,
    %swap3A_35 = vector.shape_cast %swap3A_34 : vector<1x16xf32> to vector<16xf32>
    %swap3A_36 = vector.shape_cast %broadcast_in_dim3A_1 : vector<16xf32> to vector<1x16xf32>
    tpu.vector_store %arg6[%swap3A_32, %swap3A_33], %swap3A_36 {strides = array<i32>} : memref<8x16xf32, #tpu.memory_space<vmem>>, vector<1x16xf32>,
    %swap3A_37 = arith.constant 6 : i32
    %swap3A_38 = arith.index_cast %swap3A_37 : i32 to index
    %swap3A_39 = arith.constant 0 : index
    %swap3A_40 = tpu.vector_load %arg6[%swap3A_38, %swap3A_39] {strides = array<i32>} : memref<8x16xf32, #tpu.memory_space<vmem>>, vector<1x16xf32>,
    %swap3A_41 = vector.shape_cast %swap3A_40 : vector<1x16xf32> to vector<16xf32>
    %swap3A_42 = vector.shape_cast %broadcast_in_dim3A_1 : vector<16xf32> to vector<1x16xf32>
    tpu.vector_store %arg6[%swap3A_38, %swap3A_39], %swap3A_42 {strides = array<i32>} : memref<8x16xf32, #tpu.memory_space<vmem>>, vector<1x16xf32>,
    %swap3A_43 = arith.constant 7 : i32
    %swap3A_44 = arith.index_cast %swap3A_43 : i32 to index
    %swap3A_45 = arith.constant 0 : index
    %swap3A_46 = tpu.vector_load %arg6[%swap3A_44, %swap3A_45] {strides = array<i32>} : memref<8x16xf32, #tpu.memory_space<vmem>>, vector<1x16xf32>,
    %swap3A_47 = vector.shape_cast %swap3A_46 : vector<1x16xf32> to vector<16xf32>
    %swap3A_48 = vector.shape_cast %broadcast_in_dim3A_1 : vector<16xf32> to vector<1x16xf32>
    tpu.vector_store %arg6[%swap3A_44, %swap3A_45], %swap3A_48 {strides = array<i32>} : memref<8x16xf32, #tpu.memory_space<vmem>>, vector<1x16xf32>,
    %mul3A_49 = arith.constant 632 : i32
    %mul3A_50 = arith.muli %arg1, %mul3A_49 : i32
    %scan3A = arith.constant 0 : i32
    %scan3A_51 = arith.constant 79 : i32
    %scan3A_52 = arith.addi %scan3A, %scan3A_51 : i32
    %scan3A_53 = arith.constant 1 : i32
    scf.for %scan3A_835 = %scan3A to %scan3A_52 step %scan3A_53  : i32 {
      %mul3A_836 = arith.constant 8 : i32
      %mul3A_837 = arith.muli %scan3A_835, %mul3A_836 : i32
      %add3A_838 = arith.addi %mul3A_50, %mul3A_837 : i32
      "tpu.region"() ({
        %run_scoped3A = tpu.sem_alloc : memref<!tpu.dma_semaphore, #tpu.memory_space<semaphore_mem>>
        %dma_start3A = arith.constant 0 : i32
        %dma_start3A_839 = tpu.memref_slice %arg7[%add3A_838, %dma_start3A] : memref<10112x16xf32, #tpu.memory_space<vmem_shared>> -> memref<8x16xf32, #tpu.memory_space<vmem_shared>>
        %dma_start3A_840 = arith.constant 0 : i32
        %dma_start3A_841 = tpu.memref_slice %arg7[%add3A_838, %dma_start3A_840] : memref<10112x16xf32, #tpu.memory_space<vmem_shared>> -> memref<8x16xf32, #tpu.memory_space<vmem_shared>>
        tpu.enqueue_dma source(%arg6 : memref<8x16xf32, #tpu.memory_space<vmem>>) target(%dma_start3A_841 : memref<8x16xf32, #tpu.memory_space<vmem_shared>>) target_semaphore(%run_scoped3A : memref<!tpu.dma_semaphore, #tpu.memory_space<semaphore_mem>>)
        %dma_wait3A = arith.constant 0 : i32
        %dma_wait3A_842 = tpu.memref_slice %arg7[%add3A_838, %dma_wait3A] : memref<10112x16xf32, #tpu.memory_space<vmem_shared>> -> memref<8x16xf32, #tpu.memory_space<vmem_shared>>
        %dma_wait3A_843 = arith.constant 0 : i32
        %dma_wait3A_844 = tpu.memref_slice %arg7[%add3A_838, %dma_wait3A_843] : memref<10112x16xf32, #tpu.memory_space<vmem_shared>> -> memref<8x16xf32, #tpu.memory_space<vmem_shared>>
        tpu.wait_dma2 semaphore(%run_scoped3A : memref<!tpu.dma_semaphore, #tpu.memory_space<semaphore_mem>>) src(%arg6 : memref<8x16xf32, #tpu.memory_space<vmem>>) dst(%dma_wait3A_844 : memref<8x16xf32, #tpu.memory_space<vmem_shared>>)
        tpu.yield
      }) : () -> ()
    }
    %scan3A_54 = arith.constant 79 : i32
    %broadcast_in_dim3A_55 = arith.constant 1.000000e+00 : f32
    %broadcast_in_dim3A_56 = vector.broadcast %broadcast_in_dim3A_55 : f32 to vector<16xf32>
    %swap3A_57 = arith.constant 0 : i32
    %swap3A_58 = arith.index_cast %swap3A_57 : i32 to index
    %swap3A_59 = arith.constant 0 : index
    %swap3A_60 = tpu.vector_load %arg5[%swap3A_58, %swap3A_59] {strides = array<i32>} : memref<128x16xf32, #tpu.memory_space<vmem>>, vector<1x16xf32>,
    %swap3A_61 = vector.shape_cast %swap3A_60 : vector<1x16xf32> to vector<16xf32>
    %swap3A_62 = vector.shape_cast %broadcast_in_dim3A_56 : vector<16xf32> to vector<1x16xf32>
    tpu.vector_store %arg5[%swap3A_58, %swap3A_59], %swap3A_62 {strides = array<i32>} : memref<128x16xf32, #tpu.memory_space<vmem>>, vector<1x16xf32>,
    %swap3A_63 = arith.constant 1 : i32
    %swap3A_64 = arith.index_cast %swap3A_63 : i32 to index
    %swap3A_65 = arith.constant 0 : index
    %swap3A_66 = tpu.vector_load %arg5[%swap3A_64, %swap3A_65] {strides = array<i32>} : memref<128x16xf32, #tpu.memory_space<vmem>>, vector<1x16xf32>,
    %swap3A_67 = vector.shape_cast %swap3A_66 : vector<1x16xf32> to vector<16xf32>
    %swap3A_68 = vector.shape_cast %broadcast_in_dim3A_56 : vector<16xf32> to vector<1x16xf32>
    tpu.vector_store %arg5[%swap3A_64, %swap3A_65], %swap3A_68 {strides = array<i32>} : memref<128x16xf32, #tpu.memory_space<vmem>>, vector<1x16xf32>,
    %swap3A_69 = arith.constant 2 : i32
    %swap3A_70 = arith.index_cast %swap3A_69 : i32 to index
    %swap3A_71 = arith.constant 0 : index
    %swap3A_72 = tpu.vector_load %arg5[%swap3A_70, %swap3A_71] {strides = array<i32>} : memref<128x16xf32, #tpu.memory_space<vmem>>, vector<1x16xf32>,
    %swap3A_73 = vector.shape_cast %swap3A_72 : vector<1x16xf32> to vector<16xf32>
    %swap3A_74 = vector.shape_cast %broadcast_in_dim3A_56 : vector<16xf32> to vector<1x16xf32>
    tpu.vector_store %arg5[%swap3A_70, %swap3A_71], %swap3A_74 {strides = array<i32>} : memref<128x16xf32, #tpu.memory_space<vmem>>, vector<1x16xf32>,
    %swap3A_75 = arith.constant 3 : i32
    %swap3A_76 = arith.index_cast %swap3A_75 : i32 to index
    %swap3A_77 = arith.constant 0 : index
    %swap3A_78 = tpu.vector_load %arg5[%swap3A_76, %swap3A_77] {strides = array<i32>} : memref<128x16xf32, #tpu.memory_space<vmem>>, vector<1x16xf32>,
    %swap3A_79 = vector.shape_cast %swap3A_78 : vector<1x16xf32> to vector<16xf32>
    %swap3A_80 = vector.shape_cast %broadcast_in_dim3A_56 : vector<16xf32> to vector<1x16xf32>
    tpu.vector_store %arg5[%swap3A_76, %swap3A_77], %swap3A_80 {strides = array<i32>} : memref<128x16xf32, #tpu.memory_space<vmem>>, vector<1x16xf32>,
    %swap3A_81 = arith.constant 4 : i32
    %swap3A_82 = arith.index_cast %swap3A_81 : i32 to index
    %swap3A_83 = arith.constant 0 : index
    %swap3A_84 = tpu.vector_load %arg5[%swap3A_82, %swap3A_83] {strides = array<i32>} : memref<128x16xf32, #tpu.memory_space<vmem>>, vector<1x16xf32>,
    %swap3A_85 = vector.shape_cast %swap3A_84 : vector<1x16xf32> to vector<16xf32>
    %swap3A_86 = vector.shape_cast %broadcast_in_dim3A_56 : vector<16xf32> to vector<1x16xf32>
    tpu.vector_store %arg5[%swap3A_82, %swap3A_83], %swap3A_86 {strides = array<i32>} : memref<128x16xf32, #tpu.memory_space<vmem>>, vector<1x16xf32>,
    %swap3A_87 = arith.constant 5 : i32
    %swap3A_88 = arith.index_cast %swap3A_87 : i32 to index
    %swap3A_89 = arith.constant 0 : index
    %swap3A_90 = tpu.vector_load %arg5[%swap3A_88, %swap3A_89] {strides = array<i32>} : memref<128x16xf32, #tpu.memory_space<vmem>>, vector<1x16xf32>,
    %swap3A_91 = vector.shape_cast %swap3A_90 : vector<1x16xf32> to vector<16xf32>
    %swap3A_92 = vector.shape_cast %broadcast_in_dim3A_56 : vector<16xf32> to vector<1x16xf32>
    tpu.vector_store %arg5[%swap3A_88, %swap3A_89], %swap3A_92 {strides = array<i32>} : memref<128x16xf32, #tpu.memory_space<vmem>>, vector<1x16xf32>,
    %swap3A_93 = arith.constant 6 : i32
    %swap3A_94 = arith.index_cast %swap3A_93 : i32 to index
    %swap3A_95 = arith.constant 0 : index
    %swap3A_96 = tpu.vector_load %arg5[%swap3A_94, %swap3A_95] {strides = array<i32>} : memref<128x16xf32, #tpu.memory_space<vmem>>, vector<1x16xf32>,
    %swap3A_97 = vector.shape_cast %swap3A_96 : vector<1x16xf32> to vector<16xf32>
    %swap3A_98 = vector.shape_cast %broadcast_in_dim3A_56 : vector<16xf32> to vector<1x16xf32>
    tpu.vector_store %arg5[%swap3A_94, %swap3A_95], %swap3A_98 {strides = array<i32>} : memref<128x16xf32, #tpu.memory_space<vmem>>, vector<1x16xf32>,
    %swap3A_99 = arith.constant 7 : i32
    %swap3A_100 = arith.index_cast %swap3A_99 : i32 to index
    %swap3A_101 = arith.constant 0 : index
    %swap3A_102 = tpu.vector_load %arg5[%swap3A_100, %swap3A_101] {strides = array<i32>} : memref<128x16xf32, #tpu.memory_space<vmem>>, vector<1x16xf32>,
    %swap3A_103 = vector.shape_cast %swap3A_102 : vector<1x16xf32> to vector<16xf32>
    %swap3A_104 = vector.shape_cast %broadcast_in_dim3A_56 : vector<16xf32> to vector<1x16xf32>
    tpu.vector_store %arg5[%swap3A_100, %swap3A_101], %swap3A_104 {strides = array<i32>} : memref<128x16xf32, #tpu.memory_space<vmem>>, vector<1x16xf32>,
    %swap3A_105 = arith.constant 8 : i32
    %swap3A_106 = arith.index_cast %swap3A_105 : i32 to index
    %swap3A_107 = arith.constant 0 : index
    %swap3A_108 = tpu.vector_load %arg5[%swap3A_106, %swap3A_107] {strides = array<i32>} : memref<128x16xf32, #tpu.memory_space<vmem>>, vector<1x16xf32>,
    %swap3A_109 = vector.shape_cast %swap3A_108 : vector<1x16xf32> to vector<16xf32>
    %swap3A_110 = vector.shape_cast %broadcast_in_dim3A_56 : vector<16xf32> to vector<1x16xf32>
    tpu.vector_store %arg5[%swap3A_106, %swap3A_107], %swap3A_110 {strides = array<i32>} : memref<128x16xf32, #tpu.memory_space<vmem>>, vector<1x16xf32>,
    %swap3A_111 = arith.constant 9 : i32
    %swap3A_112 = arith.index_cast %swap3A_111 : i32 to index
    %swap3A_113 = arith.constant 0 : index
    %swap3A_114 = tpu.vector_load %arg5[%swap3A_112, %swap3A_113] {strides = array<i32>} : memref<128x16xf32, #tpu.memory_space<vmem>>, vector<1x16xf32>,
    %swap3A_115 = vector.shape_cast %swap3A_114 : vector<1x16xf32> to vector<16xf32>
    %swap3A_116 = vector.shape_cast %broadcast_in_dim3A_56 : vector<16xf32> to vector<1x16xf32>
    tpu.vector_store %arg5[%swap3A_112, %swap3A_113], %swap3A_116 {strides = array<i32>} : memref<128x16xf32, #tpu.memory_space<vmem>>, vector<1x16xf32>,
    %swap3A_117 = arith.constant 10 : i32
    %swap3A_118 = arith.index_cast %swap3A_117 : i32 to index
    %swap3A_119 = arith.constant 0 : index
    %swap3A_120 = tpu.vector_load %arg5[%swap3A_118, %swap3A_119] {strides = array<i32>} : memref<128x16xf32, #tpu.memory_space<vmem>>, vector<1x16xf32>,
    %swap3A_121 = vector.shape_cast %swap3A_120 : vector<1x16xf32> to vector<16xf32>
    %swap3A_122 = vector.shape_cast %broadcast_in_dim3A_56 : vector<16xf32> to vector<1x16xf32>
    tpu.vector_store %arg5[%swap3A_118, %swap3A_119], %swap3A_122 {strides = array<i32>} : memref<128x16xf32, #tpu.memory_space<vmem>>, vector<1x16xf32>,
    %swap3A_123 = arith.constant 11 : i32
    %swap3A_124 = arith.index_cast %swap3A_123 : i32 to index
    %swap3A_125 = arith.constant 0 : index
    %swap3A_126 = tpu.vector_load %arg5[%swap3A_124, %swap3A_125] {strides = array<i32>} : memref<128x16xf32, #tpu.memory_space<vmem>>, vector<1x16xf32>,
    %swap3A_127 = vector.shape_cast %swap3A_126 : vector<1x16xf32> to vector<16xf32>
    %swap3A_128 = vector.shape_cast %broadcast_in_dim3A_56 : vector<16xf32> to vector<1x16xf32>
    tpu.vector_store %arg5[%swap3A_124, %swap3A_125], %swap3A_128 {strides = array<i32>} : memref<128x16xf32, #tpu.memory_space<vmem>>, vector<1x16xf32>,
    %swap3A_129 = arith.constant 12 : i32
    %swap3A_130 = arith.index_cast %swap3A_129 : i32 to index
    %swap3A_131 = arith.constant 0 : index
    %swap3A_132 = tpu.vector_load %arg5[%swap3A_130, %swap3A_131] {strides = array<i32>} : memref<128x16xf32, #tpu.memory_space<vmem>>, vector<1x16xf32>,
    %swap3A_133 = vector.shape_cast %swap3A_132 : vector<1x16xf32> to vector<16xf32>
    %swap3A_134 = vector.shape_cast %broadcast_in_dim3A_56 : vector<16xf32> to vector<1x16xf32>
    tpu.vector_store %arg5[%swap3A_130, %swap3A_131], %swap3A_134 {strides = array<i32>} : memref<128x16xf32, #tpu.memory_space<vmem>>, vector<1x16xf32>,
    %swap3A_135 = arith.constant 13 : i32
    %swap3A_136 = arith.index_cast %swap3A_135 : i32 to index
    %swap3A_137 = arith.constant 0 : index
    %swap3A_138 = tpu.vector_load %arg5[%swap3A_136, %swap3A_137] {strides = array<i32>} : memref<128x16xf32, #tpu.memory_space<vmem>>, vector<1x16xf32>,
    %swap3A_139 = vector.shape_cast %swap3A_138 : vector<1x16xf32> to vector<16xf32>
    %swap3A_140 = vector.shape_cast %broadcast_in_dim3A_56 : vector<16xf32> to vector<1x16xf32>
    tpu.vector_store %arg5[%swap3A_136, %swap3A_137], %swap3A_140 {strides = array<i32>} : memref<128x16xf32, #tpu.memory_space<vmem>>, vector<1x16xf32>,
    %swap3A_141 = arith.constant 14 : i32
    %swap3A_142 = arith.index_cast %swap3A_141 : i32 to index
    %swap3A_143 = arith.constant 0 : index
    %swap3A_144 = tpu.vector_load %arg5[%swap3A_142, %swap3A_143] {strides = array<i32>} : memref<128x16xf32, #tpu.memory_space<vmem>>, vector<1x16xf32>,
    %swap3A_145 = vector.shape_cast %swap3A_144 : vector<1x16xf32> to vector<16xf32>
    %swap3A_146 = vector.shape_cast %broadcast_in_dim3A_56 : vector<16xf32> to vector<1x16xf32>
    tpu.vector_store %arg5[%swap3A_142, %swap3A_143], %swap3A_146 {strides = array<i32>} : memref<128x16xf32, #tpu.memory_space<vmem>>, vector<1x16xf32>,
    %swap3A_147 = arith.constant 15 : i32
    %swap3A_148 = arith.index_cast %swap3A_147 : i32 to index
    %swap3A_149 = arith.constant 0 : index
    %swap3A_150 = tpu.vector_load %arg5[%swap3A_148, %swap3A_149] {strides = array<i32>} : memref<128x16xf32, #tpu.memory_space<vmem>>, vector<1x16xf32>,
    %swap3A_151 = vector.shape_cast %swap3A_150 : vector<1x16xf32> to vector<16xf32>
    %swap3A_152 = vector.shape_cast %broadcast_in_dim3A_56 : vector<16xf32> to vector<1x16xf32>
    tpu.vector_store %arg5[%swap3A_148, %swap3A_149], %swap3A_152 {strides = array<i32>} : memref<128x16xf32, #tpu.memory_space<vmem>>, vector<1x16xf32>,
    %swap3A_153 = arith.constant 16 : i32
    %swap3A_154 = arith.index_cast %swap3A_153 : i32 to index
    %swap3A_155 = arith.constant 0 : index
    %swap3A_156 = tpu.vector_load %arg5[%swap3A_154, %swap3A_155] {strides = array<i32>} : memref<128x16xf32, #tpu.memory_space<vmem>>, vector<1x16xf32>,
    %swap3A_157 = vector.shape_cast %swap3A_156 : vector<1x16xf32> to vector<16xf32>
    %swap3A_158 = vector.shape_cast %broadcast_in_dim3A_56 : vector<16xf32> to vector<1x16xf32>
    tpu.vector_store %arg5[%swap3A_154, %swap3A_155], %swap3A_158 {strides = array<i32>} : memref<128x16xf32, #tpu.memory_space<vmem>>, vector<1x16xf32>,
    %swap3A_159 = arith.constant 17 : i32
    %swap3A_160 = arith.index_cast %swap3A_159 : i32 to index
    %swap3A_161 = arith.constant 0 : index
    %swap3A_162 = tpu.vector_load %arg5[%swap3A_160, %swap3A_161] {strides = array<i32>} : memref<128x16xf32, #tpu.memory_space<vmem>>, vector<1x16xf32>,
    %swap3A_163 = vector.shape_cast %swap3A_162 : vector<1x16xf32> to vector<16xf32>
    %swap3A_164 = vector.shape_cast %broadcast_in_dim3A_56 : vector<16xf32> to vector<1x16xf32>
    tpu.vector_store %arg5[%swap3A_160, %swap3A_161], %swap3A_164 {strides = array<i32>} : memref<128x16xf32, #tpu.memory_space<vmem>>, vector<1x16xf32>,
    %swap3A_165 = arith.constant 18 : i32
    %swap3A_166 = arith.index_cast %swap3A_165 : i32 to index
    %swap3A_167 = arith.constant 0 : index
    %swap3A_168 = tpu.vector_load %arg5[%swap3A_166, %swap3A_167] {strides = array<i32>} : memref<128x16xf32, #tpu.memory_space<vmem>>, vector<1x16xf32>,
    %swap3A_169 = vector.shape_cast %swap3A_168 : vector<1x16xf32> to vector<16xf32>
    %swap3A_170 = vector.shape_cast %broadcast_in_dim3A_56 : vector<16xf32> to vector<1x16xf32>
    tpu.vector_store %arg5[%swap3A_166, %swap3A_167], %swap3A_170 {strides = array<i32>} : memref<128x16xf32, #tpu.memory_space<vmem>>, vector<1x16xf32>,
    %swap3A_171 = arith.constant 19 : i32
    %swap3A_172 = arith.index_cast %swap3A_171 : i32 to index
    %swap3A_173 = arith.constant 0 : index
    %swap3A_174 = tpu.vector_load %arg5[%swap3A_172, %swap3A_173] {strides = array<i32>} : memref<128x16xf32, #tpu.memory_space<vmem>>, vector<1x16xf32>,
    %swap3A_175 = vector.shape_cast %swap3A_174 : vector<1x16xf32> to vector<16xf32>
    %swap3A_176 = vector.shape_cast %broadcast_in_dim3A_56 : vector<16xf32> to vector<1x16xf32>
    tpu.vector_store %arg5[%swap3A_172, %swap3A_173], %swap3A_176 {strides = array<i32>} : memref<128x16xf32, #tpu.memory_space<vmem>>, vector<1x16xf32>,
    %swap3A_177 = arith.constant 20 : i32
    %swap3A_178 = arith.index_cast %swap3A_177 : i32 to index
    %swap3A_179 = arith.constant 0 : index
    %swap3A_180 = tpu.vector_load %arg5[%swap3A_178, %swap3A_179] {strides = array<i32>} : memref<128x16xf32, #tpu.memory_space<vmem>>, vector<1x16xf32>,
    %swap3A_181 = vector.shape_cast %swap3A_180 : vector<1x16xf32> to vector<16xf32>
    %swap3A_182 = vector.shape_cast %broadcast_in_dim3A_56 : vector<16xf32> to vector<1x16xf32>
    tpu.vector_store %arg5[%swap3A_178, %swap3A_179], %swap3A_182 {strides = array<i32>} : memref<128x16xf32, #tpu.memory_space<vmem>>, vector<1x16xf32>,
    %swap3A_183 = arith.constant 21 : i32
    %swap3A_184 = arith.index_cast %swap3A_183 : i32 to index
    %swap3A_185 = arith.constant 0 : index
    %swap3A_186 = tpu.vector_load %arg5[%swap3A_184, %swap3A_185] {strides = array<i32>} : memref<128x16xf32, #tpu.memory_space<vmem>>, vector<1x16xf32>,
    %swap3A_187 = vector.shape_cast %swap3A_186 : vector<1x16xf32> to vector<16xf32>
    %swap3A_188 = vector.shape_cast %broadcast_in_dim3A_56 : vector<16xf32> to vector<1x16xf32>
    tpu.vector_store %arg5[%swap3A_184, %swap3A_185], %swap3A_188 {strides = array<i32>} : memref<128x16xf32, #tpu.memory_space<vmem>>, vector<1x16xf32>,
    %swap3A_189 = arith.constant 22 : i32
    %swap3A_190 = arith.index_cast %swap3A_189 : i32 to index
    %swap3A_191 = arith.constant 0 : index
    %swap3A_192 = tpu.vector_load %arg5[%swap3A_190, %swap3A_191] {strides = array<i32>} : memref<128x16xf32, #tpu.memory_space<vmem>>, vector<1x16xf32>,
    %swap3A_193 = vector.shape_cast %swap3A_192 : vector<1x16xf32> to vector<16xf32>
    %swap3A_194 = vector.shape_cast %broadcast_in_dim3A_56 : vector<16xf32> to vector<1x16xf32>
    tpu.vector_store %arg5[%swap3A_190, %swap3A_191], %swap3A_194 {strides = array<i32>} : memref<128x16xf32, #tpu.memory_space<vmem>>, vector<1x16xf32>,
    %swap3A_195 = arith.constant 23 : i32
    %swap3A_196 = arith.index_cast %swap3A_195 : i32 to index
    %swap3A_197 = arith.constant 0 : index
    %swap3A_198 = tpu.vector_load %arg5[%swap3A_196, %swap3A_197] {strides = array<i32>} : memref<128x16xf32, #tpu.memory_space<vmem>>, vector<1x16xf32>,
    %swap3A_199 = vector.shape_cast %swap3A_198 : vector<1x16xf32> to vector<16xf32>
    %swap3A_200 = vector.shape_cast %broadcast_in_dim3A_56 : vector<16xf32> to vector<1x16xf32>
    tpu.vector_store %arg5[%swap3A_196, %swap3A_197], %swap3A_200 {strides = array<i32>} : memref<128x16xf32, #tpu.memory_space<vmem>>, vector<1x16xf32>,
    %swap3A_201 = arith.constant 24 : i32
    %swap3A_202 = arith.index_cast %swap3A_201 : i32 to index
    %swap3A_203 = arith.constant 0 : index
    %swap3A_204 = tpu.vector_load %arg5[%swap3A_202, %swap3A_203] {strides = array<i32>} : memref<128x16xf32, #tpu.memory_space<vmem>>, vector<1x16xf32>,
    %swap3A_205 = vector.shape_cast %swap3A_204 : vector<1x16xf32> to vector<16xf32>
    %swap3A_206 = vector.shape_cast %broadcast_in_dim3A_56 : vector<16xf32> to vector<1x16xf32>
    tpu.vector_store %arg5[%swap3A_202, %swap3A_203], %swap3A_206 {strides = array<i32>} : memref<128x16xf32, #tpu.memory_space<vmem>>, vector<1x16xf32>,
    %swap3A_207 = arith.constant 25 : i32
    %swap3A_208 = arith.index_cast %swap3A_207 : i32 to index
    %swap3A_209 = arith.constant 0 : index
    %swap3A_210 = tpu.vector_load %arg5[%swap3A_208, %swap3A_209] {strides = array<i32>} : memref<128x16xf32, #tpu.memory_space<vmem>>, vector<1x16xf32>,
    %swap3A_211 = vector.shape_cast %swap3A_210 : vector<1x16xf32> to vector<16xf32>
    %swap3A_212 = vector.shape_cast %broadcast_in_dim3A_56 : vector<16xf32> to vector<1x16xf32>
    tpu.vector_store %arg5[%swap3A_208, %swap3A_209], %swap3A_212 {strides = array<i32>} : memref<128x16xf32, #tpu.memory_space<vmem>>, vector<1x16xf32>,
    %swap3A_213 = arith.constant 26 : i32
    %swap3A_214 = arith.index_cast %swap3A_213 : i32 to index
    %swap3A_215 = arith.constant 0 : index
    %swap3A_216 = tpu.vector_load %arg5[%swap3A_214, %swap3A_215] {strides = array<i32>} : memref<128x16xf32, #tpu.memory_space<vmem>>, vector<1x16xf32>,
    %swap3A_217 = vector.shape_cast %swap3A_216 : vector<1x16xf32> to vector<16xf32>
    %swap3A_218 = vector.shape_cast %broadcast_in_dim3A_56 : vector<16xf32> to vector<1x16xf32>
    tpu.vector_store %arg5[%swap3A_214, %swap3A_215], %swap3A_218 {strides = array<i32>} : memref<128x16xf32, #tpu.memory_space<vmem>>, vector<1x16xf32>,
    %swap3A_219 = arith.constant 27 : i32
    %swap3A_220 = arith.index_cast %swap3A_219 : i32 to index
    %swap3A_221 = arith.constant 0 : index
    %swap3A_222 = tpu.vector_load %arg5[%swap3A_220, %swap3A_221] {strides = array<i32>} : memref<128x16xf32, #tpu.memory_space<vmem>>, vector<1x16xf32>,
    %swap3A_223 = vector.shape_cast %swap3A_222 : vector<1x16xf32> to vector<16xf32>
    %swap3A_224 = vector.shape_cast %broadcast_in_dim3A_56 : vector<16xf32> to vector<1x16xf32>
    tpu.vector_store %arg5[%swap3A_220, %swap3A_221], %swap3A_224 {strides = array<i32>} : memref<128x16xf32, #tpu.memory_space<vmem>>, vector<1x16xf32>,
    %swap3A_225 = arith.constant 28 : i32
    %swap3A_226 = arith.index_cast %swap3A_225 : i32 to index
    %swap3A_227 = arith.constant 0 : index
    %swap3A_228 = tpu.vector_load %arg5[%swap3A_226, %swap3A_227] {strides = array<i32>} : memref<128x16xf32, #tpu.memory_space<vmem>>, vector<1x16xf32>,
    %swap3A_229 = vector.shape_cast %swap3A_228 : vector<1x16xf32> to vector<16xf32>
    %swap3A_230 = vector.shape_cast %broadcast_in_dim3A_56 : vector<16xf32> to vector<1x16xf32>
    tpu.vector_store %arg5[%swap3A_226, %swap3A_227], %swap3A_230 {strides = array<i32>} : memref<128x16xf32, #tpu.memory_space<vmem>>, vector<1x16xf32>,
    %swap3A_231 = arith.constant 29 : i32
    %swap3A_232 = arith.index_cast %swap3A_231 : i32 to index
    %swap3A_233 = arith.constant 0 : index
    %swap3A_234 = tpu.vector_load %arg5[%swap3A_232, %swap3A_233] {strides = array<i32>} : memref<128x16xf32, #tpu.memory_space<vmem>>, vector<1x16xf32>,
    %swap3A_235 = vector.shape_cast %swap3A_234 : vector<1x16xf32> to vector<16xf32>
    %swap3A_236 = vector.shape_cast %broadcast_in_dim3A_56 : vector<16xf32> to vector<1x16xf32>
    tpu.vector_store %arg5[%swap3A_232, %swap3A_233], %swap3A_236 {strides = array<i32>} : memref<128x16xf32, #tpu.memory_space<vmem>>, vector<1x16xf32>,
    %swap3A_237 = arith.constant 30 : i32
    %swap3A_238 = arith.index_cast %swap3A_237 : i32 to index
    %swap3A_239 = arith.constant 0 : index
    %swap3A_240 = tpu.vector_load %arg5[%swap3A_238, %swap3A_239] {strides = array<i32>} : memref<128x16xf32, #tpu.memory_space<vmem>>, vector<1x16xf32>,
    %swap3A_241 = vector.shape_cast %swap3A_240 : vector<1x16xf32> to vector<16xf32>
    %swap3A_242 = vector.shape_cast %broadcast_in_dim3A_56 : vector<16xf32> to vector<1x16xf32>
    tpu.vector_store %arg5[%swap3A_238, %swap3A_239], %swap3A_242 {strides = array<i32>} : memref<128x16xf32, #tpu.memory_space<vmem>>, vector<1x16xf32>,
    %swap3A_243 = arith.constant 31 : i32
    %swap3A_244 = arith.index_cast %swap3A_243 : i32 to index
    %swap3A_245 = arith.constant 0 : index
    %swap3A_246 = tpu.vector_load %arg5[%swap3A_244, %swap3A_245] {strides = array<i32>} : memref<128x16xf32, #tpu.memory_space<vmem>>, vector<1x16xf32>,
    %swap3A_247 = vector.shape_cast %swap3A_246 : vector<1x16xf32> to vector<16xf32>
    %swap3A_248 = vector.shape_cast %broadcast_in_dim3A_56 : vector<16xf32> to vector<1x16xf32>
    tpu.vector_store %arg5[%swap3A_244, %swap3A_245], %swap3A_248 {strides = array<i32>} : memref<128x16xf32, #tpu.memory_space<vmem>>, vector<1x16xf32>,
    %swap3A_249 = arith.constant 32 : i32
    %swap3A_250 = arith.index_cast %swap3A_249 : i32 to index
    %swap3A_251 = arith.constant 0 : index
    %swap3A_252 = tpu.vector_load %arg5[%swap3A_250, %swap3A_251] {strides = array<i32>} : memref<128x16xf32, #tpu.memory_space<vmem>>, vector<1x16xf32>,
    %swap3A_253 = vector.shape_cast %swap3A_252 : vector<1x16xf32> to vector<16xf32>
    %swap3A_254 = vector.shape_cast %broadcast_in_dim3A_56 : vector<16xf32> to vector<1x16xf32>
    tpu.vector_store %arg5[%swap3A_250, %swap3A_251], %swap3A_254 {strides = array<i32>} : memref<128x16xf32, #tpu.memory_space<vmem>>, vector<1x16xf32>,
    %swap3A_255 = arith.constant 33 : i32
    %swap3A_256 = arith.index_cast %swap3A_255 : i32 to index
    %swap3A_257 = arith.constant 0 : index
    %swap3A_258 = tpu.vector_load %arg5[%swap3A_256, %swap3A_257] {strides = array<i32>} : memref<128x16xf32, #tpu.memory_space<vmem>>, vector<1x16xf32>,
    %swap3A_259 = vector.shape_cast %swap3A_258 : vector<1x16xf32> to vector<16xf32>
    %swap3A_260 = vector.shape_cast %broadcast_in_dim3A_56 : vector<16xf32> to vector<1x16xf32>
    tpu.vector_store %arg5[%swap3A_256, %swap3A_257], %swap3A_260 {strides = array<i32>} : memref<128x16xf32, #tpu.memory_space<vmem>>, vector<1x16xf32>,
    %swap3A_261 = arith.constant 34 : i32
    %swap3A_262 = arith.index_cast %swap3A_261 : i32 to index
    %swap3A_263 = arith.constant 0 : index
    %swap3A_264 = tpu.vector_load %arg5[%swap3A_262, %swap3A_263] {strides = array<i32>} : memref<128x16xf32, #tpu.memory_space<vmem>>, vector<1x16xf32>,
    %swap3A_265 = vector.shape_cast %swap3A_264 : vector<1x16xf32> to vector<16xf32>
    %swap3A_266 = vector.shape_cast %broadcast_in_dim3A_56 : vector<16xf32> to vector<1x16xf32>
    tpu.vector_store %arg5[%swap3A_262, %swap3A_263], %swap3A_266 {strides = array<i32>} : memref<128x16xf32, #tpu.memory_space<vmem>>, vector<1x16xf32>,
    %swap3A_267 = arith.constant 35 : i32
    %swap3A_268 = arith.index_cast %swap3A_267 : i32 to index
    %swap3A_269 = arith.constant 0 : index
    %swap3A_270 = tpu.vector_load %arg5[%swap3A_268, %swap3A_269] {strides = array<i32>} : memref<128x16xf32, #tpu.memory_space<vmem>>, vector<1x16xf32>,
    %swap3A_271 = vector.shape_cast %swap3A_270 : vector<1x16xf32> to vector<16xf32>
    %swap3A_272 = vector.shape_cast %broadcast_in_dim3A_56 : vector<16xf32> to vector<1x16xf32>
    tpu.vector_store %arg5[%swap3A_268, %swap3A_269], %swap3A_272 {strides = array<i32>} : memref<128x16xf32, #tpu.memory_space<vmem>>, vector<1x16xf32>,
    %swap3A_273 = arith.constant 36 : i32
    %swap3A_274 = arith.index_cast %swap3A_273 : i32 to index
    %swap3A_275 = arith.constant 0 : index
    %swap3A_276 = tpu.vector_load %arg5[%swap3A_274, %swap3A_275] {strides = array<i32>} : memref<128x16xf32, #tpu.memory_space<vmem>>, vector<1x16xf32>,
    %swap3A_277 = vector.shape_cast %swap3A_276 : vector<1x16xf32> to vector<16xf32>
    %swap3A_278 = vector.shape_cast %broadcast_in_dim3A_56 : vector<16xf32> to vector<1x16xf32>
    tpu.vector_store %arg5[%swap3A_274, %swap3A_275], %swap3A_278 {strides = array<i32>} : memref<128x16xf32, #tpu.memory_space<vmem>>, vector<1x16xf32>,
    %swap3A_279 = arith.constant 37 : i32
    %swap3A_280 = arith.index_cast %swap3A_279 : i32 to index
    %swap3A_281 = arith.constant 0 : index
    %swap3A_282 = tpu.vector_load %arg5[%swap3A_280, %swap3A_281] {strides = array<i32>} : memref<128x16xf32, #tpu.memory_space<vmem>>, vector<1x16xf32>,
    %swap3A_283 = vector.shape_cast %swap3A_282 : vector<1x16xf32> to vector<16xf32>
    %swap3A_284 = vector.shape_cast %broadcast_in_dim3A_56 : vector<16xf32> to vector<1x16xf32>
    tpu.vector_store %arg5[%swap3A_280, %swap3A_281], %swap3A_284 {strides = array<i32>} : memref<128x16xf32, #tpu.memory_space<vmem>>, vector<1x16xf32>,
    %swap3A_285 = arith.constant 38 : i32
    %swap3A_286 = arith.index_cast %swap3A_285 : i32 to index
    %swap3A_287 = arith.constant 0 : index
    %swap3A_288 = tpu.vector_load %arg5[%swap3A_286, %swap3A_287] {strides = array<i32>} : memref<128x16xf32, #tpu.memory_space<vmem>>, vector<1x16xf32>,
    %swap3A_289 = vector.shape_cast %swap3A_288 : vector<1x16xf32> to vector<16xf32>
    %swap3A_290 = vector.shape_cast %broadcast_in_dim3A_56 : vector<16xf32> to vector<1x16xf32>
    tpu.vector_store %arg5[%swap3A_286, %swap3A_287], %swap3A_290 {strides = array<i32>} : memref<128x16xf32, #tpu.memory_space<vmem>>, vector<1x16xf32>,
    %swap3A_291 = arith.constant 39 : i32
    %swap3A_292 = arith.index_cast %swap3A_291 : i32 to index
    %swap3A_293 = arith.constant 0 : index
    %swap3A_294 = tpu.vector_load %arg5[%swap3A_292, %swap3A_293] {strides = array<i32>} : memref<128x16xf32, #tpu.memory_space<vmem>>, vector<1x16xf32>,
    %swap3A_295 = vector.shape_cast %swap3A_294 : vector<1x16xf32> to vector<16xf32>
    %swap3A_296 = vector.shape_cast %broadcast_in_dim3A_56 : vector<16xf32> to vector<1x16xf32>
    tpu.vector_store %arg5[%swap3A_292, %swap3A_293], %swap3A_296 {strides = array<i32>} : memref<128x16xf32, #tpu.memory_space<vmem>>, vector<1x16xf32>,
    %swap3A_297 = arith.constant 40 : i32
    %swap3A_298 = arith.index_cast %swap3A_297 : i32 to index
    %swap3A_299 = arith.constant 0 : index
    %swap3A_300 = tpu.vector_load %arg5[%swap3A_298, %swap3A_299] {strides = array<i32>} : memref<128x16xf32, #tpu.memory_space<vmem>>, vector<1x16xf32>,
    %swap3A_301 = vector.shape_cast %swap3A_300 : vector<1x16xf32> to vector<16xf32>
    %swap3A_302 = vector.shape_cast %broadcast_in_dim3A_56 : vector<16xf32> to vector<1x16xf32>
    tpu.vector_store %arg5[%swap3A_298, %swap3A_299], %swap3A_302 {strides = array<i32>} : memref<128x16xf32, #tpu.memory_space<vmem>>, vector<1x16xf32>,
    %swap3A_303 = arith.constant 41 : i32
    %swap3A_304 = arith.index_cast %swap3A_303 : i32 to index
    %swap3A_305 = arith.constant 0 : index
    %swap3A_306 = tpu.vector_load %arg5[%swap3A_304, %swap3A_305] {strides = array<i32>} : memref<128x16xf32, #tpu.memory_space<vmem>>, vector<1x16xf32>,
    %swap3A_307 = vector.shape_cast %swap3A_306 : vector<1x16xf32> to vector<16xf32>
    %swap3A_308 = vector.shape_cast %broadcast_in_dim3A_56 : vector<16xf32> to vector<1x16xf32>
    tpu.vector_store %arg5[%swap3A_304, %swap3A_305], %swap3A_308 {strides = array<i32>} : memref<128x16xf32, #tpu.memory_space<vmem>>, vector<1x16xf32>,
    %swap3A_309 = arith.constant 42 : i32
    %swap3A_310 = arith.index_cast %swap3A_309 : i32 to index
    %swap3A_311 = arith.constant 0 : index
    %swap3A_312 = tpu.vector_load %arg5[%swap3A_310, %swap3A_311] {strides = array<i32>} : memref<128x16xf32, #tpu.memory_space<vmem>>, vector<1x16xf32>,
    %swap3A_313 = vector.shape_cast %swap3A_312 : vector<1x16xf32> to vector<16xf32>
    %swap3A_314 = vector.shape_cast %broadcast_in_dim3A_56 : vector<16xf32> to vector<1x16xf32>
    tpu.vector_store %arg5[%swap3A_310, %swap3A_311], %swap3A_314 {strides = array<i32>} : memref<128x16xf32, #tpu.memory_space<vmem>>, vector<1x16xf32>,
    %swap3A_315 = arith.constant 43 : i32
    %swap3A_316 = arith.index_cast %swap3A_315 : i32 to index
    %swap3A_317 = arith.constant 0 : index
    %swap3A_318 = tpu.vector_load %arg5[%swap3A_316, %swap3A_317] {strides = array<i32>} : memref<128x16xf32, #tpu.memory_space<vmem>>, vector<1x16xf32>,
    %swap3A_319 = vector.shape_cast %swap3A_318 : vector<1x16xf32> to vector<16xf32>
    %swap3A_320 = vector.shape_cast %broadcast_in_dim3A_56 : vector<16xf32> to vector<1x16xf32>
    tpu.vector_store %arg5[%swap3A_316, %swap3A_317], %swap3A_320 {strides = array<i32>} : memref<128x16xf32, #tpu.memory_space<vmem>>, vector<1x16xf32>,
    %swap3A_321 = arith.constant 44 : i32
    %swap3A_322 = arith.index_cast %swap3A_321 : i32 to index
    %swap3A_323 = arith.constant 0 : index
    %swap3A_324 = tpu.vector_load %arg5[%swap3A_322, %swap3A_323] {strides = array<i32>} : memref<128x16xf32, #tpu.memory_space<vmem>>, vector<1x16xf32>,
    %swap3A_325 = vector.shape_cast %swap3A_324 : vector<1x16xf32> to vector<16xf32>
    %swap3A_326 = vector.shape_cast %broadcast_in_dim3A_56 : vector<16xf32> to vector<1x16xf32>
    tpu.vector_store %arg5[%swap3A_322, %swap3A_323], %swap3A_326 {strides = array<i32>} : memref<128x16xf32, #tpu.memory_space<vmem>>, vector<1x16xf32>,
    %swap3A_327 = arith.constant 45 : i32
    %swap3A_328 = arith.index_cast %swap3A_327 : i32 to index
    %swap3A_329 = arith.constant 0 : index
    %swap3A_330 = tpu.vector_load %arg5[%swap3A_328, %swap3A_329] {strides = array<i32>} : memref<128x16xf32, #tpu.memory_space<vmem>>, vector<1x16xf32>,
    %swap3A_331 = vector.shape_cast %swap3A_330 : vector<1x16xf32> to vector<16xf32>
    %swap3A_332 = vector.shape_cast %broadcast_in_dim3A_56 : vector<16xf32> to vector<1x16xf32>
    tpu.vector_store %arg5[%swap3A_328, %swap3A_329], %swap3A_332 {strides = array<i32>} : memref<128x16xf32, #tpu.memory_space<vmem>>, vector<1x16xf32>,
    %swap3A_333 = arith.constant 46 : i32
    %swap3A_334 = arith.index_cast %swap3A_333 : i32 to index
    %swap3A_335 = arith.constant 0 : index
    %swap3A_336 = tpu.vector_load %arg5[%swap3A_334, %swap3A_335] {strides = array<i32>} : memref<128x16xf32, #tpu.memory_space<vmem>>, vector<1x16xf32>,
    %swap3A_337 = vector.shape_cast %swap3A_336 : vector<1x16xf32> to vector<16xf32>
    %swap3A_338 = vector.shape_cast %broadcast_in_dim3A_56 : vector<16xf32> to vector<1x16xf32>
    tpu.vector_store %arg5[%swap3A_334, %swap3A_335], %swap3A_338 {strides = array<i32>} : memref<128x16xf32, #tpu.memory_space<vmem>>, vector<1x16xf32>,
    %swap3A_339 = arith.constant 47 : i32
    %swap3A_340 = arith.index_cast %swap3A_339 : i32 to index
    %swap3A_341 = arith.constant 0 : index
    %swap3A_342 = tpu.vector_load %arg5[%swap3A_340, %swap3A_341] {strides = array<i32>} : memref<128x16xf32, #tpu.memory_space<vmem>>, vector<1x16xf32>,
    %swap3A_343 = vector.shape_cast %swap3A_342 : vector<1x16xf32> to vector<16xf32>
    %swap3A_344 = vector.shape_cast %broadcast_in_dim3A_56 : vector<16xf32> to vector<1x16xf32>
    tpu.vector_store %arg5[%swap3A_340, %swap3A_341], %swap3A_344 {strides = array<i32>} : memref<128x16xf32, #tpu.memory_space<vmem>>, vector<1x16xf32>,
    %swap3A_345 = arith.constant 48 : i32
    %swap3A_346 = arith.index_cast %swap3A_345 : i32 to index
    %swap3A_347 = arith.constant 0 : index
    %swap3A_348 = tpu.vector_load %arg5[%swap3A_346, %swap3A_347] {strides = array<i32>} : memref<128x16xf32, #tpu.memory_space<vmem>>, vector<1x16xf32>,
    %swap3A_349 = vector.shape_cast %swap3A_348 : vector<1x16xf32> to vector<16xf32>
    %swap3A_350 = vector.shape_cast %broadcast_in_dim3A_56 : vector<16xf32> to vector<1x16xf32>
    tpu.vector_store %arg5[%swap3A_346, %swap3A_347], %swap3A_350 {strides = array<i32>} : memref<128x16xf32, #tpu.memory_space<vmem>>, vector<1x16xf32>,
    %swap3A_351 = arith.constant 49 : i32
    %swap3A_352 = arith.index_cast %swap3A_351 : i32 to index
    %swap3A_353 = arith.constant 0 : index
    %swap3A_354 = tpu.vector_load %arg5[%swap3A_352, %swap3A_353] {strides = array<i32>} : memref<128x16xf32, #tpu.memory_space<vmem>>, vector<1x16xf32>,
    %swap3A_355 = vector.shape_cast %swap3A_354 : vector<1x16xf32> to vector<16xf32>
    %swap3A_356 = vector.shape_cast %broadcast_in_dim3A_56 : vector<16xf32> to vector<1x16xf32>
    tpu.vector_store %arg5[%swap3A_352, %swap3A_353], %swap3A_356 {strides = array<i32>} : memref<128x16xf32, #tpu.memory_space<vmem>>, vector<1x16xf32>,
    %swap3A_357 = arith.constant 50 : i32
    %swap3A_358 = arith.index_cast %swap3A_357 : i32 to index
    %swap3A_359 = arith.constant 0 : index
    %swap3A_360 = tpu.vector_load %arg5[%swap3A_358, %swap3A_359] {strides = array<i32>} : memref<128x16xf32, #tpu.memory_space<vmem>>, vector<1x16xf32>,
    %swap3A_361 = vector.shape_cast %swap3A_360 : vector<1x16xf32> to vector<16xf32>
    %swap3A_362 = vector.shape_cast %broadcast_in_dim3A_56 : vector<16xf32> to vector<1x16xf32>
    tpu.vector_store %arg5[%swap3A_358, %swap3A_359], %swap3A_362 {strides = array<i32>} : memref<128x16xf32, #tpu.memory_space<vmem>>, vector<1x16xf32>,
    %swap3A_363 = arith.constant 51 : i32
    %swap3A_364 = arith.index_cast %swap3A_363 : i32 to index
    %swap3A_365 = arith.constant 0 : index
    %swap3A_366 = tpu.vector_load %arg5[%swap3A_364, %swap3A_365] {strides = array<i32>} : memref<128x16xf32, #tpu.memory_space<vmem>>, vector<1x16xf32>,
    %swap3A_367 = vector.shape_cast %swap3A_366 : vector<1x16xf32> to vector<16xf32>
    %swap3A_368 = vector.shape_cast %broadcast_in_dim3A_56 : vector<16xf32> to vector<1x16xf32>
    tpu.vector_store %arg5[%swap3A_364, %swap3A_365], %swap3A_368 {strides = array<i32>} : memref<128x16xf32, #tpu.memory_space<vmem>>, vector<1x16xf32>,
    %swap3A_369 = arith.constant 52 : i32
    %swap3A_370 = arith.index_cast %swap3A_369 : i32 to index
    %swap3A_371 = arith.constant 0 : index
    %swap3A_372 = tpu.vector_load %arg5[%swap3A_370, %swap3A_371] {strides = array<i32>} : memref<128x16xf32, #tpu.memory_space<vmem>>, vector<1x16xf32>,
    %swap3A_373 = vector.shape_cast %swap3A_372 : vector<1x16xf32> to vector<16xf32>
    %swap3A_374 = vector.shape_cast %broadcast_in_dim3A_56 : vector<16xf32> to vector<1x16xf32>
    tpu.vector_store %arg5[%swap3A_370, %swap3A_371], %swap3A_374 {strides = array<i32>} : memref<128x16xf32, #tpu.memory_space<vmem>>, vector<1x16xf32>,
    %swap3A_375 = arith.constant 53 : i32
    %swap3A_376 = arith.index_cast %swap3A_375 : i32 to index
    %swap3A_377 = arith.constant 0 : index
    %swap3A_378 = tpu.vector_load %arg5[%swap3A_376, %swap3A_377] {strides = array<i32>} : memref<128x16xf32, #tpu.memory_space<vmem>>, vector<1x16xf32>,
    %swap3A_379 = vector.shape_cast %swap3A_378 : vector<1x16xf32> to vector<16xf32>
    %swap3A_380 = vector.shape_cast %broadcast_in_dim3A_56 : vector<16xf32> to vector<1x16xf32>
    tpu.vector_store %arg5[%swap3A_376, %swap3A_377], %swap3A_380 {strides = array<i32>} : memref<128x16xf32, #tpu.memory_space<vmem>>, vector<1x16xf32>,
    %swap3A_381 = arith.constant 54 : i32
    %swap3A_382 = arith.index_cast %swap3A_381 : i32 to index
    %swap3A_383 = arith.constant 0 : index
    %swap3A_384 = tpu.vector_load %arg5[%swap3A_382, %swap3A_383] {strides = array<i32>} : memref<128x16xf32, #tpu.memory_space<vmem>>, vector<1x16xf32>,
    %swap3A_385 = vector.shape_cast %swap3A_384 : vector<1x16xf32> to vector<16xf32>
    %swap3A_386 = vector.shape_cast %broadcast_in_dim3A_56 : vector<16xf32> to vector<1x16xf32>
    tpu.vector_store %arg5[%swap3A_382, %swap3A_383], %swap3A_386 {strides = array<i32>} : memref<128x16xf32, #tpu.memory_space<vmem>>, vector<1x16xf32>,
    %swap3A_387 = arith.constant 55 : i32
    %swap3A_388 = arith.index_cast %swap3A_387 : i32 to index
    %swap3A_389 = arith.constant 0 : index
    %swap3A_390 = tpu.vector_load %arg5[%swap3A_388, %swap3A_389] {strides = array<i32>} : memref<128x16xf32, #tpu.memory_space<vmem>>, vector<1x16xf32>,
    %swap3A_391 = vector.shape_cast %swap3A_390 : vector<1x16xf32> to vector<16xf32>
    %swap3A_392 = vector.shape_cast %broadcast_in_dim3A_56 : vector<16xf32> to vector<1x16xf32>
    tpu.vector_store %arg5[%swap3A_388, %swap3A_389], %swap3A_392 {strides = array<i32>} : memref<128x16xf32, #tpu.memory_space<vmem>>, vector<1x16xf32>,
    %swap3A_393 = arith.constant 56 : i32
    %swap3A_394 = arith.index_cast %swap3A_393 : i32 to index
    %swap3A_395 = arith.constant 0 : index
    %swap3A_396 = tpu.vector_load %arg5[%swap3A_394, %swap3A_395] {strides = array<i32>} : memref<128x16xf32, #tpu.memory_space<vmem>>, vector<1x16xf32>,
    %swap3A_397 = vector.shape_cast %swap3A_396 : vector<1x16xf32> to vector<16xf32>
    %swap3A_398 = vector.shape_cast %broadcast_in_dim3A_56 : vector<16xf32> to vector<1x16xf32>
    tpu.vector_store %arg5[%swap3A_394, %swap3A_395], %swap3A_398 {strides = array<i32>} : memref<128x16xf32, #tpu.memory_space<vmem>>, vector<1x16xf32>,
    %swap3A_399 = arith.constant 57 : i32
    %swap3A_400 = arith.index_cast %swap3A_399 : i32 to index
    %swap3A_401 = arith.constant 0 : index
    %swap3A_402 = tpu.vector_load %arg5[%swap3A_400, %swap3A_401] {strides = array<i32>} : memref<128x16xf32, #tpu.memory_space<vmem>>, vector<1x16xf32>,
    %swap3A_403 = vector.shape_cast %swap3A_402 : vector<1x16xf32> to vector<16xf32>
    %swap3A_404 = vector.shape_cast %broadcast_in_dim3A_56 : vector<16xf32> to vector<1x16xf32>
    tpu.vector_store %arg5[%swap3A_400, %swap3A_401], %swap3A_404 {strides = array<i32>} : memref<128x16xf32, #tpu.memory_space<vmem>>, vector<1x16xf32>,
    %swap3A_405 = arith.constant 58 : i32
    %swap3A_406 = arith.index_cast %swap3A_405 : i32 to index
    %swap3A_407 = arith.constant 0 : index
    %swap3A_408 = tpu.vector_load %arg5[%swap3A_406, %swap3A_407] {strides = array<i32>} : memref<128x16xf32, #tpu.memory_space<vmem>>, vector<1x16xf32>,
    %swap3A_409 = vector.shape_cast %swap3A_408 : vector<1x16xf32> to vector<16xf32>
    %swap3A_410 = vector.shape_cast %broadcast_in_dim3A_56 : vector<16xf32> to vector<1x16xf32>
    tpu.vector_store %arg5[%swap3A_406, %swap3A_407], %swap3A_410 {strides = array<i32>} : memref<128x16xf32, #tpu.memory_space<vmem>>, vector<1x16xf32>,
    %swap3A_411 = arith.constant 59 : i32
    %swap3A_412 = arith.index_cast %swap3A_411 : i32 to index
    %swap3A_413 = arith.constant 0 : index
    %swap3A_414 = tpu.vector_load %arg5[%swap3A_412, %swap3A_413] {strides = array<i32>} : memref<128x16xf32, #tpu.memory_space<vmem>>, vector<1x16xf32>,
    %swap3A_415 = vector.shape_cast %swap3A_414 : vector<1x16xf32> to vector<16xf32>
    %swap3A_416 = vector.shape_cast %broadcast_in_dim3A_56 : vector<16xf32> to vector<1x16xf32>
    tpu.vector_store %arg5[%swap3A_412, %swap3A_413], %swap3A_416 {strides = array<i32>} : memref<128x16xf32, #tpu.memory_space<vmem>>, vector<1x16xf32>,
    %swap3A_417 = arith.constant 60 : i32
    %swap3A_418 = arith.index_cast %swap3A_417 : i32 to index
    %swap3A_419 = arith.constant 0 : index
    %swap3A_420 = tpu.vector_load %arg5[%swap3A_418, %swap3A_419] {strides = array<i32>} : memref<128x16xf32, #tpu.memory_space<vmem>>, vector<1x16xf32>,
    %swap3A_421 = vector.shape_cast %swap3A_420 : vector<1x16xf32> to vector<16xf32>
    %swap3A_422 = vector.shape_cast %broadcast_in_dim3A_56 : vector<16xf32> to vector<1x16xf32>
    tpu.vector_store %arg5[%swap3A_418, %swap3A_419], %swap3A_422 {strides = array<i32>} : memref<128x16xf32, #tpu.memory_space<vmem>>, vector<1x16xf32>,
    %swap3A_423 = arith.constant 61 : i32
    %swap3A_424 = arith.index_cast %swap3A_423 : i32 to index
    %swap3A_425 = arith.constant 0 : index
    %swap3A_426 = tpu.vector_load %arg5[%swap3A_424, %swap3A_425] {strides = array<i32>} : memref<128x16xf32, #tpu.memory_space<vmem>>, vector<1x16xf32>,
    %swap3A_427 = vector.shape_cast %swap3A_426 : vector<1x16xf32> to vector<16xf32>
    %swap3A_428 = vector.shape_cast %broadcast_in_dim3A_56 : vector<16xf32> to vector<1x16xf32>
    tpu.vector_store %arg5[%swap3A_424, %swap3A_425], %swap3A_428 {strides = array<i32>} : memref<128x16xf32, #tpu.memory_space<vmem>>, vector<1x16xf32>,
    %swap3A_429 = arith.constant 62 : i32
    %swap3A_430 = arith.index_cast %swap3A_429 : i32 to index
    %swap3A_431 = arith.constant 0 : index
    %swap3A_432 = tpu.vector_load %arg5[%swap3A_430, %swap3A_431] {strides = array<i32>} : memref<128x16xf32, #tpu.memory_space<vmem>>, vector<1x16xf32>,
    %swap3A_433 = vector.shape_cast %swap3A_432 : vector<1x16xf32> to vector<16xf32>
    %swap3A_434 = vector.shape_cast %broadcast_in_dim3A_56 : vector<16xf32> to vector<1x16xf32>
    tpu.vector_store %arg5[%swap3A_430, %swap3A_431], %swap3A_434 {strides = array<i32>} : memref<128x16xf32, #tpu.memory_space<vmem>>, vector<1x16xf32>,
    %swap3A_435 = arith.constant 63 : i32
    %swap3A_436 = arith.index_cast %swap3A_435 : i32 to index
    %swap3A_437 = arith.constant 0 : index
    %swap3A_438 = tpu.vector_load %arg5[%swap3A_436, %swap3A_437] {strides = array<i32>} : memref<128x16xf32, #tpu.memory_space<vmem>>, vector<1x16xf32>,
    %swap3A_439 = vector.shape_cast %swap3A_438 : vector<1x16xf32> to vector<16xf32>
    %swap3A_440 = vector.shape_cast %broadcast_in_dim3A_56 : vector<16xf32> to vector<1x16xf32>
    tpu.vector_store %arg5[%swap3A_436, %swap3A_437], %swap3A_440 {strides = array<i32>} : memref<128x16xf32, #tpu.memory_space<vmem>>, vector<1x16xf32>,
    %swap3A_441 = arith.constant 64 : i32
    %swap3A_442 = arith.index_cast %swap3A_441 : i32 to index
    %swap3A_443 = arith.constant 0 : index
    %swap3A_444 = tpu.vector_load %arg5[%swap3A_442, %swap3A_443] {strides = array<i32>} : memref<128x16xf32, #tpu.memory_space<vmem>>, vector<1x16xf32>,
    %swap3A_445 = vector.shape_cast %swap3A_444 : vector<1x16xf32> to vector<16xf32>
    %swap3A_446 = vector.shape_cast %broadcast_in_dim3A_56 : vector<16xf32> to vector<1x16xf32>
    tpu.vector_store %arg5[%swap3A_442, %swap3A_443], %swap3A_446 {strides = array<i32>} : memref<128x16xf32, #tpu.memory_space<vmem>>, vector<1x16xf32>,
    %swap3A_447 = arith.constant 65 : i32
    %swap3A_448 = arith.index_cast %swap3A_447 : i32 to index
    %swap3A_449 = arith.constant 0 : index
    %swap3A_450 = tpu.vector_load %arg5[%swap3A_448, %swap3A_449] {strides = array<i32>} : memref<128x16xf32, #tpu.memory_space<vmem>>, vector<1x16xf32>,
    %swap3A_451 = vector.shape_cast %swap3A_450 : vector<1x16xf32> to vector<16xf32>
    %swap3A_452 = vector.shape_cast %broadcast_in_dim3A_56 : vector<16xf32> to vector<1x16xf32>
    tpu.vector_store %arg5[%swap3A_448, %swap3A_449], %swap3A_452 {strides = array<i32>} : memref<128x16xf32, #tpu.memory_space<vmem>>, vector<1x16xf32>,
    %swap3A_453 = arith.constant 66 : i32
    %swap3A_454 = arith.index_cast %swap3A_453 : i32 to index
    %swap3A_455 = arith.constant 0 : index
    %swap3A_456 = tpu.vector_load %arg5[%swap3A_454, %swap3A_455] {strides = array<i32>} : memref<128x16xf32, #tpu.memory_space<vmem>>, vector<1x16xf32>,
    %swap3A_457 = vector.shape_cast %swap3A_456 : vector<1x16xf32> to vector<16xf32>
    %swap3A_458 = vector.shape_cast %broadcast_in_dim3A_56 : vector<16xf32> to vector<1x16xf32>
    tpu.vector_store %arg5[%swap3A_454, %swap3A_455], %swap3A_458 {strides = array<i32>} : memref<128x16xf32, #tpu.memory_space<vmem>>, vector<1x16xf32>,
    %swap3A_459 = arith.constant 67 : i32
    %swap3A_460 = arith.index_cast %swap3A_459 : i32 to index
    %swap3A_461 = arith.constant 0 : index
    %swap3A_462 = tpu.vector_load %arg5[%swap3A_460, %swap3A_461] {strides = array<i32>} : memref<128x16xf32, #tpu.memory_space<vmem>>, vector<1x16xf32>,
    %swap3A_463 = vector.shape_cast %swap3A_462 : vector<1x16xf32> to vector<16xf32>
    %swap3A_464 = vector.shape_cast %broadcast_in_dim3A_56 : vector<16xf32> to vector<1x16xf32>
    tpu.vector_store %arg5[%swap3A_460, %swap3A_461], %swap3A_464 {strides = array<i32>} : memref<128x16xf32, #tpu.memory_space<vmem>>, vector<1x16xf32>,
    %swap3A_465 = arith.constant 68 : i32
    %swap3A_466 = arith.index_cast %swap3A_465 : i32 to index
    %swap3A_467 = arith.constant 0 : index
    %swap3A_468 = tpu.vector_load %arg5[%swap3A_466, %swap3A_467] {strides = array<i32>} : memref<128x16xf32, #tpu.memory_space<vmem>>, vector<1x16xf32>,
    %swap3A_469 = vector.shape_cast %swap3A_468 : vector<1x16xf32> to vector<16xf32>
    %swap3A_470 = vector.shape_cast %broadcast_in_dim3A_56 : vector<16xf32> to vector<1x16xf32>
    tpu.vector_store %arg5[%swap3A_466, %swap3A_467], %swap3A_470 {strides = array<i32>} : memref<128x16xf32, #tpu.memory_space<vmem>>, vector<1x16xf32>,
    %swap3A_471 = arith.constant 69 : i32
    %swap3A_472 = arith.index_cast %swap3A_471 : i32 to index
    %swap3A_473 = arith.constant 0 : index
    %swap3A_474 = tpu.vector_load %arg5[%swap3A_472, %swap3A_473] {strides = array<i32>} : memref<128x16xf32, #tpu.memory_space<vmem>>, vector<1x16xf32>,
    %swap3A_475 = vector.shape_cast %swap3A_474 : vector<1x16xf32> to vector<16xf32>
    %swap3A_476 = vector.shape_cast %broadcast_in_dim3A_56 : vector<16xf32> to vector<1x16xf32>
    tpu.vector_store %arg5[%swap3A_472, %swap3A_473], %swap3A_476 {strides = array<i32>} : memref<128x16xf32, #tpu.memory_space<vmem>>, vector<1x16xf32>,
    %swap3A_477 = arith.constant 70 : i32
    %swap3A_478 = arith.index_cast %swap3A_477 : i32 to index
    %swap3A_479 = arith.constant 0 : index
    %swap3A_480 = tpu.vector_load %arg5[%swap3A_478, %swap3A_479] {strides = array<i32>} : memref<128x16xf32, #tpu.memory_space<vmem>>, vector<1x16xf32>,
    %swap3A_481 = vector.shape_cast %swap3A_480 : vector<1x16xf32> to vector<16xf32>
    %swap3A_482 = vector.shape_cast %broadcast_in_dim3A_56 : vector<16xf32> to vector<1x16xf32>
    tpu.vector_store %arg5[%swap3A_478, %swap3A_479], %swap3A_482 {strides = array<i32>} : memref<128x16xf32, #tpu.memory_space<vmem>>, vector<1x16xf32>,
    %swap3A_483 = arith.constant 71 : i32
    %swap3A_484 = arith.index_cast %swap3A_483 : i32 to index
    %swap3A_485 = arith.constant 0 : index
    %swap3A_486 = tpu.vector_load %arg5[%swap3A_484, %swap3A_485] {strides = array<i32>} : memref<128x16xf32, #tpu.memory_space<vmem>>, vector<1x16xf32>,
    %swap3A_487 = vector.shape_cast %swap3A_486 : vector<1x16xf32> to vector<16xf32>
    %swap3A_488 = vector.shape_cast %broadcast_in_dim3A_56 : vector<16xf32> to vector<1x16xf32>
    tpu.vector_store %arg5[%swap3A_484, %swap3A_485], %swap3A_488 {strides = array<i32>} : memref<128x16xf32, #tpu.memory_space<vmem>>, vector<1x16xf32>,
    %swap3A_489 = arith.constant 72 : i32
    %swap3A_490 = arith.index_cast %swap3A_489 : i32 to index
    %swap3A_491 = arith.constant 0 : index
    %swap3A_492 = tpu.vector_load %arg5[%swap3A_490, %swap3A_491] {strides = array<i32>} : memref<128x16xf32, #tpu.memory_space<vmem>>, vector<1x16xf32>,
    %swap3A_493 = vector.shape_cast %swap3A_492 : vector<1x16xf32> to vector<16xf32>
    %swap3A_494 = vector.shape_cast %broadcast_in_dim3A_56 : vector<16xf32> to vector<1x16xf32>
    tpu.vector_store %arg5[%swap3A_490, %swap3A_491], %swap3A_494 {strides = array<i32>} : memref<128x16xf32, #tpu.memory_space<vmem>>, vector<1x16xf32>,
    %swap3A_495 = arith.constant 73 : i32
    %swap3A_496 = arith.index_cast %swap3A_495 : i32 to index
    %swap3A_497 = arith.constant 0 : index
    %swap3A_498 = tpu.vector_load %arg5[%swap3A_496, %swap3A_497] {strides = array<i32>} : memref<128x16xf32, #tpu.memory_space<vmem>>, vector<1x16xf32>,
    %swap3A_499 = vector.shape_cast %swap3A_498 : vector<1x16xf32> to vector<16xf32>
    %swap3A_500 = vector.shape_cast %broadcast_in_dim3A_56 : vector<16xf32> to vector<1x16xf32>
    tpu.vector_store %arg5[%swap3A_496, %swap3A_497], %swap3A_500 {strides = array<i32>} : memref<128x16xf32, #tpu.memory_space<vmem>>, vector<1x16xf32>,
    %swap3A_501 = arith.constant 74 : i32
    %swap3A_502 = arith.index_cast %swap3A_501 : i32 to index
    %swap3A_503 = arith.constant 0 : index
    %swap3A_504 = tpu.vector_load %arg5[%swap3A_502, %swap3A_503] {strides = array<i32>} : memref<128x16xf32, #tpu.memory_space<vmem>>, vector<1x16xf32>,
    %swap3A_505 = vector.shape_cast %swap3A_504 : vector<1x16xf32> to vector<16xf32>
    %swap3A_506 = vector.shape_cast %broadcast_in_dim3A_56 : vector<16xf32> to vector<1x16xf32>
    tpu.vector_store %arg5[%swap3A_502, %swap3A_503], %swap3A_506 {strides = array<i32>} : memref<128x16xf32, #tpu.memory_space<vmem>>, vector<1x16xf32>,
    %swap3A_507 = arith.constant 75 : i32
    %swap3A_508 = arith.index_cast %swap3A_507 : i32 to index
    %swap3A_509 = arith.constant 0 : index
    %swap3A_510 = tpu.vector_load %arg5[%swap3A_508, %swap3A_509] {strides = array<i32>} : memref<128x16xf32, #tpu.memory_space<vmem>>, vector<1x16xf32>,
    %swap3A_511 = vector.shape_cast %swap3A_510 : vector<1x16xf32> to vector<16xf32>
    %swap3A_512 = vector.shape_cast %broadcast_in_dim3A_56 : vector<16xf32> to vector<1x16xf32>
    tpu.vector_store %arg5[%swap3A_508, %swap3A_509], %swap3A_512 {strides = array<i32>} : memref<128x16xf32, #tpu.memory_space<vmem>>, vector<1x16xf32>,
    %swap3A_513 = arith.constant 76 : i32
    %swap3A_514 = arith.index_cast %swap3A_513 : i32 to index
    %swap3A_515 = arith.constant 0 : index
    %swap3A_516 = tpu.vector_load %arg5[%swap3A_514, %swap3A_515] {strides = array<i32>} : memref<128x16xf32, #tpu.memory_space<vmem>>, vector<1x16xf32>,
    %swap3A_517 = vector.shape_cast %swap3A_516 : vector<1x16xf32> to vector<16xf32>
    %swap3A_518 = vector.shape_cast %broadcast_in_dim3A_56 : vector<16xf32> to vector<1x16xf32>
    tpu.vector_store %arg5[%swap3A_514, %swap3A_515], %swap3A_518 {strides = array<i32>} : memref<128x16xf32, #tpu.memory_space<vmem>>, vector<1x16xf32>,
    %swap3A_519 = arith.constant 77 : i32
    %swap3A_520 = arith.index_cast %swap3A_519 : i32 to index
    %swap3A_521 = arith.constant 0 : index
    %swap3A_522 = tpu.vector_load %arg5[%swap3A_520, %swap3A_521] {strides = array<i32>} : memref<128x16xf32, #tpu.memory_space<vmem>>, vector<1x16xf32>,
    %swap3A_523 = vector.shape_cast %swap3A_522 : vector<1x16xf32> to vector<16xf32>
    %swap3A_524 = vector.shape_cast %broadcast_in_dim3A_56 : vector<16xf32> to vector<1x16xf32>
    tpu.vector_store %arg5[%swap3A_520, %swap3A_521], %swap3A_524 {strides = array<i32>} : memref<128x16xf32, #tpu.memory_space<vmem>>, vector<1x16xf32>,
    %swap3A_525 = arith.constant 78 : i32
    %swap3A_526 = arith.index_cast %swap3A_525 : i32 to index
    %swap3A_527 = arith.constant 0 : index
    %swap3A_528 = tpu.vector_load %arg5[%swap3A_526, %swap3A_527] {strides = array<i32>} : memref<128x16xf32, #tpu.memory_space<vmem>>, vector<1x16xf32>,
    %swap3A_529 = vector.shape_cast %swap3A_528 : vector<1x16xf32> to vector<16xf32>
    %swap3A_530 = vector.shape_cast %broadcast_in_dim3A_56 : vector<16xf32> to vector<1x16xf32>
    tpu.vector_store %arg5[%swap3A_526, %swap3A_527], %swap3A_530 {strides = array<i32>} : memref<128x16xf32, #tpu.memory_space<vmem>>, vector<1x16xf32>,
    %swap3A_531 = arith.constant 79 : i32
    %swap3A_532 = arith.index_cast %swap3A_531 : i32 to index
    %swap3A_533 = arith.constant 0 : index
    %swap3A_534 = tpu.vector_load %arg5[%swap3A_532, %swap3A_533] {strides = array<i32>} : memref<128x16xf32, #tpu.memory_space<vmem>>, vector<1x16xf32>,
    %swap3A_535 = vector.shape_cast %swap3A_534 : vector<1x16xf32> to vector<16xf32>
    %swap3A_536 = vector.shape_cast %broadcast_in_dim3A_56 : vector<16xf32> to vector<1x16xf32>
    tpu.vector_store %arg5[%swap3A_532, %swap3A_533], %swap3A_536 {strides = array<i32>} : memref<128x16xf32, #tpu.memory_space<vmem>>, vector<1x16xf32>,
    %swap3A_537 = arith.constant 80 : i32
    %swap3A_538 = arith.index_cast %swap3A_537 : i32 to index
    %swap3A_539 = arith.constant 0 : index
    %swap3A_540 = tpu.vector_load %arg5[%swap3A_538, %swap3A_539] {strides = array<i32>} : memref<128x16xf32, #tpu.memory_space<vmem>>, vector<1x16xf32>,
    %swap3A_541 = vector.shape_cast %swap3A_540 : vector<1x16xf32> to vector<16xf32>
    %swap3A_542 = vector.shape_cast %broadcast_in_dim3A_56 : vector<16xf32> to vector<1x16xf32>
    tpu.vector_store %arg5[%swap3A_538, %swap3A_539], %swap3A_542 {strides = array<i32>} : memref<128x16xf32, #tpu.memory_space<vmem>>, vector<1x16xf32>,
    %swap3A_543 = arith.constant 81 : i32
    %swap3A_544 = arith.index_cast %swap3A_543 : i32 to index
    %swap3A_545 = arith.constant 0 : index
    %swap3A_546 = tpu.vector_load %arg5[%swap3A_544, %swap3A_545] {strides = array<i32>} : memref<128x16xf32, #tpu.memory_space<vmem>>, vector<1x16xf32>,
    %swap3A_547 = vector.shape_cast %swap3A_546 : vector<1x16xf32> to vector<16xf32>
    %swap3A_548 = vector.shape_cast %broadcast_in_dim3A_56 : vector<16xf32> to vector<1x16xf32>
    tpu.vector_store %arg5[%swap3A_544, %swap3A_545], %swap3A_548 {strides = array<i32>} : memref<128x16xf32, #tpu.memory_space<vmem>>, vector<1x16xf32>,
    %swap3A_549 = arith.constant 82 : i32
    %swap3A_550 = arith.index_cast %swap3A_549 : i32 to index
    %swap3A_551 = arith.constant 0 : index
    %swap3A_552 = tpu.vector_load %arg5[%swap3A_550, %swap3A_551] {strides = array<i32>} : memref<128x16xf32, #tpu.memory_space<vmem>>, vector<1x16xf32>,
    %swap3A_553 = vector.shape_cast %swap3A_552 : vector<1x16xf32> to vector<16xf32>
    %swap3A_554 = vector.shape_cast %broadcast_in_dim3A_56 : vector<16xf32> to vector<1x16xf32>
    tpu.vector_store %arg5[%swap3A_550, %swap3A_551], %swap3A_554 {strides = array<i32>} : memref<128x16xf32, #tpu.memory_space<vmem>>, vector<1x16xf32>,
    %swap3A_555 = arith.constant 83 : i32
    %swap3A_556 = arith.index_cast %swap3A_555 : i32 to index
    %swap3A_557 = arith.constant 0 : index
    %swap3A_558 = tpu.vector_load %arg5[%swap3A_556, %swap3A_557] {strides = array<i32>} : memref<128x16xf32, #tpu.memory_space<vmem>>, vector<1x16xf32>,
    %swap3A_559 = vector.shape_cast %swap3A_558 : vector<1x16xf32> to vector<16xf32>
    %swap3A_560 = vector.shape_cast %broadcast_in_dim3A_56 : vector<16xf32> to vector<1x16xf32>
    tpu.vector_store %arg5[%swap3A_556, %swap3A_557], %swap3A_560 {strides = array<i32>} : memref<128x16xf32, #tpu.memory_space<vmem>>, vector<1x16xf32>,
    %swap3A_561 = arith.constant 84 : i32
    %swap3A_562 = arith.index_cast %swap3A_561 : i32 to index
    %swap3A_563 = arith.constant 0 : index
    %swap3A_564 = tpu.vector_load %arg5[%swap3A_562, %swap3A_563] {strides = array<i32>} : memref<128x16xf32, #tpu.memory_space<vmem>>, vector<1x16xf32>,
    %swap3A_565 = vector.shape_cast %swap3A_564 : vector<1x16xf32> to vector<16xf32>
    %swap3A_566 = vector.shape_cast %broadcast_in_dim3A_56 : vector<16xf32> to vector<1x16xf32>
    tpu.vector_store %arg5[%swap3A_562, %swap3A_563], %swap3A_566 {strides = array<i32>} : memref<128x16xf32, #tpu.memory_space<vmem>>, vector<1x16xf32>,
    %swap3A_567 = arith.constant 85 : i32
    %swap3A_568 = arith.index_cast %swap3A_567 : i32 to index
    %swap3A_569 = arith.constant 0 : index
    %swap3A_570 = tpu.vector_load %arg5[%swap3A_568, %swap3A_569] {strides = array<i32>} : memref<128x16xf32, #tpu.memory_space<vmem>>, vector<1x16xf32>,
    %swap3A_571 = vector.shape_cast %swap3A_570 : vector<1x16xf32> to vector<16xf32>
    %swap3A_572 = vector.shape_cast %broadcast_in_dim3A_56 : vector<16xf32> to vector<1x16xf32>
    tpu.vector_store %arg5[%swap3A_568, %swap3A_569], %swap3A_572 {strides = array<i32>} : memref<128x16xf32, #tpu.memory_space<vmem>>, vector<1x16xf32>,
    %swap3A_573 = arith.constant 86 : i32
    %swap3A_574 = arith.index_cast %swap3A_573 : i32 to index
    %swap3A_575 = arith.constant 0 : index
    %swap3A_576 = tpu.vector_load %arg5[%swap3A_574, %swap3A_575] {strides = array<i32>} : memref<128x16xf32, #tpu.memory_space<vmem>>, vector<1x16xf32>,
    %swap3A_577 = vector.shape_cast %swap3A_576 : vector<1x16xf32> to vector<16xf32>
    %swap3A_578 = vector.shape_cast %broadcast_in_dim3A_56 : vector<16xf32> to vector<1x16xf32>
    tpu.vector_store %arg5[%swap3A_574, %swap3A_575], %swap3A_578 {strides = array<i32>} : memref<128x16xf32, #tpu.memory_space<vmem>>, vector<1x16xf32>,
    %swap3A_579 = arith.constant 87 : i32
    %swap3A_580 = arith.index_cast %swap3A_579 : i32 to index
    %swap3A_581 = arith.constant 0 : index
    %swap3A_582 = tpu.vector_load %arg5[%swap3A_580, %swap3A_581] {strides = array<i32>} : memref<128x16xf32, #tpu.memory_space<vmem>>, vector<1x16xf32>,
    %swap3A_583 = vector.shape_cast %swap3A_582 : vector<1x16xf32> to vector<16xf32>
    %swap3A_584 = vector.shape_cast %broadcast_in_dim3A_56 : vector<16xf32> to vector<1x16xf32>
    tpu.vector_store %arg5[%swap3A_580, %swap3A_581], %swap3A_584 {strides = array<i32>} : memref<128x16xf32, #tpu.memory_space<vmem>>, vector<1x16xf32>,
    %swap3A_585 = arith.constant 88 : i32
    %swap3A_586 = arith.index_cast %swap3A_585 : i32 to index
    %swap3A_587 = arith.constant 0 : index
    %swap3A_588 = tpu.vector_load %arg5[%swap3A_586, %swap3A_587] {strides = array<i32>} : memref<128x16xf32, #tpu.memory_space<vmem>>, vector<1x16xf32>,
    %swap3A_589 = vector.shape_cast %swap3A_588 : vector<1x16xf32> to vector<16xf32>
    %swap3A_590 = vector.shape_cast %broadcast_in_dim3A_56 : vector<16xf32> to vector<1x16xf32>
    tpu.vector_store %arg5[%swap3A_586, %swap3A_587], %swap3A_590 {strides = array<i32>} : memref<128x16xf32, #tpu.memory_space<vmem>>, vector<1x16xf32>,
    %swap3A_591 = arith.constant 89 : i32
    %swap3A_592 = arith.index_cast %swap3A_591 : i32 to index
    %swap3A_593 = arith.constant 0 : index
    %swap3A_594 = tpu.vector_load %arg5[%swap3A_592, %swap3A_593] {strides = array<i32>} : memref<128x16xf32, #tpu.memory_space<vmem>>, vector<1x16xf32>,
    %swap3A_595 = vector.shape_cast %swap3A_594 : vector<1x16xf32> to vector<16xf32>
    %swap3A_596 = vector.shape_cast %broadcast_in_dim3A_56 : vector<16xf32> to vector<1x16xf32>
    tpu.vector_store %arg5[%swap3A_592, %swap3A_593], %swap3A_596 {strides = array<i32>} : memref<128x16xf32, #tpu.memory_space<vmem>>, vector<1x16xf32>,
    %swap3A_597 = arith.constant 90 : i32
    %swap3A_598 = arith.index_cast %swap3A_597 : i32 to index
    %swap3A_599 = arith.constant 0 : index
    %swap3A_600 = tpu.vector_load %arg5[%swap3A_598, %swap3A_599] {strides = array<i32>} : memref<128x16xf32, #tpu.memory_space<vmem>>, vector<1x16xf32>,
    %swap3A_601 = vector.shape_cast %swap3A_600 : vector<1x16xf32> to vector<16xf32>
    %swap3A_602 = vector.shape_cast %broadcast_in_dim3A_56 : vector<16xf32> to vector<1x16xf32>
    tpu.vector_store %arg5[%swap3A_598, %swap3A_599], %swap3A_602 {strides = array<i32>} : memref<128x16xf32, #tpu.memory_space<vmem>>, vector<1x16xf32>,
    %swap3A_603 = arith.constant 91 : i32
    %swap3A_604 = arith.index_cast %swap3A_603 : i32 to index
    %swap3A_605 = arith.constant 0 : index
    %swap3A_606 = tpu.vector_load %arg5[%swap3A_604, %swap3A_605] {strides = array<i32>} : memref<128x16xf32, #tpu.memory_space<vmem>>, vector<1x16xf32>,
    %swap3A_607 = vector.shape_cast %swap3A_606 : vector<1x16xf32> to vector<16xf32>
    %swap3A_608 = vector.shape_cast %broadcast_in_dim3A_56 : vector<16xf32> to vector<1x16xf32>
    tpu.vector_store %arg5[%swap3A_604, %swap3A_605], %swap3A_608 {strides = array<i32>} : memref<128x16xf32, #tpu.memory_space<vmem>>, vector<1x16xf32>,
    %swap3A_609 = arith.constant 92 : i32
    %swap3A_610 = arith.index_cast %swap3A_609 : i32 to index
    %swap3A_611 = arith.constant 0 : index
    %swap3A_612 = tpu.vector_load %arg5[%swap3A_610, %swap3A_611] {strides = array<i32>} : memref<128x16xf32, #tpu.memory_space<vmem>>, vector<1x16xf32>,
    %swap3A_613 = vector.shape_cast %swap3A_612 : vector<1x16xf32> to vector<16xf32>
    %swap3A_614 = vector.shape_cast %broadcast_in_dim3A_56 : vector<16xf32> to vector<1x16xf32>
    tpu.vector_store %arg5[%swap3A_610, %swap3A_611], %swap3A_614 {strides = array<i32>} : memref<128x16xf32, #tpu.memory_space<vmem>>, vector<1x16xf32>,
    %swap3A_615 = arith.constant 93 : i32
    %swap3A_616 = arith.index_cast %swap3A_615 : i32 to index
    %swap3A_617 = arith.constant 0 : index
    %swap3A_618 = tpu.vector_load %arg5[%swap3A_616, %swap3A_617] {strides = array<i32>} : memref<128x16xf32, #tpu.memory_space<vmem>>, vector<1x16xf32>,
    %swap3A_619 = vector.shape_cast %swap3A_618 : vector<1x16xf32> to vector<16xf32>
    %swap3A_620 = vector.shape_cast %broadcast_in_dim3A_56 : vector<16xf32> to vector<1x16xf32>
    tpu.vector_store %arg5[%swap3A_616, %swap3A_617], %swap3A_620 {strides = array<i32>} : memref<128x16xf32, #tpu.memory_space<vmem>>, vector<1x16xf32>,
    %swap3A_621 = arith.constant 94 : i32
    %swap3A_622 = arith.index_cast %swap3A_621 : i32 to index
    %swap3A_623 = arith.constant 0 : index
    %swap3A_624 = tpu.vector_load %arg5[%swap3A_622, %swap3A_623] {strides = array<i32>} : memref<128x16xf32, #tpu.memory_space<vmem>>, vector<1x16xf32>,
    %swap3A_625 = vector.shape_cast %swap3A_624 : vector<1x16xf32> to vector<16xf32>
    %swap3A_626 = vector.shape_cast %broadcast_in_dim3A_56 : vector<16xf32> to vector<1x16xf32>
    tpu.vector_store %arg5[%swap3A_622, %swap3A_623], %swap3A_626 {strides = array<i32>} : memref<128x16xf32, #tpu.memory_space<vmem>>, vector<1x16xf32>,
    %swap3A_627 = arith.constant 95 : i32
    %swap3A_628 = arith.index_cast %swap3A_627 : i32 to index
    %swap3A_629 = arith.constant 0 : index
    %swap3A_630 = tpu.vector_load %arg5[%swap3A_628, %swap3A_629] {strides = array<i32>} : memref<128x16xf32, #tpu.memory_space<vmem>>, vector<1x16xf32>,
    %swap3A_631 = vector.shape_cast %swap3A_630 : vector<1x16xf32> to vector<16xf32>
    %swap3A_632 = vector.shape_cast %broadcast_in_dim3A_56 : vector<16xf32> to vector<1x16xf32>
    tpu.vector_store %arg5[%swap3A_628, %swap3A_629], %swap3A_632 {strides = array<i32>} : memref<128x16xf32, #tpu.memory_space<vmem>>, vector<1x16xf32>,
    %swap3A_633 = arith.constant 96 : i32
    %swap3A_634 = arith.index_cast %swap3A_633 : i32 to index
    %swap3A_635 = arith.constant 0 : index
    %swap3A_636 = tpu.vector_load %arg5[%swap3A_634, %swap3A_635] {strides = array<i32>} : memref<128x16xf32, #tpu.memory_space<vmem>>, vector<1x16xf32>,
    %swap3A_637 = vector.shape_cast %swap3A_636 : vector<1x16xf32> to vector<16xf32>
    %swap3A_638 = vector.shape_cast %broadcast_in_dim3A_56 : vector<16xf32> to vector<1x16xf32>
    tpu.vector_store %arg5[%swap3A_634, %swap3A_635], %swap3A_638 {strides = array<i32>} : memref<128x16xf32, #tpu.memory_space<vmem>>, vector<1x16xf32>,
    %swap3A_639 = arith.constant 97 : i32
    %swap3A_640 = arith.index_cast %swap3A_639 : i32 to index
    %swap3A_641 = arith.constant 0 : index
    %swap3A_642 = tpu.vector_load %arg5[%swap3A_640, %swap3A_641] {strides = array<i32>} : memref<128x16xf32, #tpu.memory_space<vmem>>, vector<1x16xf32>,
    %swap3A_643 = vector.shape_cast %swap3A_642 : vector<1x16xf32> to vector<16xf32>
    %swap3A_644 = vector.shape_cast %broadcast_in_dim3A_56 : vector<16xf32> to vector<1x16xf32>
    tpu.vector_store %arg5[%swap3A_640, %swap3A_641], %swap3A_644 {strides = array<i32>} : memref<128x16xf32, #tpu.memory_space<vmem>>, vector<1x16xf32>,
    %swap3A_645 = arith.constant 98 : i32
    %swap3A_646 = arith.index_cast %swap3A_645 : i32 to index
    %swap3A_647 = arith.constant 0 : index
    %swap3A_648 = tpu.vector_load %arg5[%swap3A_646, %swap3A_647] {strides = array<i32>} : memref<128x16xf32, #tpu.memory_space<vmem>>, vector<1x16xf32>,
    %swap3A_649 = vector.shape_cast %swap3A_648 : vector<1x16xf32> to vector<16xf32>
    %swap3A_650 = vector.shape_cast %broadcast_in_dim3A_56 : vector<16xf32> to vector<1x16xf32>
    tpu.vector_store %arg5[%swap3A_646, %swap3A_647], %swap3A_650 {strides = array<i32>} : memref<128x16xf32, #tpu.memory_space<vmem>>, vector<1x16xf32>,
    %swap3A_651 = arith.constant 99 : i32
    %swap3A_652 = arith.index_cast %swap3A_651 : i32 to index
    %swap3A_653 = arith.constant 0 : index
    %swap3A_654 = tpu.vector_load %arg5[%swap3A_652, %swap3A_653] {strides = array<i32>} : memref<128x16xf32, #tpu.memory_space<vmem>>, vector<1x16xf32>,
    %swap3A_655 = vector.shape_cast %swap3A_654 : vector<1x16xf32> to vector<16xf32>
    %swap3A_656 = vector.shape_cast %broadcast_in_dim3A_56 : vector<16xf32> to vector<1x16xf32>
    tpu.vector_store %arg5[%swap3A_652, %swap3A_653], %swap3A_656 {strides = array<i32>} : memref<128x16xf32, #tpu.memory_space<vmem>>, vector<1x16xf32>,
    %swap3A_657 = arith.constant 100 : i32
    %swap3A_658 = arith.index_cast %swap3A_657 : i32 to index
    %swap3A_659 = arith.constant 0 : index
    %swap3A_660 = tpu.vector_load %arg5[%swap3A_658, %swap3A_659] {strides = array<i32>} : memref<128x16xf32, #tpu.memory_space<vmem>>, vector<1x16xf32>,
    %swap3A_661 = vector.shape_cast %swap3A_660 : vector<1x16xf32> to vector<16xf32>
    %swap3A_662 = vector.shape_cast %broadcast_in_dim3A_56 : vector<16xf32> to vector<1x16xf32>
    tpu.vector_store %arg5[%swap3A_658, %swap3A_659], %swap3A_662 {strides = array<i32>} : memref<128x16xf32, #tpu.memory_space<vmem>>, vector<1x16xf32>,
    %swap3A_663 = arith.constant 101 : i32
    %swap3A_664 = arith.index_cast %swap3A_663 : i32 to index
    %swap3A_665 = arith.constant 0 : index
    %swap3A_666 = tpu.vector_load %arg5[%swap3A_664, %swap3A_665] {strides = array<i32>} : memref<128x16xf32, #tpu.memory_space<vmem>>, vector<1x16xf32>,
    %swap3A_667 = vector.shape_cast %swap3A_666 : vector<1x16xf32> to vector<16xf32>
    %swap3A_668 = vector.shape_cast %broadcast_in_dim3A_56 : vector<16xf32> to vector<1x16xf32>
    tpu.vector_store %arg5[%swap3A_664, %swap3A_665], %swap3A_668 {strides = array<i32>} : memref<128x16xf32, #tpu.memory_space<vmem>>, vector<1x16xf32>,
    %swap3A_669 = arith.constant 102 : i32
    %swap3A_670 = arith.index_cast %swap3A_669 : i32 to index
    %swap3A_671 = arith.constant 0 : index
    %swap3A_672 = tpu.vector_load %arg5[%swap3A_670, %swap3A_671] {strides = array<i32>} : memref<128x16xf32, #tpu.memory_space<vmem>>, vector<1x16xf32>,
    %swap3A_673 = vector.shape_cast %swap3A_672 : vector<1x16xf32> to vector<16xf32>
    %swap3A_674 = vector.shape_cast %broadcast_in_dim3A_56 : vector<16xf32> to vector<1x16xf32>
    tpu.vector_store %arg5[%swap3A_670, %swap3A_671], %swap3A_674 {strides = array<i32>} : memref<128x16xf32, #tpu.memory_space<vmem>>, vector<1x16xf32>,
    %swap3A_675 = arith.constant 103 : i32
    %swap3A_676 = arith.index_cast %swap3A_675 : i32 to index
    %swap3A_677 = arith.constant 0 : index
    %swap3A_678 = tpu.vector_load %arg5[%swap3A_676, %swap3A_677] {strides = array<i32>} : memref<128x16xf32, #tpu.memory_space<vmem>>, vector<1x16xf32>,
    %swap3A_679 = vector.shape_cast %swap3A_678 : vector<1x16xf32> to vector<16xf32>
    %swap3A_680 = vector.shape_cast %broadcast_in_dim3A_56 : vector<16xf32> to vector<1x16xf32>
    tpu.vector_store %arg5[%swap3A_676, %swap3A_677], %swap3A_680 {strides = array<i32>} : memref<128x16xf32, #tpu.memory_space<vmem>>, vector<1x16xf32>,
    %swap3A_681 = arith.constant 104 : i32
    %swap3A_682 = arith.index_cast %swap3A_681 : i32 to index
    %swap3A_683 = arith.constant 0 : index
    %swap3A_684 = tpu.vector_load %arg5[%swap3A_682, %swap3A_683] {strides = array<i32>} : memref<128x16xf32, #tpu.memory_space<vmem>>, vector<1x16xf32>,
    %swap3A_685 = vector.shape_cast %swap3A_684 : vector<1x16xf32> to vector<16xf32>
    %swap3A_686 = vector.shape_cast %broadcast_in_dim3A_56 : vector<16xf32> to vector<1x16xf32>
    tpu.vector_store %arg5[%swap3A_682, %swap3A_683], %swap3A_686 {strides = array<i32>} : memref<128x16xf32, #tpu.memory_space<vmem>>, vector<1x16xf32>,
    %swap3A_687 = arith.constant 105 : i32
    %swap3A_688 = arith.index_cast %swap3A_687 : i32 to index
    %swap3A_689 = arith.constant 0 : index
    %swap3A_690 = tpu.vector_load %arg5[%swap3A_688, %swap3A_689] {strides = array<i32>} : memref<128x16xf32, #tpu.memory_space<vmem>>, vector<1x16xf32>,
    %swap3A_691 = vector.shape_cast %swap3A_690 : vector<1x16xf32> to vector<16xf32>
    %swap3A_692 = vector.shape_cast %broadcast_in_dim3A_56 : vector<16xf32> to vector<1x16xf32>
    tpu.vector_store %arg5[%swap3A_688, %swap3A_689], %swap3A_692 {strides = array<i32>} : memref<128x16xf32, #tpu.memory_space<vmem>>, vector<1x16xf32>,
    %swap3A_693 = arith.constant 106 : i32
    %swap3A_694 = arith.index_cast %swap3A_693 : i32 to index
    %swap3A_695 = arith.constant 0 : index
    %swap3A_696 = tpu.vector_load %arg5[%swap3A_694, %swap3A_695] {strides = array<i32>} : memref<128x16xf32, #tpu.memory_space<vmem>>, vector<1x16xf32>,
    %swap3A_697 = vector.shape_cast %swap3A_696 : vector<1x16xf32> to vector<16xf32>
    %swap3A_698 = vector.shape_cast %broadcast_in_dim3A_56 : vector<16xf32> to vector<1x16xf32>
    tpu.vector_store %arg5[%swap3A_694, %swap3A_695], %swap3A_698 {strides = array<i32>} : memref<128x16xf32, #tpu.memory_space<vmem>>, vector<1x16xf32>,
    %swap3A_699 = arith.constant 107 : i32
    %swap3A_700 = arith.index_cast %swap3A_699 : i32 to index
    %swap3A_701 = arith.constant 0 : index
    %swap3A_702 = tpu.vector_load %arg5[%swap3A_700, %swap3A_701] {strides = array<i32>} : memref<128x16xf32, #tpu.memory_space<vmem>>, vector<1x16xf32>,
    %swap3A_703 = vector.shape_cast %swap3A_702 : vector<1x16xf32> to vector<16xf32>
    %swap3A_704 = vector.shape_cast %broadcast_in_dim3A_56 : vector<16xf32> to vector<1x16xf32>
    tpu.vector_store %arg5[%swap3A_700, %swap3A_701], %swap3A_704 {strides = array<i32>} : memref<128x16xf32, #tpu.memory_space<vmem>>, vector<1x16xf32>,
    %swap3A_705 = arith.constant 108 : i32
    %swap3A_706 = arith.index_cast %swap3A_705 : i32 to index
    %swap3A_707 = arith.constant 0 : index
    %swap3A_708 = tpu.vector_load %arg5[%swap3A_706, %swap3A_707] {strides = array<i32>} : memref<128x16xf32, #tpu.memory_space<vmem>>, vector<1x16xf32>,
    %swap3A_709 = vector.shape_cast %swap3A_708 : vector<1x16xf32> to vector<16xf32>
    %swap3A_710 = vector.shape_cast %broadcast_in_dim3A_56 : vector<16xf32> to vector<1x16xf32>
    tpu.vector_store %arg5[%swap3A_706, %swap3A_707], %swap3A_710 {strides = array<i32>} : memref<128x16xf32, #tpu.memory_space<vmem>>, vector<1x16xf32>,
    %swap3A_711 = arith.constant 109 : i32
    %swap3A_712 = arith.index_cast %swap3A_711 : i32 to index
    %swap3A_713 = arith.constant 0 : index
    %swap3A_714 = tpu.vector_load %arg5[%swap3A_712, %swap3A_713] {strides = array<i32>} : memref<128x16xf32, #tpu.memory_space<vmem>>, vector<1x16xf32>,
    %swap3A_715 = vector.shape_cast %swap3A_714 : vector<1x16xf32> to vector<16xf32>
    %swap3A_716 = vector.shape_cast %broadcast_in_dim3A_56 : vector<16xf32> to vector<1x16xf32>
    tpu.vector_store %arg5[%swap3A_712, %swap3A_713], %swap3A_716 {strides = array<i32>} : memref<128x16xf32, #tpu.memory_space<vmem>>, vector<1x16xf32>,
    %swap3A_717 = arith.constant 110 : i32
    %swap3A_718 = arith.index_cast %swap3A_717 : i32 to index
    %swap3A_719 = arith.constant 0 : index
    %swap3A_720 = tpu.vector_load %arg5[%swap3A_718, %swap3A_719] {strides = array<i32>} : memref<128x16xf32, #tpu.memory_space<vmem>>, vector<1x16xf32>,
    %swap3A_721 = vector.shape_cast %swap3A_720 : vector<1x16xf32> to vector<16xf32>
    %swap3A_722 = vector.shape_cast %broadcast_in_dim3A_56 : vector<16xf32> to vector<1x16xf32>
    tpu.vector_store %arg5[%swap3A_718, %swap3A_719], %swap3A_722 {strides = array<i32>} : memref<128x16xf32, #tpu.memory_space<vmem>>, vector<1x16xf32>,
    %swap3A_723 = arith.constant 111 : i32
    %swap3A_724 = arith.index_cast %swap3A_723 : i32 to index
    %swap3A_725 = arith.constant 0 : index
    %swap3A_726 = tpu.vector_load %arg5[%swap3A_724, %swap3A_725] {strides = array<i32>} : memref<128x16xf32, #tpu.memory_space<vmem>>, vector<1x16xf32>,
    %swap3A_727 = vector.shape_cast %swap3A_726 : vector<1x16xf32> to vector<16xf32>
    %swap3A_728 = vector.shape_cast %broadcast_in_dim3A_56 : vector<16xf32> to vector<1x16xf32>
    tpu.vector_store %arg5[%swap3A_724, %swap3A_725], %swap3A_728 {strides = array<i32>} : memref<128x16xf32, #tpu.memory_space<vmem>>, vector<1x16xf32>,
    %swap3A_729 = arith.constant 112 : i32
    %swap3A_730 = arith.index_cast %swap3A_729 : i32 to index
    %swap3A_731 = arith.constant 0 : index
    %swap3A_732 = tpu.vector_load %arg5[%swap3A_730, %swap3A_731] {strides = array<i32>} : memref<128x16xf32, #tpu.memory_space<vmem>>, vector<1x16xf32>,
    %swap3A_733 = vector.shape_cast %swap3A_732 : vector<1x16xf32> to vector<16xf32>
    %swap3A_734 = vector.shape_cast %broadcast_in_dim3A_56 : vector<16xf32> to vector<1x16xf32>
    tpu.vector_store %arg5[%swap3A_730, %swap3A_731], %swap3A_734 {strides = array<i32>} : memref<128x16xf32, #tpu.memory_space<vmem>>, vector<1x16xf32>,
    %swap3A_735 = arith.constant 113 : i32
    %swap3A_736 = arith.index_cast %swap3A_735 : i32 to index
    %swap3A_737 = arith.constant 0 : index
    %swap3A_738 = tpu.vector_load %arg5[%swap3A_736, %swap3A_737] {strides = array<i32>} : memref<128x16xf32, #tpu.memory_space<vmem>>, vector<1x16xf32>,
    %swap3A_739 = vector.shape_cast %swap3A_738 : vector<1x16xf32> to vector<16xf32>
    %swap3A_740 = vector.shape_cast %broadcast_in_dim3A_56 : vector<16xf32> to vector<1x16xf32>
    tpu.vector_store %arg5[%swap3A_736, %swap3A_737], %swap3A_740 {strides = array<i32>} : memref<128x16xf32, #tpu.memory_space<vmem>>, vector<1x16xf32>,
    %swap3A_741 = arith.constant 114 : i32
    %swap3A_742 = arith.index_cast %swap3A_741 : i32 to index
    %swap3A_743 = arith.constant 0 : index
    %swap3A_744 = tpu.vector_load %arg5[%swap3A_742, %swap3A_743] {strides = array<i32>} : memref<128x16xf32, #tpu.memory_space<vmem>>, vector<1x16xf32>,
    %swap3A_745 = vector.shape_cast %swap3A_744 : vector<1x16xf32> to vector<16xf32>
    %swap3A_746 = vector.shape_cast %broadcast_in_dim3A_56 : vector<16xf32> to vector<1x16xf32>
    tpu.vector_store %arg5[%swap3A_742, %swap3A_743], %swap3A_746 {strides = array<i32>} : memref<128x16xf32, #tpu.memory_space<vmem>>, vector<1x16xf32>,
    %swap3A_747 = arith.constant 115 : i32
    %swap3A_748 = arith.index_cast %swap3A_747 : i32 to index
    %swap3A_749 = arith.constant 0 : index
    %swap3A_750 = tpu.vector_load %arg5[%swap3A_748, %swap3A_749] {strides = array<i32>} : memref<128x16xf32, #tpu.memory_space<vmem>>, vector<1x16xf32>,
    %swap3A_751 = vector.shape_cast %swap3A_750 : vector<1x16xf32> to vector<16xf32>
    %swap3A_752 = vector.shape_cast %broadcast_in_dim3A_56 : vector<16xf32> to vector<1x16xf32>
    tpu.vector_store %arg5[%swap3A_748, %swap3A_749], %swap3A_752 {strides = array<i32>} : memref<128x16xf32, #tpu.memory_space<vmem>>, vector<1x16xf32>,
    %swap3A_753 = arith.constant 116 : i32
    %swap3A_754 = arith.index_cast %swap3A_753 : i32 to index
    %swap3A_755 = arith.constant 0 : index
    %swap3A_756 = tpu.vector_load %arg5[%swap3A_754, %swap3A_755] {strides = array<i32>} : memref<128x16xf32, #tpu.memory_space<vmem>>, vector<1x16xf32>,
    %swap3A_757 = vector.shape_cast %swap3A_756 : vector<1x16xf32> to vector<16xf32>
    %swap3A_758 = vector.shape_cast %broadcast_in_dim3A_56 : vector<16xf32> to vector<1x16xf32>
    tpu.vector_store %arg5[%swap3A_754, %swap3A_755], %swap3A_758 {strides = array<i32>} : memref<128x16xf32, #tpu.memory_space<vmem>>, vector<1x16xf32>,
    %swap3A_759 = arith.constant 117 : i32
    %swap3A_760 = arith.index_cast %swap3A_759 : i32 to index
    %swap3A_761 = arith.constant 0 : index
    %swap3A_762 = tpu.vector_load %arg5[%swap3A_760, %swap3A_761] {strides = array<i32>} : memref<128x16xf32, #tpu.memory_space<vmem>>, vector<1x16xf32>,
    %swap3A_763 = vector.shape_cast %swap3A_762 : vector<1x16xf32> to vector<16xf32>
    %swap3A_764 = vector.shape_cast %broadcast_in_dim3A_56 : vector<16xf32> to vector<1x16xf32>
    tpu.vector_store %arg5[%swap3A_760, %swap3A_761], %swap3A_764 {strides = array<i32>} : memref<128x16xf32, #tpu.memory_space<vmem>>, vector<1x16xf32>,
    %swap3A_765 = arith.constant 118 : i32
    %swap3A_766 = arith.index_cast %swap3A_765 : i32 to index
    %swap3A_767 = arith.constant 0 : index
    %swap3A_768 = tpu.vector_load %arg5[%swap3A_766, %swap3A_767] {strides = array<i32>} : memref<128x16xf32, #tpu.memory_space<vmem>>, vector<1x16xf32>,
    %swap3A_769 = vector.shape_cast %swap3A_768 : vector<1x16xf32> to vector<16xf32>
    %swap3A_770 = vector.shape_cast %broadcast_in_dim3A_56 : vector<16xf32> to vector<1x16xf32>
    tpu.vector_store %arg5[%swap3A_766, %swap3A_767], %swap3A_770 {strides = array<i32>} : memref<128x16xf32, #tpu.memory_space<vmem>>, vector<1x16xf32>,
    %swap3A_771 = arith.constant 119 : i32
    %swap3A_772 = arith.index_cast %swap3A_771 : i32 to index
    %swap3A_773 = arith.constant 0 : index
    %swap3A_774 = tpu.vector_load %arg5[%swap3A_772, %swap3A_773] {strides = array<i32>} : memref<128x16xf32, #tpu.memory_space<vmem>>, vector<1x16xf32>,
    %swap3A_775 = vector.shape_cast %swap3A_774 : vector<1x16xf32> to vector<16xf32>
    %swap3A_776 = vector.shape_cast %broadcast_in_dim3A_56 : vector<16xf32> to vector<1x16xf32>
    tpu.vector_store %arg5[%swap3A_772, %swap3A_773], %swap3A_776 {strides = array<i32>} : memref<128x16xf32, #tpu.memory_space<vmem>>, vector<1x16xf32>,
    %swap3A_777 = arith.constant 120 : i32
    %swap3A_778 = arith.index_cast %swap3A_777 : i32 to index
    %swap3A_779 = arith.constant 0 : index
    %swap3A_780 = tpu.vector_load %arg5[%swap3A_778, %swap3A_779] {strides = array<i32>} : memref<128x16xf32, #tpu.memory_space<vmem>>, vector<1x16xf32>,
    %swap3A_781 = vector.shape_cast %swap3A_780 : vector<1x16xf32> to vector<16xf32>
    %swap3A_782 = vector.shape_cast %broadcast_in_dim3A_56 : vector<16xf32> to vector<1x16xf32>
    tpu.vector_store %arg5[%swap3A_778, %swap3A_779], %swap3A_782 {strides = array<i32>} : memref<128x16xf32, #tpu.memory_space<vmem>>, vector<1x16xf32>,
    %swap3A_783 = arith.constant 121 : i32
    %swap3A_784 = arith.index_cast %swap3A_783 : i32 to index
    %swap3A_785 = arith.constant 0 : index
    %swap3A_786 = tpu.vector_load %arg5[%swap3A_784, %swap3A_785] {strides = array<i32>} : memref<128x16xf32, #tpu.memory_space<vmem>>, vector<1x16xf32>,
    %swap3A_787 = vector.shape_cast %swap3A_786 : vector<1x16xf32> to vector<16xf32>
    %swap3A_788 = vector.shape_cast %broadcast_in_dim3A_56 : vector<16xf32> to vector<1x16xf32>
    tpu.vector_store %arg5[%swap3A_784, %swap3A_785], %swap3A_788 {strides = array<i32>} : memref<128x16xf32, #tpu.memory_space<vmem>>, vector<1x16xf32>,
    %swap3A_789 = arith.constant 122 : i32
    %swap3A_790 = arith.index_cast %swap3A_789 : i32 to index
    %swap3A_791 = arith.constant 0 : index
    %swap3A_792 = tpu.vector_load %arg5[%swap3A_790, %swap3A_791] {strides = array<i32>} : memref<128x16xf32, #tpu.memory_space<vmem>>, vector<1x16xf32>,
    %swap3A_793 = vector.shape_cast %swap3A_792 : vector<1x16xf32> to vector<16xf32>
    %swap3A_794 = vector.shape_cast %broadcast_in_dim3A_56 : vector<16xf32> to vector<1x16xf32>
    tpu.vector_store %arg5[%swap3A_790, %swap3A_791], %swap3A_794 {strides = array<i32>} : memref<128x16xf32, #tpu.memory_space<vmem>>, vector<1x16xf32>,
    %swap3A_795 = arith.constant 123 : i32
    %swap3A_796 = arith.index_cast %swap3A_795 : i32 to index
    %swap3A_797 = arith.constant 0 : index
    %swap3A_798 = tpu.vector_load %arg5[%swap3A_796, %swap3A_797] {strides = array<i32>} : memref<128x16xf32, #tpu.memory_space<vmem>>, vector<1x16xf32>,
    %swap3A_799 = vector.shape_cast %swap3A_798 : vector<1x16xf32> to vector<16xf32>
    %swap3A_800 = vector.shape_cast %broadcast_in_dim3A_56 : vector<16xf32> to vector<1x16xf32>
    tpu.vector_store %arg5[%swap3A_796, %swap3A_797], %swap3A_800 {strides = array<i32>} : memref<128x16xf32, #tpu.memory_space<vmem>>, vector<1x16xf32>,
    %swap3A_801 = arith.constant 124 : i32
    %swap3A_802 = arith.index_cast %swap3A_801 : i32 to index
    %swap3A_803 = arith.constant 0 : index
    %swap3A_804 = tpu.vector_load %arg5[%swap3A_802, %swap3A_803] {strides = array<i32>} : memref<128x16xf32, #tpu.memory_space<vmem>>, vector<1x16xf32>,
    %swap3A_805 = vector.shape_cast %swap3A_804 : vector<1x16xf32> to vector<16xf32>
    %swap3A_806 = vector.shape_cast %broadcast_in_dim3A_56 : vector<16xf32> to vector<1x16xf32>
    tpu.vector_store %arg5[%swap3A_802, %swap3A_803], %swap3A_806 {strides = array<i32>} : memref<128x16xf32, #tpu.memory_space<vmem>>, vector<1x16xf32>,
    %swap3A_807 = arith.constant 125 : i32
    %swap3A_808 = arith.index_cast %swap3A_807 : i32 to index
    %swap3A_809 = arith.constant 0 : index
    %swap3A_810 = tpu.vector_load %arg5[%swap3A_808, %swap3A_809] {strides = array<i32>} : memref<128x16xf32, #tpu.memory_space<vmem>>, vector<1x16xf32>,
    %swap3A_811 = vector.shape_cast %swap3A_810 : vector<1x16xf32> to vector<16xf32>
    %swap3A_812 = vector.shape_cast %broadcast_in_dim3A_56 : vector<16xf32> to vector<1x16xf32>
    tpu.vector_store %arg5[%swap3A_808, %swap3A_809], %swap3A_812 {strides = array<i32>} : memref<128x16xf32, #tpu.memory_space<vmem>>, vector<1x16xf32>,
    %swap3A_813 = arith.constant 126 : i32
    %swap3A_814 = arith.index_cast %swap3A_813 : i32 to index
    %swap3A_815 = arith.constant 0 : index
    %swap3A_816 = tpu.vector_load %arg5[%swap3A_814, %swap3A_815] {strides = array<i32>} : memref<128x16xf32, #tpu.memory_space<vmem>>, vector<1x16xf32>,
    %swap3A_817 = vector.shape_cast %swap3A_816 : vector<1x16xf32> to vector<16xf32>
    %swap3A_818 = vector.shape_cast %broadcast_in_dim3A_56 : vector<16xf32> to vector<1x16xf32>
    tpu.vector_store %arg5[%swap3A_814, %swap3A_815], %swap3A_818 {strides = array<i32>} : memref<128x16xf32, #tpu.memory_space<vmem>>, vector<1x16xf32>,
    %swap3A_819 = arith.constant 127 : i32
    %swap3A_820 = arith.index_cast %swap3A_819 : i32 to index
    %swap3A_821 = arith.constant 0 : index
    %swap3A_822 = tpu.vector_load %arg5[%swap3A_820, %swap3A_821] {strides = array<i32>} : memref<128x16xf32, #tpu.memory_space<vmem>>, vector<1x16xf32>,
    %swap3A_823 = vector.shape_cast %swap3A_822 : vector<1x16xf32> to vector<16xf32>
    %swap3A_824 = vector.shape_cast %broadcast_in_dim3A_56 : vector<16xf32> to vector<1x16xf32>
    tpu.vector_store %arg5[%swap3A_820, %swap3A_821], %swap3A_824 {strides = array<i32>} : memref<128x16xf32, #tpu.memory_space<vmem>>, vector<1x16xf32>,
    "tpu.region"() ({
      %run_scoped3A = tpu.sem_alloc : memref<!tpu.dma_semaphore, #tpu.memory_space<semaphore_mem>>
      %dma_start3A = arith.constant 0 : i32
      %dma_start3A_835 = arith.constant 0 : i32
      %dma_start3A_836 = tpu.memref_slice %arg2[%add3A, %dma_start3A, %dma_start3A_835] : memref<32x79x128xi32, #tpu.memory_space<hbm>> -> memref<1x79x128xi32, #tpu.memory_space<hbm>>
      %dma_start3A_837 = tpu.memref_squeeze %dma_start3A_836 : memref<1x79x128xi32, #tpu.memory_space<hbm>> -> memref<79x128xi32, #tpu.memory_space<hbm>>
      %dma_start3A_838 = arith.constant 0 : i32
      %dma_start3A_839 = arith.constant 0 : i32
      %dma_start3A_840 = tpu.memref_slice %arg2[%add3A, %dma_start3A_838, %dma_start3A_839] : memref<32x79x128xi32, #tpu.memory_space<hbm>> -> memref<1x79x128xi32, #tpu.memory_space<hbm>>
      %dma_start3A_841 = tpu.memref_squeeze %dma_start3A_840 : memref<1x79x128xi32, #tpu.memory_space<hbm>> -> memref<79x128xi32, #tpu.memory_space<hbm>>
      tpu.enqueue_dma source(%dma_start3A_841 : memref<79x128xi32, #tpu.memory_space<hbm>>) target(%arg4 : memref<79x128xi32, #tpu.memory_space<vmem>>) target_semaphore(%run_scoped3A : memref<!tpu.dma_semaphore, #tpu.memory_space<semaphore_mem>>)
      %dma_wait3A = arith.constant 0 : i32
      %dma_wait3A_842 = arith.constant 0 : i32
      %dma_wait3A_843 = tpu.memref_slice %arg2[%add3A, %dma_wait3A, %dma_wait3A_842] : memref<32x79x128xi32, #tpu.memory_space<hbm>> -> memref<1x79x128xi32, #tpu.memory_space<hbm>>
      %dma_wait3A_844 = tpu.memref_squeeze %dma_wait3A_843 : memref<1x79x128xi32, #tpu.memory_space<hbm>> -> memref<79x128xi32, #tpu.memory_space<hbm>>
      %dma_wait3A_845 = arith.constant 0 : i32
      %dma_wait3A_846 = arith.constant 0 : i32
      %dma_wait3A_847 = tpu.memref_slice %arg2[%add3A, %dma_wait3A_845, %dma_wait3A_846] : memref<32x79x128xi32, #tpu.memory_space<hbm>> -> memref<1x79x128xi32, #tpu.memory_space<hbm>>
      %dma_wait3A_848 = tpu.memref_squeeze %dma_wait3A_847 : memref<1x79x128xi32, #tpu.memory_space<hbm>> -> memref<79x128xi32, #tpu.memory_space<hbm>>
      tpu.wait_dma2 semaphore(%run_scoped3A : memref<!tpu.dma_semaphore, #tpu.memory_space<semaphore_mem>>) src(%dma_wait3A_848 : memref<79x128xi32, #tpu.memory_space<hbm>>) dst(%arg4 : memref<79x128xi32, #tpu.memory_space<vmem>>)
      tpu.yield
    }) : () -> ()
    %barrier3A = arith.constant 0 : index
    tpu.barrier barrier_id(%barrier3A)
    %scan3A_825 = arith.constant 0 : i32
    %scan3A_826 = arith.constant 79 : i32
    %scan3A_827 = arith.addi %scan3A_825, %scan3A_826 : i32
    %scan3A_828 = arith.constant 1 : i32
    scf.for %scan3A_835 = %scan3A_825 to %scan3A_827 step %scan3A_828  : i32 {
      "tpu.region"() ({
        %run_scoped3A = tpu.sem_alloc : memref<!tpu.dma_semaphore, #tpu.memory_space<semaphore_mem>>
        %dma_start3A = arith.constant 0 : i32
        %dma_start3A_836 = tpu.memref_slice %arg4[%scan3A_835, %dma_start3A] : memref<79x128xi32, #tpu.memory_space<vmem>> -> memref<1x128xi32, #tpu.memory_space<vmem>>
        %dma_start3A_837 = tpu.memref_squeeze %dma_start3A_836 : memref<1x128xi32, #tpu.memory_space<vmem>> -> memref<128xi32, #tpu.memory_space<vmem>>
        %dma_start3A_838 = arith.constant 0 : i32
        %dma_start3A_839 = arith.constant 0 : i32
        %dma_start3A_840 = tpu.memref_slice %arg7[%dma_start3A_838, %dma_start3A_839] : memref<10112x16xf32, #tpu.memory_space<vmem_shared>> -> memref<10112x16xf32, #tpu.memory_space<vmem_shared>>
        tpu.enqueue_indirect_dma source(%arg5 : memref<128x16xf32, #tpu.memory_space<vmem>>) target(%dma_start3A_840 : memref<10112x16xf32, #tpu.memory_space<vmem_shared>>) offsets(%dma_start3A_837 : memref<128xi32, #tpu.memory_space<vmem>>) semaphore(%run_scoped3A : memref<!tpu.dma_semaphore, #tpu.memory_space<semaphore_mem>>) {add = true}
        %dma_wait3A = arith.constant 0 : i32
        %dma_wait3A_841 = tpu.memref_slice %arg4[%scan3A_835, %dma_wait3A] : memref<79x128xi32, #tpu.memory_space<vmem>> -> memref<1x128xi32, #tpu.memory_space<vmem>>
        %dma_wait3A_842 = tpu.memref_squeeze %dma_wait3A_841 : memref<1x128xi32, #tpu.memory_space<vmem>> -> memref<128xi32, #tpu.memory_space<vmem>>
        %dma_wait3A_843 = arith.constant 0 : i32
        %dma_wait3A_844 = arith.constant 0 : i32
        %dma_wait3A_845 = tpu.memref_slice %arg7[%dma_wait3A_843, %dma_wait3A_844] : memref<10112x16xf32, #tpu.memory_space<vmem_shared>> -> memref<10112x16xf32, #tpu.memory_space<vmem_shared>>
        tpu.wait_indirect_dma semaphore(%run_scoped3A : memref<!tpu.dma_semaphore, #tpu.memory_space<semaphore_mem>>) src(%arg5 : memref<128x16xf32, #tpu.memory_space<vmem>>) dst(%dma_wait3A_845 : memref<10112x16xf32, #tpu.memory_space<vmem_shared>>)
        tpu.yield
      }) : () -> ()
    }
    %scan3A_829 = arith.constant 79 : i32
    %barrier3A_830 = arith.constant 0 : index
    tpu.barrier barrier_id(%barrier3A_830)
    %mul3A_831 = arith.constant 632 : i32
    %mul3A_832 = arith.muli %arg1, %mul3A_831 : i32
    %mul3A_833 = arith.constant 632 : i32
    %mul3A_834 = arith.muli %arg1, %mul3A_833 : i32
    "tpu.region"() ({
      %run_scoped3A = tpu.sem_alloc : memref<!tpu.dma_semaphore, #tpu.memory_space<semaphore_mem>>
      %dma_start3A = arith.constant 0 : i32
      %dma_start3A_835 = tpu.memref_slice %arg3[%arg0, %mul3A_834, %dma_start3A] : memref<2x10112x16xf32, #tpu.memory_space<hbm>> -> memref<1x632x16xf32, #tpu.memory_space<hbm>>
      %dma_start3A_836 = tpu.memref_squeeze %dma_start3A_835 : memref<1x632x16xf32, #tpu.memory_space<hbm>> -> memref<632x16xf32, #tpu.memory_space<hbm>>
      %dma_start3A_837 = arith.constant 0 : i32
      %dma_start3A_838 = tpu.memref_slice %arg7[%mul3A_832, %dma_start3A_837] : memref<10112x16xf32, #tpu.memory_space<vmem_shared>> -> memref<632x16xf32, #tpu.memory_space<vmem_shared>>
      tpu.enqueue_dma source(%dma_start3A_838 : memref<632x16xf32, #tpu.memory_space<vmem_shared>>) target(%dma_start3A_836 : memref<632x16xf32, #tpu.memory_space<hbm>>) target_semaphore(%run_scoped3A : memref<!tpu.dma_semaphore, #tpu.memory_space<semaphore_mem>>)
      %dma_wait3A = arith.constant 0 : i32
      %dma_wait3A_839 = tpu.memref_slice %arg3[%arg0, %mul3A_834, %dma_wait3A] : memref<2x10112x16xf32, #tpu.memory_space<hbm>> -> memref<1x632x16xf32, #tpu.memory_space<hbm>>
      %dma_wait3A_840 = tpu.memref_squeeze %dma_wait3A_839 : memref<1x632x16xf32, #tpu.memory_space<hbm>> -> memref<632x16xf32, #tpu.memory_space<hbm>>
      %dma_wait3A_841 = arith.constant 0 : i32
      %dma_wait3A_842 = tpu.memref_slice %arg7[%mul3A_832, %dma_wait3A_841] : memref<10112x16xf32, #tpu.memory_space<vmem_shared>> -> memref<632x16xf32, #tpu.memory_space<vmem_shared>>
      tpu.wait_dma2 semaphore(%run_scoped3A : memref<!tpu.dma_semaphore, #tpu.memory_space<semaphore_mem>>) src(%dma_wait3A_842 : memref<632x16xf32, #tpu.memory_space<vmem_shared>>) dst(%dma_wait3A_840 : memref<632x16xf32, #tpu.memory_space<hbm>>)
      tpu.yield
    }) : () -> ()
    return
  }
}

#map = affine_map<(d0, d1) -> (0, 0)>
#map1 = affine_map<(d0, d1) -> (0, 0, 0)>
module attributes {stable_mosaic.version = 14 : i64} {
  func.func @agg_kernel(%arg0: i32, %arg1: i32, %arg2: memref<10000x128xf32, #tpu.memory_space<hbm>>, %arg3: memref<32x79x128xi32, #tpu.memory_space<hbm>>, %arg4: memref<32x79x128xi32, #tpu.memory_space<hbm>>, %arg5: memref<2x10112x128xf32, #tpu.memory_space<hbm>>, %arg6: memref<79x128xi32, #tpu.memory_space<vmem>>, %arg7: memref<79x128xi32, #tpu.memory_space<vmem>>, %arg8: memref<128x128xf32, #tpu.memory_space<vmem>>, %arg9: memref<8x128xf32, #tpu.memory_space<vmem>>, %arg10: memref<10112x128xf32, #tpu.memory_space<vmem_shared>>, %arg11: memref<!tpu.dma_semaphore, #tpu.memory_space<semaphore_mem>>) attributes {dimension_semantics = [#tpu.dimension_semantics<core_parallel>, #tpu.dimension_semantics<subcore_parallel>], iteration_bounds = array<i64: 2, 16>, scalar_prefetch = 0 : i64, scratch_operands = 6 : i64, tpu.core_type = #tpu.core_type<sc_vector_subcore>, window_params = [{transform_indices = #map}, {transform_indices = #map1}, {transform_indices = #map1}, {transform_indices = #map1}]} {
    %mul3A = arith.constant 16 : i32
    %mul3A_0 = arith.muli %arg0, %mul3A : i32
    %add3A = arith.addi %mul3A_0, %arg1 : i32
    %broadcast_in_dim3A = arith.constant 0.000000e+00 : f32
    %broadcast_in_dim3A_1 = vector.broadcast %broadcast_in_dim3A : f32 to vector<16xf32>
    %swap3A = arith.constant 0 : i32
    %swap3A_2 = arith.index_cast %swap3A : i32 to index
    %swap3A_3 = arith.constant 0 : index
    %swap3A_4 = tpu.vector_load %arg9[%swap3A_2, %swap3A_3] {strides = array<i32>} : memref<8x128xf32, #tpu.memory_space<vmem>>, vector<1x16xf32>,
    %swap3A_5 = vector.shape_cast %swap3A_4 : vector<1x16xf32> to vector<16xf32>
    %swap3A_6 = vector.shape_cast %broadcast_in_dim3A_1 : vector<16xf32> to vector<1x16xf32>
    tpu.vector_store %arg9[%swap3A_2, %swap3A_3], %swap3A_6 {strides = array<i32>} : memref<8x128xf32, #tpu.memory_space<vmem>>, vector<1x16xf32>,
    %swap3A_7 = arith.constant 0 : i32
    %swap3A_8 = arith.index_cast %swap3A_7 : i32 to index
    %swap3A_9 = arith.constant 16 : index
    %swap3A_10 = tpu.vector_load %arg9[%swap3A_8, %swap3A_9] {strides = array<i32>} : memref<8x128xf32, #tpu.memory_space<vmem>>, vector<1x16xf32>,
    %swap3A_11 = vector.shape_cast %swap3A_10 : vector<1x16xf32> to vector<16xf32>
    %swap3A_12 = vector.shape_cast %broadcast_in_dim3A_1 : vector<16xf32> to vector<1x16xf32>
    tpu.vector_store %arg9[%swap3A_8, %swap3A_9], %swap3A_12 {strides = array<i32>} : memref<8x128xf32, #tpu.memory_space<vmem>>, vector<1x16xf32>,
    %swap3A_13 = arith.constant 0 : i32
    %swap3A_14 = arith.index_cast %swap3A_13 : i32 to index
    %swap3A_15 = arith.constant 32 : index
    %swap3A_16 = tpu.vector_load %arg9[%swap3A_14, %swap3A_15] {strides = array<i32>} : memref<8x128xf32, #tpu.memory_space<vmem>>, vector<1x16xf32>,
    %swap3A_17 = vector.shape_cast %swap3A_16 : vector<1x16xf32> to vector<16xf32>
    %swap3A_18 = vector.shape_cast %broadcast_in_dim3A_1 : vector<16xf32> to vector<1x16xf32>
    tpu.vector_store %arg9[%swap3A_14, %swap3A_15], %swap3A_18 {strides = array<i32>} : memref<8x128xf32, #tpu.memory_space<vmem>>, vector<1x16xf32>,
    %swap3A_19 = arith.constant 0 : i32
    %swap3A_20 = arith.index_cast %swap3A_19 : i32 to index
    %swap3A_21 = arith.constant 48 : index
    %swap3A_22 = tpu.vector_load %arg9[%swap3A_20, %swap3A_21] {strides = array<i32>} : memref<8x128xf32, #tpu.memory_space<vmem>>, vector<1x16xf32>,
    %swap3A_23 = vector.shape_cast %swap3A_22 : vector<1x16xf32> to vector<16xf32>
    %swap3A_24 = vector.shape_cast %broadcast_in_dim3A_1 : vector<16xf32> to vector<1x16xf32>
    tpu.vector_store %arg9[%swap3A_20, %swap3A_21], %swap3A_24 {strides = array<i32>} : memref<8x128xf32, #tpu.memory_space<vmem>>, vector<1x16xf32>,
    %swap3A_25 = arith.constant 0 : i32
    %swap3A_26 = arith.index_cast %swap3A_25 : i32 to index
    %swap3A_27 = arith.constant 64 : index
    %swap3A_28 = tpu.vector_load %arg9[%swap3A_26, %swap3A_27] {strides = array<i32>} : memref<8x128xf32, #tpu.memory_space<vmem>>, vector<1x16xf32>,
    %swap3A_29 = vector.shape_cast %swap3A_28 : vector<1x16xf32> to vector<16xf32>
    %swap3A_30 = vector.shape_cast %broadcast_in_dim3A_1 : vector<16xf32> to vector<1x16xf32>
    tpu.vector_store %arg9[%swap3A_26, %swap3A_27], %swap3A_30 {strides = array<i32>} : memref<8x128xf32, #tpu.memory_space<vmem>>, vector<1x16xf32>,
    %swap3A_31 = arith.constant 0 : i32
    %swap3A_32 = arith.index_cast %swap3A_31 : i32 to index
    %swap3A_33 = arith.constant 80 : index
    %swap3A_34 = tpu.vector_load %arg9[%swap3A_32, %swap3A_33] {strides = array<i32>} : memref<8x128xf32, #tpu.memory_space<vmem>>, vector<1x16xf32>,
    %swap3A_35 = vector.shape_cast %swap3A_34 : vector<1x16xf32> to vector<16xf32>
    %swap3A_36 = vector.shape_cast %broadcast_in_dim3A_1 : vector<16xf32> to vector<1x16xf32>
    tpu.vector_store %arg9[%swap3A_32, %swap3A_33], %swap3A_36 {strides = array<i32>} : memref<8x128xf32, #tpu.memory_space<vmem>>, vector<1x16xf32>,
    %swap3A_37 = arith.constant 0 : i32
    %swap3A_38 = arith.index_cast %swap3A_37 : i32 to index
    %swap3A_39 = arith.constant 96 : index
    %swap3A_40 = tpu.vector_load %arg9[%swap3A_38, %swap3A_39] {strides = array<i32>} : memref<8x128xf32, #tpu.memory_space<vmem>>, vector<1x16xf32>,
    %swap3A_41 = vector.shape_cast %swap3A_40 : vector<1x16xf32> to vector<16xf32>
    %swap3A_42 = vector.shape_cast %broadcast_in_dim3A_1 : vector<16xf32> to vector<1x16xf32>
    tpu.vector_store %arg9[%swap3A_38, %swap3A_39], %swap3A_42 {strides = array<i32>} : memref<8x128xf32, #tpu.memory_space<vmem>>, vector<1x16xf32>,
    %swap3A_43 = arith.constant 0 : i32
    %swap3A_44 = arith.index_cast %swap3A_43 : i32 to index
    %swap3A_45 = arith.constant 112 : index
    %swap3A_46 = tpu.vector_load %arg9[%swap3A_44, %swap3A_45] {strides = array<i32>} : memref<8x128xf32, #tpu.memory_space<vmem>>, vector<1x16xf32>,
    %swap3A_47 = vector.shape_cast %swap3A_46 : vector<1x16xf32> to vector<16xf32>
    %swap3A_48 = vector.shape_cast %broadcast_in_dim3A_1 : vector<16xf32> to vector<1x16xf32>
    tpu.vector_store %arg9[%swap3A_44, %swap3A_45], %swap3A_48 {strides = array<i32>} : memref<8x128xf32, #tpu.memory_space<vmem>>, vector<1x16xf32>,
    %swap3A_49 = arith.constant 1 : i32
    %swap3A_50 = arith.index_cast %swap3A_49 : i32 to index
    %swap3A_51 = arith.constant 0 : index
    %swap3A_52 = tpu.vector_load %arg9[%swap3A_50, %swap3A_51] {strides = array<i32>} : memref<8x128xf32, #tpu.memory_space<vmem>>, vector<1x16xf32>,
    %swap3A_53 = vector.shape_cast %swap3A_52 : vector<1x16xf32> to vector<16xf32>
    %swap3A_54 = vector.shape_cast %broadcast_in_dim3A_1 : vector<16xf32> to vector<1x16xf32>
    tpu.vector_store %arg9[%swap3A_50, %swap3A_51], %swap3A_54 {strides = array<i32>} : memref<8x128xf32, #tpu.memory_space<vmem>>, vector<1x16xf32>,
    %swap3A_55 = arith.constant 1 : i32
    %swap3A_56 = arith.index_cast %swap3A_55 : i32 to index
    %swap3A_57 = arith.constant 16 : index
    %swap3A_58 = tpu.vector_load %arg9[%swap3A_56, %swap3A_57] {strides = array<i32>} : memref<8x128xf32, #tpu.memory_space<vmem>>, vector<1x16xf32>,
    %swap3A_59 = vector.shape_cast %swap3A_58 : vector<1x16xf32> to vector<16xf32>
    %swap3A_60 = vector.shape_cast %broadcast_in_dim3A_1 : vector<16xf32> to vector<1x16xf32>
    tpu.vector_store %arg9[%swap3A_56, %swap3A_57], %swap3A_60 {strides = array<i32>} : memref<8x128xf32, #tpu.memory_space<vmem>>, vector<1x16xf32>,
    %swap3A_61 = arith.constant 1 : i32
    %swap3A_62 = arith.index_cast %swap3A_61 : i32 to index
    %swap3A_63 = arith.constant 32 : index
    %swap3A_64 = tpu.vector_load %arg9[%swap3A_62, %swap3A_63] {strides = array<i32>} : memref<8x128xf32, #tpu.memory_space<vmem>>, vector<1x16xf32>,
    %swap3A_65 = vector.shape_cast %swap3A_64 : vector<1x16xf32> to vector<16xf32>
    %swap3A_66 = vector.shape_cast %broadcast_in_dim3A_1 : vector<16xf32> to vector<1x16xf32>
    tpu.vector_store %arg9[%swap3A_62, %swap3A_63], %swap3A_66 {strides = array<i32>} : memref<8x128xf32, #tpu.memory_space<vmem>>, vector<1x16xf32>,
    %swap3A_67 = arith.constant 1 : i32
    %swap3A_68 = arith.index_cast %swap3A_67 : i32 to index
    %swap3A_69 = arith.constant 48 : index
    %swap3A_70 = tpu.vector_load %arg9[%swap3A_68, %swap3A_69] {strides = array<i32>} : memref<8x128xf32, #tpu.memory_space<vmem>>, vector<1x16xf32>,
    %swap3A_71 = vector.shape_cast %swap3A_70 : vector<1x16xf32> to vector<16xf32>
    %swap3A_72 = vector.shape_cast %broadcast_in_dim3A_1 : vector<16xf32> to vector<1x16xf32>
    tpu.vector_store %arg9[%swap3A_68, %swap3A_69], %swap3A_72 {strides = array<i32>} : memref<8x128xf32, #tpu.memory_space<vmem>>, vector<1x16xf32>,
    %swap3A_73 = arith.constant 1 : i32
    %swap3A_74 = arith.index_cast %swap3A_73 : i32 to index
    %swap3A_75 = arith.constant 64 : index
    %swap3A_76 = tpu.vector_load %arg9[%swap3A_74, %swap3A_75] {strides = array<i32>} : memref<8x128xf32, #tpu.memory_space<vmem>>, vector<1x16xf32>,
    %swap3A_77 = vector.shape_cast %swap3A_76 : vector<1x16xf32> to vector<16xf32>
    %swap3A_78 = vector.shape_cast %broadcast_in_dim3A_1 : vector<16xf32> to vector<1x16xf32>
    tpu.vector_store %arg9[%swap3A_74, %swap3A_75], %swap3A_78 {strides = array<i32>} : memref<8x128xf32, #tpu.memory_space<vmem>>, vector<1x16xf32>,
    %swap3A_79 = arith.constant 1 : i32
    %swap3A_80 = arith.index_cast %swap3A_79 : i32 to index
    %swap3A_81 = arith.constant 80 : index
    %swap3A_82 = tpu.vector_load %arg9[%swap3A_80, %swap3A_81] {strides = array<i32>} : memref<8x128xf32, #tpu.memory_space<vmem>>, vector<1x16xf32>,
    %swap3A_83 = vector.shape_cast %swap3A_82 : vector<1x16xf32> to vector<16xf32>
    %swap3A_84 = vector.shape_cast %broadcast_in_dim3A_1 : vector<16xf32> to vector<1x16xf32>
    tpu.vector_store %arg9[%swap3A_80, %swap3A_81], %swap3A_84 {strides = array<i32>} : memref<8x128xf32, #tpu.memory_space<vmem>>, vector<1x16xf32>,
    %swap3A_85 = arith.constant 1 : i32
    %swap3A_86 = arith.index_cast %swap3A_85 : i32 to index
    %swap3A_87 = arith.constant 96 : index
    %swap3A_88 = tpu.vector_load %arg9[%swap3A_86, %swap3A_87] {strides = array<i32>} : memref<8x128xf32, #tpu.memory_space<vmem>>, vector<1x16xf32>,
    %swap3A_89 = vector.shape_cast %swap3A_88 : vector<1x16xf32> to vector<16xf32>
    %swap3A_90 = vector.shape_cast %broadcast_in_dim3A_1 : vector<16xf32> to vector<1x16xf32>
    tpu.vector_store %arg9[%swap3A_86, %swap3A_87], %swap3A_90 {strides = array<i32>} : memref<8x128xf32, #tpu.memory_space<vmem>>, vector<1x16xf32>,
    %swap3A_91 = arith.constant 1 : i32
    %swap3A_92 = arith.index_cast %swap3A_91 : i32 to index
    %swap3A_93 = arith.constant 112 : index
    %swap3A_94 = tpu.vector_load %arg9[%swap3A_92, %swap3A_93] {strides = array<i32>} : memref<8x128xf32, #tpu.memory_space<vmem>>, vector<1x16xf32>,
    %swap3A_95 = vector.shape_cast %swap3A_94 : vector<1x16xf32> to vector<16xf32>
    %swap3A_96 = vector.shape_cast %broadcast_in_dim3A_1 : vector<16xf32> to vector<1x16xf32>
    tpu.vector_store %arg9[%swap3A_92, %swap3A_93], %swap3A_96 {strides = array<i32>} : memref<8x128xf32, #tpu.memory_space<vmem>>, vector<1x16xf32>,
    %swap3A_97 = arith.constant 2 : i32
    %swap3A_98 = arith.index_cast %swap3A_97 : i32 to index
    %swap3A_99 = arith.constant 0 : index
    %swap3A_100 = tpu.vector_load %arg9[%swap3A_98, %swap3A_99] {strides = array<i32>} : memref<8x128xf32, #tpu.memory_space<vmem>>, vector<1x16xf32>,
    %swap3A_101 = vector.shape_cast %swap3A_100 : vector<1x16xf32> to vector<16xf32>
    %swap3A_102 = vector.shape_cast %broadcast_in_dim3A_1 : vector<16xf32> to vector<1x16xf32>
    tpu.vector_store %arg9[%swap3A_98, %swap3A_99], %swap3A_102 {strides = array<i32>} : memref<8x128xf32, #tpu.memory_space<vmem>>, vector<1x16xf32>,
    %swap3A_103 = arith.constant 2 : i32
    %swap3A_104 = arith.index_cast %swap3A_103 : i32 to index
    %swap3A_105 = arith.constant 16 : index
    %swap3A_106 = tpu.vector_load %arg9[%swap3A_104, %swap3A_105] {strides = array<i32>} : memref<8x128xf32, #tpu.memory_space<vmem>>, vector<1x16xf32>,
    %swap3A_107 = vector.shape_cast %swap3A_106 : vector<1x16xf32> to vector<16xf32>
    %swap3A_108 = vector.shape_cast %broadcast_in_dim3A_1 : vector<16xf32> to vector<1x16xf32>
    tpu.vector_store %arg9[%swap3A_104, %swap3A_105], %swap3A_108 {strides = array<i32>} : memref<8x128xf32, #tpu.memory_space<vmem>>, vector<1x16xf32>,
    %swap3A_109 = arith.constant 2 : i32
    %swap3A_110 = arith.index_cast %swap3A_109 : i32 to index
    %swap3A_111 = arith.constant 32 : index
    %swap3A_112 = tpu.vector_load %arg9[%swap3A_110, %swap3A_111] {strides = array<i32>} : memref<8x128xf32, #tpu.memory_space<vmem>>, vector<1x16xf32>,
    %swap3A_113 = vector.shape_cast %swap3A_112 : vector<1x16xf32> to vector<16xf32>
    %swap3A_114 = vector.shape_cast %broadcast_in_dim3A_1 : vector<16xf32> to vector<1x16xf32>
    tpu.vector_store %arg9[%swap3A_110, %swap3A_111], %swap3A_114 {strides = array<i32>} : memref<8x128xf32, #tpu.memory_space<vmem>>, vector<1x16xf32>,
    %swap3A_115 = arith.constant 2 : i32
    %swap3A_116 = arith.index_cast %swap3A_115 : i32 to index
    %swap3A_117 = arith.constant 48 : index
    %swap3A_118 = tpu.vector_load %arg9[%swap3A_116, %swap3A_117] {strides = array<i32>} : memref<8x128xf32, #tpu.memory_space<vmem>>, vector<1x16xf32>,
    %swap3A_119 = vector.shape_cast %swap3A_118 : vector<1x16xf32> to vector<16xf32>
    %swap3A_120 = vector.shape_cast %broadcast_in_dim3A_1 : vector<16xf32> to vector<1x16xf32>
    tpu.vector_store %arg9[%swap3A_116, %swap3A_117], %swap3A_120 {strides = array<i32>} : memref<8x128xf32, #tpu.memory_space<vmem>>, vector<1x16xf32>,
    %swap3A_121 = arith.constant 2 : i32
    %swap3A_122 = arith.index_cast %swap3A_121 : i32 to index
    %swap3A_123 = arith.constant 64 : index
    %swap3A_124 = tpu.vector_load %arg9[%swap3A_122, %swap3A_123] {strides = array<i32>} : memref<8x128xf32, #tpu.memory_space<vmem>>, vector<1x16xf32>,
    %swap3A_125 = vector.shape_cast %swap3A_124 : vector<1x16xf32> to vector<16xf32>
    %swap3A_126 = vector.shape_cast %broadcast_in_dim3A_1 : vector<16xf32> to vector<1x16xf32>
    tpu.vector_store %arg9[%swap3A_122, %swap3A_123], %swap3A_126 {strides = array<i32>} : memref<8x128xf32, #tpu.memory_space<vmem>>, vector<1x16xf32>,
    %swap3A_127 = arith.constant 2 : i32
    %swap3A_128 = arith.index_cast %swap3A_127 : i32 to index
    %swap3A_129 = arith.constant 80 : index
    %swap3A_130 = tpu.vector_load %arg9[%swap3A_128, %swap3A_129] {strides = array<i32>} : memref<8x128xf32, #tpu.memory_space<vmem>>, vector<1x16xf32>,
    %swap3A_131 = vector.shape_cast %swap3A_130 : vector<1x16xf32> to vector<16xf32>
    %swap3A_132 = vector.shape_cast %broadcast_in_dim3A_1 : vector<16xf32> to vector<1x16xf32>
    tpu.vector_store %arg9[%swap3A_128, %swap3A_129], %swap3A_132 {strides = array<i32>} : memref<8x128xf32, #tpu.memory_space<vmem>>, vector<1x16xf32>,
    %swap3A_133 = arith.constant 2 : i32
    %swap3A_134 = arith.index_cast %swap3A_133 : i32 to index
    %swap3A_135 = arith.constant 96 : index
    %swap3A_136 = tpu.vector_load %arg9[%swap3A_134, %swap3A_135] {strides = array<i32>} : memref<8x128xf32, #tpu.memory_space<vmem>>, vector<1x16xf32>,
    %swap3A_137 = vector.shape_cast %swap3A_136 : vector<1x16xf32> to vector<16xf32>
    %swap3A_138 = vector.shape_cast %broadcast_in_dim3A_1 : vector<16xf32> to vector<1x16xf32>
    tpu.vector_store %arg9[%swap3A_134, %swap3A_135], %swap3A_138 {strides = array<i32>} : memref<8x128xf32, #tpu.memory_space<vmem>>, vector<1x16xf32>,
    %swap3A_139 = arith.constant 2 : i32
    %swap3A_140 = arith.index_cast %swap3A_139 : i32 to index
    %swap3A_141 = arith.constant 112 : index
    %swap3A_142 = tpu.vector_load %arg9[%swap3A_140, %swap3A_141] {strides = array<i32>} : memref<8x128xf32, #tpu.memory_space<vmem>>, vector<1x16xf32>,
    %swap3A_143 = vector.shape_cast %swap3A_142 : vector<1x16xf32> to vector<16xf32>
    %swap3A_144 = vector.shape_cast %broadcast_in_dim3A_1 : vector<16xf32> to vector<1x16xf32>
    tpu.vector_store %arg9[%swap3A_140, %swap3A_141], %swap3A_144 {strides = array<i32>} : memref<8x128xf32, #tpu.memory_space<vmem>>, vector<1x16xf32>,
    %swap3A_145 = arith.constant 3 : i32
    %swap3A_146 = arith.index_cast %swap3A_145 : i32 to index
    %swap3A_147 = arith.constant 0 : index
    %swap3A_148 = tpu.vector_load %arg9[%swap3A_146, %swap3A_147] {strides = array<i32>} : memref<8x128xf32, #tpu.memory_space<vmem>>, vector<1x16xf32>,
    %swap3A_149 = vector.shape_cast %swap3A_148 : vector<1x16xf32> to vector<16xf32>
    %swap3A_150 = vector.shape_cast %broadcast_in_dim3A_1 : vector<16xf32> to vector<1x16xf32>
    tpu.vector_store %arg9[%swap3A_146, %swap3A_147], %swap3A_150 {strides = array<i32>} : memref<8x128xf32, #tpu.memory_space<vmem>>, vector<1x16xf32>,
    %swap3A_151 = arith.constant 3 : i32
    %swap3A_152 = arith.index_cast %swap3A_151 : i32 to index
    %swap3A_153 = arith.constant 16 : index
    %swap3A_154 = tpu.vector_load %arg9[%swap3A_152, %swap3A_153] {strides = array<i32>} : memref<8x128xf32, #tpu.memory_space<vmem>>, vector<1x16xf32>,
    %swap3A_155 = vector.shape_cast %swap3A_154 : vector<1x16xf32> to vector<16xf32>
    %swap3A_156 = vector.shape_cast %broadcast_in_dim3A_1 : vector<16xf32> to vector<1x16xf32>
    tpu.vector_store %arg9[%swap3A_152, %swap3A_153], %swap3A_156 {strides = array<i32>} : memref<8x128xf32, #tpu.memory_space<vmem>>, vector<1x16xf32>,
    %swap3A_157 = arith.constant 3 : i32
    %swap3A_158 = arith.index_cast %swap3A_157 : i32 to index
    %swap3A_159 = arith.constant 32 : index
    %swap3A_160 = tpu.vector_load %arg9[%swap3A_158, %swap3A_159] {strides = array<i32>} : memref<8x128xf32, #tpu.memory_space<vmem>>, vector<1x16xf32>,
    %swap3A_161 = vector.shape_cast %swap3A_160 : vector<1x16xf32> to vector<16xf32>
    %swap3A_162 = vector.shape_cast %broadcast_in_dim3A_1 : vector<16xf32> to vector<1x16xf32>
    tpu.vector_store %arg9[%swap3A_158, %swap3A_159], %swap3A_162 {strides = array<i32>} : memref<8x128xf32, #tpu.memory_space<vmem>>, vector<1x16xf32>,
    %swap3A_163 = arith.constant 3 : i32
    %swap3A_164 = arith.index_cast %swap3A_163 : i32 to index
    %swap3A_165 = arith.constant 48 : index
    %swap3A_166 = tpu.vector_load %arg9[%swap3A_164, %swap3A_165] {strides = array<i32>} : memref<8x128xf32, #tpu.memory_space<vmem>>, vector<1x16xf32>,
    %swap3A_167 = vector.shape_cast %swap3A_166 : vector<1x16xf32> to vector<16xf32>
    %swap3A_168 = vector.shape_cast %broadcast_in_dim3A_1 : vector<16xf32> to vector<1x16xf32>
    tpu.vector_store %arg9[%swap3A_164, %swap3A_165], %swap3A_168 {strides = array<i32>} : memref<8x128xf32, #tpu.memory_space<vmem>>, vector<1x16xf32>,
    %swap3A_169 = arith.constant 3 : i32
    %swap3A_170 = arith.index_cast %swap3A_169 : i32 to index
    %swap3A_171 = arith.constant 64 : index
    %swap3A_172 = tpu.vector_load %arg9[%swap3A_170, %swap3A_171] {strides = array<i32>} : memref<8x128xf32, #tpu.memory_space<vmem>>, vector<1x16xf32>,
    %swap3A_173 = vector.shape_cast %swap3A_172 : vector<1x16xf32> to vector<16xf32>
    %swap3A_174 = vector.shape_cast %broadcast_in_dim3A_1 : vector<16xf32> to vector<1x16xf32>
    tpu.vector_store %arg9[%swap3A_170, %swap3A_171], %swap3A_174 {strides = array<i32>} : memref<8x128xf32, #tpu.memory_space<vmem>>, vector<1x16xf32>,
    %swap3A_175 = arith.constant 3 : i32
    %swap3A_176 = arith.index_cast %swap3A_175 : i32 to index
    %swap3A_177 = arith.constant 80 : index
    %swap3A_178 = tpu.vector_load %arg9[%swap3A_176, %swap3A_177] {strides = array<i32>} : memref<8x128xf32, #tpu.memory_space<vmem>>, vector<1x16xf32>,
    %swap3A_179 = vector.shape_cast %swap3A_178 : vector<1x16xf32> to vector<16xf32>
    %swap3A_180 = vector.shape_cast %broadcast_in_dim3A_1 : vector<16xf32> to vector<1x16xf32>
    tpu.vector_store %arg9[%swap3A_176, %swap3A_177], %swap3A_180 {strides = array<i32>} : memref<8x128xf32, #tpu.memory_space<vmem>>, vector<1x16xf32>,
    %swap3A_181 = arith.constant 3 : i32
    %swap3A_182 = arith.index_cast %swap3A_181 : i32 to index
    %swap3A_183 = arith.constant 96 : index
    %swap3A_184 = tpu.vector_load %arg9[%swap3A_182, %swap3A_183] {strides = array<i32>} : memref<8x128xf32, #tpu.memory_space<vmem>>, vector<1x16xf32>,
    %swap3A_185 = vector.shape_cast %swap3A_184 : vector<1x16xf32> to vector<16xf32>
    %swap3A_186 = vector.shape_cast %broadcast_in_dim3A_1 : vector<16xf32> to vector<1x16xf32>
    tpu.vector_store %arg9[%swap3A_182, %swap3A_183], %swap3A_186 {strides = array<i32>} : memref<8x128xf32, #tpu.memory_space<vmem>>, vector<1x16xf32>,
    %swap3A_187 = arith.constant 3 : i32
    %swap3A_188 = arith.index_cast %swap3A_187 : i32 to index
    %swap3A_189 = arith.constant 112 : index
    %swap3A_190 = tpu.vector_load %arg9[%swap3A_188, %swap3A_189] {strides = array<i32>} : memref<8x128xf32, #tpu.memory_space<vmem>>, vector<1x16xf32>,
    %swap3A_191 = vector.shape_cast %swap3A_190 : vector<1x16xf32> to vector<16xf32>
    %swap3A_192 = vector.shape_cast %broadcast_in_dim3A_1 : vector<16xf32> to vector<1x16xf32>
    tpu.vector_store %arg9[%swap3A_188, %swap3A_189], %swap3A_192 {strides = array<i32>} : memref<8x128xf32, #tpu.memory_space<vmem>>, vector<1x16xf32>,
    %swap3A_193 = arith.constant 4 : i32
    %swap3A_194 = arith.index_cast %swap3A_193 : i32 to index
    %swap3A_195 = arith.constant 0 : index
    %swap3A_196 = tpu.vector_load %arg9[%swap3A_194, %swap3A_195] {strides = array<i32>} : memref<8x128xf32, #tpu.memory_space<vmem>>, vector<1x16xf32>,
    %swap3A_197 = vector.shape_cast %swap3A_196 : vector<1x16xf32> to vector<16xf32>
    %swap3A_198 = vector.shape_cast %broadcast_in_dim3A_1 : vector<16xf32> to vector<1x16xf32>
    tpu.vector_store %arg9[%swap3A_194, %swap3A_195], %swap3A_198 {strides = array<i32>} : memref<8x128xf32, #tpu.memory_space<vmem>>, vector<1x16xf32>,
    %swap3A_199 = arith.constant 4 : i32
    %swap3A_200 = arith.index_cast %swap3A_199 : i32 to index
    %swap3A_201 = arith.constant 16 : index
    %swap3A_202 = tpu.vector_load %arg9[%swap3A_200, %swap3A_201] {strides = array<i32>} : memref<8x128xf32, #tpu.memory_space<vmem>>, vector<1x16xf32>,
    %swap3A_203 = vector.shape_cast %swap3A_202 : vector<1x16xf32> to vector<16xf32>
    %swap3A_204 = vector.shape_cast %broadcast_in_dim3A_1 : vector<16xf32> to vector<1x16xf32>
    tpu.vector_store %arg9[%swap3A_200, %swap3A_201], %swap3A_204 {strides = array<i32>} : memref<8x128xf32, #tpu.memory_space<vmem>>, vector<1x16xf32>,
    %swap3A_205 = arith.constant 4 : i32
    %swap3A_206 = arith.index_cast %swap3A_205 : i32 to index
    %swap3A_207 = arith.constant 32 : index
    %swap3A_208 = tpu.vector_load %arg9[%swap3A_206, %swap3A_207] {strides = array<i32>} : memref<8x128xf32, #tpu.memory_space<vmem>>, vector<1x16xf32>,
    %swap3A_209 = vector.shape_cast %swap3A_208 : vector<1x16xf32> to vector<16xf32>
    %swap3A_210 = vector.shape_cast %broadcast_in_dim3A_1 : vector<16xf32> to vector<1x16xf32>
    tpu.vector_store %arg9[%swap3A_206, %swap3A_207], %swap3A_210 {strides = array<i32>} : memref<8x128xf32, #tpu.memory_space<vmem>>, vector<1x16xf32>,
    %swap3A_211 = arith.constant 4 : i32
    %swap3A_212 = arith.index_cast %swap3A_211 : i32 to index
    %swap3A_213 = arith.constant 48 : index
    %swap3A_214 = tpu.vector_load %arg9[%swap3A_212, %swap3A_213] {strides = array<i32>} : memref<8x128xf32, #tpu.memory_space<vmem>>, vector<1x16xf32>,
    %swap3A_215 = vector.shape_cast %swap3A_214 : vector<1x16xf32> to vector<16xf32>
    %swap3A_216 = vector.shape_cast %broadcast_in_dim3A_1 : vector<16xf32> to vector<1x16xf32>
    tpu.vector_store %arg9[%swap3A_212, %swap3A_213], %swap3A_216 {strides = array<i32>} : memref<8x128xf32, #tpu.memory_space<vmem>>, vector<1x16xf32>,
    %swap3A_217 = arith.constant 4 : i32
    %swap3A_218 = arith.index_cast %swap3A_217 : i32 to index
    %swap3A_219 = arith.constant 64 : index
    %swap3A_220 = tpu.vector_load %arg9[%swap3A_218, %swap3A_219] {strides = array<i32>} : memref<8x128xf32, #tpu.memory_space<vmem>>, vector<1x16xf32>,
    %swap3A_221 = vector.shape_cast %swap3A_220 : vector<1x16xf32> to vector<16xf32>
    %swap3A_222 = vector.shape_cast %broadcast_in_dim3A_1 : vector<16xf32> to vector<1x16xf32>
    tpu.vector_store %arg9[%swap3A_218, %swap3A_219], %swap3A_222 {strides = array<i32>} : memref<8x128xf32, #tpu.memory_space<vmem>>, vector<1x16xf32>,
    %swap3A_223 = arith.constant 4 : i32
    %swap3A_224 = arith.index_cast %swap3A_223 : i32 to index
    %swap3A_225 = arith.constant 80 : index
    %swap3A_226 = tpu.vector_load %arg9[%swap3A_224, %swap3A_225] {strides = array<i32>} : memref<8x128xf32, #tpu.memory_space<vmem>>, vector<1x16xf32>,
    %swap3A_227 = vector.shape_cast %swap3A_226 : vector<1x16xf32> to vector<16xf32>
    %swap3A_228 = vector.shape_cast %broadcast_in_dim3A_1 : vector<16xf32> to vector<1x16xf32>
    tpu.vector_store %arg9[%swap3A_224, %swap3A_225], %swap3A_228 {strides = array<i32>} : memref<8x128xf32, #tpu.memory_space<vmem>>, vector<1x16xf32>,
    %swap3A_229 = arith.constant 4 : i32
    %swap3A_230 = arith.index_cast %swap3A_229 : i32 to index
    %swap3A_231 = arith.constant 96 : index
    %swap3A_232 = tpu.vector_load %arg9[%swap3A_230, %swap3A_231] {strides = array<i32>} : memref<8x128xf32, #tpu.memory_space<vmem>>, vector<1x16xf32>,
    %swap3A_233 = vector.shape_cast %swap3A_232 : vector<1x16xf32> to vector<16xf32>
    %swap3A_234 = vector.shape_cast %broadcast_in_dim3A_1 : vector<16xf32> to vector<1x16xf32>
    tpu.vector_store %arg9[%swap3A_230, %swap3A_231], %swap3A_234 {strides = array<i32>} : memref<8x128xf32, #tpu.memory_space<vmem>>, vector<1x16xf32>,
    %swap3A_235 = arith.constant 4 : i32
    %swap3A_236 = arith.index_cast %swap3A_235 : i32 to index
    %swap3A_237 = arith.constant 112 : index
    %swap3A_238 = tpu.vector_load %arg9[%swap3A_236, %swap3A_237] {strides = array<i32>} : memref<8x128xf32, #tpu.memory_space<vmem>>, vector<1x16xf32>,
    %swap3A_239 = vector.shape_cast %swap3A_238 : vector<1x16xf32> to vector<16xf32>
    %swap3A_240 = vector.shape_cast %broadcast_in_dim3A_1 : vector<16xf32> to vector<1x16xf32>
    tpu.vector_store %arg9[%swap3A_236, %swap3A_237], %swap3A_240 {strides = array<i32>} : memref<8x128xf32, #tpu.memory_space<vmem>>, vector<1x16xf32>,
    %swap3A_241 = arith.constant 5 : i32
    %swap3A_242 = arith.index_cast %swap3A_241 : i32 to index
    %swap3A_243 = arith.constant 0 : index
    %swap3A_244 = tpu.vector_load %arg9[%swap3A_242, %swap3A_243] {strides = array<i32>} : memref<8x128xf32, #tpu.memory_space<vmem>>, vector<1x16xf32>,
    %swap3A_245 = vector.shape_cast %swap3A_244 : vector<1x16xf32> to vector<16xf32>
    %swap3A_246 = vector.shape_cast %broadcast_in_dim3A_1 : vector<16xf32> to vector<1x16xf32>
    tpu.vector_store %arg9[%swap3A_242, %swap3A_243], %swap3A_246 {strides = array<i32>} : memref<8x128xf32, #tpu.memory_space<vmem>>, vector<1x16xf32>,
    %swap3A_247 = arith.constant 5 : i32
    %swap3A_248 = arith.index_cast %swap3A_247 : i32 to index
    %swap3A_249 = arith.constant 16 : index
    %swap3A_250 = tpu.vector_load %arg9[%swap3A_248, %swap3A_249] {strides = array<i32>} : memref<8x128xf32, #tpu.memory_space<vmem>>, vector<1x16xf32>,
    %swap3A_251 = vector.shape_cast %swap3A_250 : vector<1x16xf32> to vector<16xf32>
    %swap3A_252 = vector.shape_cast %broadcast_in_dim3A_1 : vector<16xf32> to vector<1x16xf32>
    tpu.vector_store %arg9[%swap3A_248, %swap3A_249], %swap3A_252 {strides = array<i32>} : memref<8x128xf32, #tpu.memory_space<vmem>>, vector<1x16xf32>,
    %swap3A_253 = arith.constant 5 : i32
    %swap3A_254 = arith.index_cast %swap3A_253 : i32 to index
    %swap3A_255 = arith.constant 32 : index
    %swap3A_256 = tpu.vector_load %arg9[%swap3A_254, %swap3A_255] {strides = array<i32>} : memref<8x128xf32, #tpu.memory_space<vmem>>, vector<1x16xf32>,
    %swap3A_257 = vector.shape_cast %swap3A_256 : vector<1x16xf32> to vector<16xf32>
    %swap3A_258 = vector.shape_cast %broadcast_in_dim3A_1 : vector<16xf32> to vector<1x16xf32>
    tpu.vector_store %arg9[%swap3A_254, %swap3A_255], %swap3A_258 {strides = array<i32>} : memref<8x128xf32, #tpu.memory_space<vmem>>, vector<1x16xf32>,
    %swap3A_259 = arith.constant 5 : i32
    %swap3A_260 = arith.index_cast %swap3A_259 : i32 to index
    %swap3A_261 = arith.constant 48 : index
    %swap3A_262 = tpu.vector_load %arg9[%swap3A_260, %swap3A_261] {strides = array<i32>} : memref<8x128xf32, #tpu.memory_space<vmem>>, vector<1x16xf32>,
    %swap3A_263 = vector.shape_cast %swap3A_262 : vector<1x16xf32> to vector<16xf32>
    %swap3A_264 = vector.shape_cast %broadcast_in_dim3A_1 : vector<16xf32> to vector<1x16xf32>
    tpu.vector_store %arg9[%swap3A_260, %swap3A_261], %swap3A_264 {strides = array<i32>} : memref<8x128xf32, #tpu.memory_space<vmem>>, vector<1x16xf32>,
    %swap3A_265 = arith.constant 5 : i32
    %swap3A_266 = arith.index_cast %swap3A_265 : i32 to index
    %swap3A_267 = arith.constant 64 : index
    %swap3A_268 = tpu.vector_load %arg9[%swap3A_266, %swap3A_267] {strides = array<i32>} : memref<8x128xf32, #tpu.memory_space<vmem>>, vector<1x16xf32>,
    %swap3A_269 = vector.shape_cast %swap3A_268 : vector<1x16xf32> to vector<16xf32>
    %swap3A_270 = vector.shape_cast %broadcast_in_dim3A_1 : vector<16xf32> to vector<1x16xf32>
    tpu.vector_store %arg9[%swap3A_266, %swap3A_267], %swap3A_270 {strides = array<i32>} : memref<8x128xf32, #tpu.memory_space<vmem>>, vector<1x16xf32>,
    %swap3A_271 = arith.constant 5 : i32
    %swap3A_272 = arith.index_cast %swap3A_271 : i32 to index
    %swap3A_273 = arith.constant 80 : index
    %swap3A_274 = tpu.vector_load %arg9[%swap3A_272, %swap3A_273] {strides = array<i32>} : memref<8x128xf32, #tpu.memory_space<vmem>>, vector<1x16xf32>,
    %swap3A_275 = vector.shape_cast %swap3A_274 : vector<1x16xf32> to vector<16xf32>
    %swap3A_276 = vector.shape_cast %broadcast_in_dim3A_1 : vector<16xf32> to vector<1x16xf32>
    tpu.vector_store %arg9[%swap3A_272, %swap3A_273], %swap3A_276 {strides = array<i32>} : memref<8x128xf32, #tpu.memory_space<vmem>>, vector<1x16xf32>,
    %swap3A_277 = arith.constant 5 : i32
    %swap3A_278 = arith.index_cast %swap3A_277 : i32 to index
    %swap3A_279 = arith.constant 96 : index
    %swap3A_280 = tpu.vector_load %arg9[%swap3A_278, %swap3A_279] {strides = array<i32>} : memref<8x128xf32, #tpu.memory_space<vmem>>, vector<1x16xf32>,
    %swap3A_281 = vector.shape_cast %swap3A_280 : vector<1x16xf32> to vector<16xf32>
    %swap3A_282 = vector.shape_cast %broadcast_in_dim3A_1 : vector<16xf32> to vector<1x16xf32>
    tpu.vector_store %arg9[%swap3A_278, %swap3A_279], %swap3A_282 {strides = array<i32>} : memref<8x128xf32, #tpu.memory_space<vmem>>, vector<1x16xf32>,
    %swap3A_283 = arith.constant 5 : i32
    %swap3A_284 = arith.index_cast %swap3A_283 : i32 to index
    %swap3A_285 = arith.constant 112 : index
    %swap3A_286 = tpu.vector_load %arg9[%swap3A_284, %swap3A_285] {strides = array<i32>} : memref<8x128xf32, #tpu.memory_space<vmem>>, vector<1x16xf32>,
    %swap3A_287 = vector.shape_cast %swap3A_286 : vector<1x16xf32> to vector<16xf32>
    %swap3A_288 = vector.shape_cast %broadcast_in_dim3A_1 : vector<16xf32> to vector<1x16xf32>
    tpu.vector_store %arg9[%swap3A_284, %swap3A_285], %swap3A_288 {strides = array<i32>} : memref<8x128xf32, #tpu.memory_space<vmem>>, vector<1x16xf32>,
    %swap3A_289 = arith.constant 6 : i32
    %swap3A_290 = arith.index_cast %swap3A_289 : i32 to index
    %swap3A_291 = arith.constant 0 : index
    %swap3A_292 = tpu.vector_load %arg9[%swap3A_290, %swap3A_291] {strides = array<i32>} : memref<8x128xf32, #tpu.memory_space<vmem>>, vector<1x16xf32>,
    %swap3A_293 = vector.shape_cast %swap3A_292 : vector<1x16xf32> to vector<16xf32>
    %swap3A_294 = vector.shape_cast %broadcast_in_dim3A_1 : vector<16xf32> to vector<1x16xf32>
    tpu.vector_store %arg9[%swap3A_290, %swap3A_291], %swap3A_294 {strides = array<i32>} : memref<8x128xf32, #tpu.memory_space<vmem>>, vector<1x16xf32>,
    %swap3A_295 = arith.constant 6 : i32
    %swap3A_296 = arith.index_cast %swap3A_295 : i32 to index
    %swap3A_297 = arith.constant 16 : index
    %swap3A_298 = tpu.vector_load %arg9[%swap3A_296, %swap3A_297] {strides = array<i32>} : memref<8x128xf32, #tpu.memory_space<vmem>>, vector<1x16xf32>,
    %swap3A_299 = vector.shape_cast %swap3A_298 : vector<1x16xf32> to vector<16xf32>
    %swap3A_300 = vector.shape_cast %broadcast_in_dim3A_1 : vector<16xf32> to vector<1x16xf32>
    tpu.vector_store %arg9[%swap3A_296, %swap3A_297], %swap3A_300 {strides = array<i32>} : memref<8x128xf32, #tpu.memory_space<vmem>>, vector<1x16xf32>,
    %swap3A_301 = arith.constant 6 : i32
    %swap3A_302 = arith.index_cast %swap3A_301 : i32 to index
    %swap3A_303 = arith.constant 32 : index
    %swap3A_304 = tpu.vector_load %arg9[%swap3A_302, %swap3A_303] {strides = array<i32>} : memref<8x128xf32, #tpu.memory_space<vmem>>, vector<1x16xf32>,
    %swap3A_305 = vector.shape_cast %swap3A_304 : vector<1x16xf32> to vector<16xf32>
    %swap3A_306 = vector.shape_cast %broadcast_in_dim3A_1 : vector<16xf32> to vector<1x16xf32>
    tpu.vector_store %arg9[%swap3A_302, %swap3A_303], %swap3A_306 {strides = array<i32>} : memref<8x128xf32, #tpu.memory_space<vmem>>, vector<1x16xf32>,
    %swap3A_307 = arith.constant 6 : i32
    %swap3A_308 = arith.index_cast %swap3A_307 : i32 to index
    %swap3A_309 = arith.constant 48 : index
    %swap3A_310 = tpu.vector_load %arg9[%swap3A_308, %swap3A_309] {strides = array<i32>} : memref<8x128xf32, #tpu.memory_space<vmem>>, vector<1x16xf32>,
    %swap3A_311 = vector.shape_cast %swap3A_310 : vector<1x16xf32> to vector<16xf32>
    %swap3A_312 = vector.shape_cast %broadcast_in_dim3A_1 : vector<16xf32> to vector<1x16xf32>
    tpu.vector_store %arg9[%swap3A_308, %swap3A_309], %swap3A_312 {strides = array<i32>} : memref<8x128xf32, #tpu.memory_space<vmem>>, vector<1x16xf32>,
    %swap3A_313 = arith.constant 6 : i32
    %swap3A_314 = arith.index_cast %swap3A_313 : i32 to index
    %swap3A_315 = arith.constant 64 : index
    %swap3A_316 = tpu.vector_load %arg9[%swap3A_314, %swap3A_315] {strides = array<i32>} : memref<8x128xf32, #tpu.memory_space<vmem>>, vector<1x16xf32>,
    %swap3A_317 = vector.shape_cast %swap3A_316 : vector<1x16xf32> to vector<16xf32>
    %swap3A_318 = vector.shape_cast %broadcast_in_dim3A_1 : vector<16xf32> to vector<1x16xf32>
    tpu.vector_store %arg9[%swap3A_314, %swap3A_315], %swap3A_318 {strides = array<i32>} : memref<8x128xf32, #tpu.memory_space<vmem>>, vector<1x16xf32>,
    %swap3A_319 = arith.constant 6 : i32
    %swap3A_320 = arith.index_cast %swap3A_319 : i32 to index
    %swap3A_321 = arith.constant 80 : index
    %swap3A_322 = tpu.vector_load %arg9[%swap3A_320, %swap3A_321] {strides = array<i32>} : memref<8x128xf32, #tpu.memory_space<vmem>>, vector<1x16xf32>,
    %swap3A_323 = vector.shape_cast %swap3A_322 : vector<1x16xf32> to vector<16xf32>
    %swap3A_324 = vector.shape_cast %broadcast_in_dim3A_1 : vector<16xf32> to vector<1x16xf32>
    tpu.vector_store %arg9[%swap3A_320, %swap3A_321], %swap3A_324 {strides = array<i32>} : memref<8x128xf32, #tpu.memory_space<vmem>>, vector<1x16xf32>,
    %swap3A_325 = arith.constant 6 : i32
    %swap3A_326 = arith.index_cast %swap3A_325 : i32 to index
    %swap3A_327 = arith.constant 96 : index
    %swap3A_328 = tpu.vector_load %arg9[%swap3A_326, %swap3A_327] {strides = array<i32>} : memref<8x128xf32, #tpu.memory_space<vmem>>, vector<1x16xf32>,
    %swap3A_329 = vector.shape_cast %swap3A_328 : vector<1x16xf32> to vector<16xf32>
    %swap3A_330 = vector.shape_cast %broadcast_in_dim3A_1 : vector<16xf32> to vector<1x16xf32>
    tpu.vector_store %arg9[%swap3A_326, %swap3A_327], %swap3A_330 {strides = array<i32>} : memref<8x128xf32, #tpu.memory_space<vmem>>, vector<1x16xf32>,
    %swap3A_331 = arith.constant 6 : i32
    %swap3A_332 = arith.index_cast %swap3A_331 : i32 to index
    %swap3A_333 = arith.constant 112 : index
    %swap3A_334 = tpu.vector_load %arg9[%swap3A_332, %swap3A_333] {strides = array<i32>} : memref<8x128xf32, #tpu.memory_space<vmem>>, vector<1x16xf32>,
    %swap3A_335 = vector.shape_cast %swap3A_334 : vector<1x16xf32> to vector<16xf32>
    %swap3A_336 = vector.shape_cast %broadcast_in_dim3A_1 : vector<16xf32> to vector<1x16xf32>
    tpu.vector_store %arg9[%swap3A_332, %swap3A_333], %swap3A_336 {strides = array<i32>} : memref<8x128xf32, #tpu.memory_space<vmem>>, vector<1x16xf32>,
    %swap3A_337 = arith.constant 7 : i32
    %swap3A_338 = arith.index_cast %swap3A_337 : i32 to index
    %swap3A_339 = arith.constant 0 : index
    %swap3A_340 = tpu.vector_load %arg9[%swap3A_338, %swap3A_339] {strides = array<i32>} : memref<8x128xf32, #tpu.memory_space<vmem>>, vector<1x16xf32>,
    %swap3A_341 = vector.shape_cast %swap3A_340 : vector<1x16xf32> to vector<16xf32>
    %swap3A_342 = vector.shape_cast %broadcast_in_dim3A_1 : vector<16xf32> to vector<1x16xf32>
    tpu.vector_store %arg9[%swap3A_338, %swap3A_339], %swap3A_342 {strides = array<i32>} : memref<8x128xf32, #tpu.memory_space<vmem>>, vector<1x16xf32>,
    %swap3A_343 = arith.constant 7 : i32
    %swap3A_344 = arith.index_cast %swap3A_343 : i32 to index
    %swap3A_345 = arith.constant 16 : index
    %swap3A_346 = tpu.vector_load %arg9[%swap3A_344, %swap3A_345] {strides = array<i32>} : memref<8x128xf32, #tpu.memory_space<vmem>>, vector<1x16xf32>,
    %swap3A_347 = vector.shape_cast %swap3A_346 : vector<1x16xf32> to vector<16xf32>
    %swap3A_348 = vector.shape_cast %broadcast_in_dim3A_1 : vector<16xf32> to vector<1x16xf32>
    tpu.vector_store %arg9[%swap3A_344, %swap3A_345], %swap3A_348 {strides = array<i32>} : memref<8x128xf32, #tpu.memory_space<vmem>>, vector<1x16xf32>,
    %swap3A_349 = arith.constant 7 : i32
    %swap3A_350 = arith.index_cast %swap3A_349 : i32 to index
    %swap3A_351 = arith.constant 32 : index
    %swap3A_352 = tpu.vector_load %arg9[%swap3A_350, %swap3A_351] {strides = array<i32>} : memref<8x128xf32, #tpu.memory_space<vmem>>, vector<1x16xf32>,
    %swap3A_353 = vector.shape_cast %swap3A_352 : vector<1x16xf32> to vector<16xf32>
    %swap3A_354 = vector.shape_cast %broadcast_in_dim3A_1 : vector<16xf32> to vector<1x16xf32>
    tpu.vector_store %arg9[%swap3A_350, %swap3A_351], %swap3A_354 {strides = array<i32>} : memref<8x128xf32, #tpu.memory_space<vmem>>, vector<1x16xf32>,
    %swap3A_355 = arith.constant 7 : i32
    %swap3A_356 = arith.index_cast %swap3A_355 : i32 to index
    %swap3A_357 = arith.constant 48 : index
    %swap3A_358 = tpu.vector_load %arg9[%swap3A_356, %swap3A_357] {strides = array<i32>} : memref<8x128xf32, #tpu.memory_space<vmem>>, vector<1x16xf32>,
    %swap3A_359 = vector.shape_cast %swap3A_358 : vector<1x16xf32> to vector<16xf32>
    %swap3A_360 = vector.shape_cast %broadcast_in_dim3A_1 : vector<16xf32> to vector<1x16xf32>
    tpu.vector_store %arg9[%swap3A_356, %swap3A_357], %swap3A_360 {strides = array<i32>} : memref<8x128xf32, #tpu.memory_space<vmem>>, vector<1x16xf32>,
    %swap3A_361 = arith.constant 7 : i32
    %swap3A_362 = arith.index_cast %swap3A_361 : i32 to index
    %swap3A_363 = arith.constant 64 : index
    %swap3A_364 = tpu.vector_load %arg9[%swap3A_362, %swap3A_363] {strides = array<i32>} : memref<8x128xf32, #tpu.memory_space<vmem>>, vector<1x16xf32>,
    %swap3A_365 = vector.shape_cast %swap3A_364 : vector<1x16xf32> to vector<16xf32>
    %swap3A_366 = vector.shape_cast %broadcast_in_dim3A_1 : vector<16xf32> to vector<1x16xf32>
    tpu.vector_store %arg9[%swap3A_362, %swap3A_363], %swap3A_366 {strides = array<i32>} : memref<8x128xf32, #tpu.memory_space<vmem>>, vector<1x16xf32>,
    %swap3A_367 = arith.constant 7 : i32
    %swap3A_368 = arith.index_cast %swap3A_367 : i32 to index
    %swap3A_369 = arith.constant 80 : index
    %swap3A_370 = tpu.vector_load %arg9[%swap3A_368, %swap3A_369] {strides = array<i32>} : memref<8x128xf32, #tpu.memory_space<vmem>>, vector<1x16xf32>,
    %swap3A_371 = vector.shape_cast %swap3A_370 : vector<1x16xf32> to vector<16xf32>
    %swap3A_372 = vector.shape_cast %broadcast_in_dim3A_1 : vector<16xf32> to vector<1x16xf32>
    tpu.vector_store %arg9[%swap3A_368, %swap3A_369], %swap3A_372 {strides = array<i32>} : memref<8x128xf32, #tpu.memory_space<vmem>>, vector<1x16xf32>,
    %swap3A_373 = arith.constant 7 : i32
    %swap3A_374 = arith.index_cast %swap3A_373 : i32 to index
    %swap3A_375 = arith.constant 96 : index
    %swap3A_376 = tpu.vector_load %arg9[%swap3A_374, %swap3A_375] {strides = array<i32>} : memref<8x128xf32, #tpu.memory_space<vmem>>, vector<1x16xf32>,
    %swap3A_377 = vector.shape_cast %swap3A_376 : vector<1x16xf32> to vector<16xf32>
    %swap3A_378 = vector.shape_cast %broadcast_in_dim3A_1 : vector<16xf32> to vector<1x16xf32>
    tpu.vector_store %arg9[%swap3A_374, %swap3A_375], %swap3A_378 {strides = array<i32>} : memref<8x128xf32, #tpu.memory_space<vmem>>, vector<1x16xf32>,
    %swap3A_379 = arith.constant 7 : i32
    %swap3A_380 = arith.index_cast %swap3A_379 : i32 to index
    %swap3A_381 = arith.constant 112 : index
    %swap3A_382 = tpu.vector_load %arg9[%swap3A_380, %swap3A_381] {strides = array<i32>} : memref<8x128xf32, #tpu.memory_space<vmem>>, vector<1x16xf32>,
    %swap3A_383 = vector.shape_cast %swap3A_382 : vector<1x16xf32> to vector<16xf32>
    %swap3A_384 = vector.shape_cast %broadcast_in_dim3A_1 : vector<16xf32> to vector<1x16xf32>
    tpu.vector_store %arg9[%swap3A_380, %swap3A_381], %swap3A_384 {strides = array<i32>} : memref<8x128xf32, #tpu.memory_space<vmem>>, vector<1x16xf32>,
    %mul3A_385 = arith.constant 632 : i32
    %mul3A_386 = arith.muli %arg1, %mul3A_385 : i32
    %scan3A = arith.constant 0 : i32
    %scan3A_387 = arith.constant 79 : i32
    %scan3A_388 = arith.addi %scan3A, %scan3A_387 : i32
    %scan3A_389 = arith.constant 1 : i32
    scf.for %scan3A_401 = %scan3A to %scan3A_388 step %scan3A_389  : i32 {
      %mul3A_402 = arith.constant 8 : i32
      %mul3A_403 = arith.muli %scan3A_401, %mul3A_402 : i32
      %add3A_404 = arith.addi %mul3A_386, %mul3A_403 : i32
      "tpu.region"() ({
        %run_scoped3A = tpu.sem_alloc : memref<!tpu.dma_semaphore, #tpu.memory_space<semaphore_mem>>
        %dma_start3A = arith.constant 0 : i32
        %dma_start3A_405 = tpu.memref_slice %arg10[%add3A_404, %dma_start3A] : memref<10112x128xf32, #tpu.memory_space<vmem_shared>> -> memref<8x128xf32, #tpu.memory_space<vmem_shared>>
        %dma_start3A_406 = arith.constant 0 : i32
        %dma_start3A_407 = tpu.memref_slice %arg10[%add3A_404, %dma_start3A_406] : memref<10112x128xf32, #tpu.memory_space<vmem_shared>> -> memref<8x128xf32, #tpu.memory_space<vmem_shared>>
        tpu.enqueue_dma source(%arg9 : memref<8x128xf32, #tpu.memory_space<vmem>>) target(%dma_start3A_407 : memref<8x128xf32, #tpu.memory_space<vmem_shared>>) target_semaphore(%run_scoped3A : memref<!tpu.dma_semaphore, #tpu.memory_space<semaphore_mem>>)
        %dma_wait3A = arith.constant 0 : i32
        %dma_wait3A_408 = tpu.memref_slice %arg10[%add3A_404, %dma_wait3A] : memref<10112x128xf32, #tpu.memory_space<vmem_shared>> -> memref<8x128xf32, #tpu.memory_space<vmem_shared>>
        %dma_wait3A_409 = arith.constant 0 : i32
        %dma_wait3A_410 = tpu.memref_slice %arg10[%add3A_404, %dma_wait3A_409] : memref<10112x128xf32, #tpu.memory_space<vmem_shared>> -> memref<8x128xf32, #tpu.memory_space<vmem_shared>>
        tpu.wait_dma2 semaphore(%run_scoped3A : memref<!tpu.dma_semaphore, #tpu.memory_space<semaphore_mem>>) src(%arg9 : memref<8x128xf32, #tpu.memory_space<vmem>>) dst(%dma_wait3A_410 : memref<8x128xf32, #tpu.memory_space<vmem_shared>>)
        tpu.yield
      }) : () -> ()
    }
    %scan3A_390 = arith.constant 79 : i32
    "tpu.region"() ({
      %run_scoped3A = tpu.sem_alloc : memref<!tpu.dma_semaphore, #tpu.memory_space<semaphore_mem>>
      %dma_start3A = arith.constant 0 : i32
      %dma_start3A_401 = arith.constant 0 : i32
      %dma_start3A_402 = tpu.memref_slice %arg3[%add3A, %dma_start3A, %dma_start3A_401] : memref<32x79x128xi32, #tpu.memory_space<hbm>> -> memref<1x79x128xi32, #tpu.memory_space<hbm>>
      %dma_start3A_403 = tpu.memref_squeeze %dma_start3A_402 : memref<1x79x128xi32, #tpu.memory_space<hbm>> -> memref<79x128xi32, #tpu.memory_space<hbm>>
      %dma_start3A_404 = arith.constant 0 : i32
      %dma_start3A_405 = arith.constant 0 : i32
      %dma_start3A_406 = tpu.memref_slice %arg3[%add3A, %dma_start3A_404, %dma_start3A_405] : memref<32x79x128xi32, #tpu.memory_space<hbm>> -> memref<1x79x128xi32, #tpu.memory_space<hbm>>
      %dma_start3A_407 = tpu.memref_squeeze %dma_start3A_406 : memref<1x79x128xi32, #tpu.memory_space<hbm>> -> memref<79x128xi32, #tpu.memory_space<hbm>>
      tpu.enqueue_dma source(%dma_start3A_407 : memref<79x128xi32, #tpu.memory_space<hbm>>) target(%arg6 : memref<79x128xi32, #tpu.memory_space<vmem>>) target_semaphore(%run_scoped3A : memref<!tpu.dma_semaphore, #tpu.memory_space<semaphore_mem>>)
      %dma_wait3A = arith.constant 0 : i32
      %dma_wait3A_408 = arith.constant 0 : i32
      %dma_wait3A_409 = tpu.memref_slice %arg3[%add3A, %dma_wait3A, %dma_wait3A_408] : memref<32x79x128xi32, #tpu.memory_space<hbm>> -> memref<1x79x128xi32, #tpu.memory_space<hbm>>
      %dma_wait3A_410 = tpu.memref_squeeze %dma_wait3A_409 : memref<1x79x128xi32, #tpu.memory_space<hbm>> -> memref<79x128xi32, #tpu.memory_space<hbm>>
      %dma_wait3A_411 = arith.constant 0 : i32
      %dma_wait3A_412 = arith.constant 0 : i32
      %dma_wait3A_413 = tpu.memref_slice %arg3[%add3A, %dma_wait3A_411, %dma_wait3A_412] : memref<32x79x128xi32, #tpu.memory_space<hbm>> -> memref<1x79x128xi32, #tpu.memory_space<hbm>>
      %dma_wait3A_414 = tpu.memref_squeeze %dma_wait3A_413 : memref<1x79x128xi32, #tpu.memory_space<hbm>> -> memref<79x128xi32, #tpu.memory_space<hbm>>
      tpu.wait_dma2 semaphore(%run_scoped3A : memref<!tpu.dma_semaphore, #tpu.memory_space<semaphore_mem>>) src(%dma_wait3A_414 : memref<79x128xi32, #tpu.memory_space<hbm>>) dst(%arg6 : memref<79x128xi32, #tpu.memory_space<vmem>>)
      tpu.yield
    }) : () -> ()
    "tpu.region"() ({
      %run_scoped3A = tpu.sem_alloc : memref<!tpu.dma_semaphore, #tpu.memory_space<semaphore_mem>>
      %dma_start3A = arith.constant 0 : i32
      %dma_start3A_401 = arith.constant 0 : i32
      %dma_start3A_402 = tpu.memref_slice %arg4[%add3A, %dma_start3A, %dma_start3A_401] : memref<32x79x128xi32, #tpu.memory_space<hbm>> -> memref<1x79x128xi32, #tpu.memory_space<hbm>>
      %dma_start3A_403 = tpu.memref_squeeze %dma_start3A_402 : memref<1x79x128xi32, #tpu.memory_space<hbm>> -> memref<79x128xi32, #tpu.memory_space<hbm>>
      %dma_start3A_404 = arith.constant 0 : i32
      %dma_start3A_405 = arith.constant 0 : i32
      %dma_start3A_406 = tpu.memref_slice %arg4[%add3A, %dma_start3A_404, %dma_start3A_405] : memref<32x79x128xi32, #tpu.memory_space<hbm>> -> memref<1x79x128xi32, #tpu.memory_space<hbm>>
      %dma_start3A_407 = tpu.memref_squeeze %dma_start3A_406 : memref<1x79x128xi32, #tpu.memory_space<hbm>> -> memref<79x128xi32, #tpu.memory_space<hbm>>
      tpu.enqueue_dma source(%dma_start3A_407 : memref<79x128xi32, #tpu.memory_space<hbm>>) target(%arg7 : memref<79x128xi32, #tpu.memory_space<vmem>>) target_semaphore(%run_scoped3A : memref<!tpu.dma_semaphore, #tpu.memory_space<semaphore_mem>>)
      %dma_wait3A = arith.constant 0 : i32
      %dma_wait3A_408 = arith.constant 0 : i32
      %dma_wait3A_409 = tpu.memref_slice %arg4[%add3A, %dma_wait3A, %dma_wait3A_408] : memref<32x79x128xi32, #tpu.memory_space<hbm>> -> memref<1x79x128xi32, #tpu.memory_space<hbm>>
      %dma_wait3A_410 = tpu.memref_squeeze %dma_wait3A_409 : memref<1x79x128xi32, #tpu.memory_space<hbm>> -> memref<79x128xi32, #tpu.memory_space<hbm>>
      %dma_wait3A_411 = arith.constant 0 : i32
      %dma_wait3A_412 = arith.constant 0 : i32
      %dma_wait3A_413 = tpu.memref_slice %arg4[%add3A, %dma_wait3A_411, %dma_wait3A_412] : memref<32x79x128xi32, #tpu.memory_space<hbm>> -> memref<1x79x128xi32, #tpu.memory_space<hbm>>
      %dma_wait3A_414 = tpu.memref_squeeze %dma_wait3A_413 : memref<1x79x128xi32, #tpu.memory_space<hbm>> -> memref<79x128xi32, #tpu.memory_space<hbm>>
      tpu.wait_dma2 semaphore(%run_scoped3A : memref<!tpu.dma_semaphore, #tpu.memory_space<semaphore_mem>>) src(%dma_wait3A_414 : memref<79x128xi32, #tpu.memory_space<hbm>>) dst(%arg7 : memref<79x128xi32, #tpu.memory_space<vmem>>)
      tpu.yield
    }) : () -> ()
    %barrier3A = arith.constant 0 : index
    tpu.barrier barrier_id(%barrier3A)
    %scan3A_391 = arith.constant 0 : i32
    %scan3A_392 = arith.constant 79 : i32
    %scan3A_393 = arith.addi %scan3A_391, %scan3A_392 : i32
    %scan3A_394 = arith.constant 1 : i32
    scf.for %scan3A_401 = %scan3A_391 to %scan3A_393 step %scan3A_394  : i32 {
      %dma_start3A = arith.constant 0 : i32
      %dma_start3A_402 = tpu.memref_slice %arg6[%scan3A_401, %dma_start3A] : memref<79x128xi32, #tpu.memory_space<vmem>> -> memref<1x128xi32, #tpu.memory_space<vmem>>
      %dma_start3A_403 = tpu.memref_squeeze %dma_start3A_402 : memref<1x128xi32, #tpu.memory_space<vmem>> -> memref<128xi32, #tpu.memory_space<vmem>>
      %dma_start3A_404 = arith.constant 0 : i32
      %dma_start3A_405 = arith.constant 0 : i32
      %dma_start3A_406 = tpu.memref_slice %arg2[%dma_start3A_404, %dma_start3A_405] : memref<10000x128xf32, #tpu.memory_space<hbm>> -> memref<10000x128xf32, #tpu.memory_space<hbm>>
      tpu.enqueue_indirect_dma source(%dma_start3A_406 : memref<10000x128xf32, #tpu.memory_space<hbm>>) target(%arg8 : memref<128x128xf32, #tpu.memory_space<vmem>>) offsets(%dma_start3A_403 : memref<128xi32, #tpu.memory_space<vmem>>) semaphore(%arg11 : memref<!tpu.dma_semaphore, #tpu.memory_space<semaphore_mem>>)
      %dma_wait3A = arith.constant 0 : i32
      %dma_wait3A_407 = tpu.memref_slice %arg6[%scan3A_401, %dma_wait3A] : memref<79x128xi32, #tpu.memory_space<vmem>> -> memref<1x128xi32, #tpu.memory_space<vmem>>
      %dma_wait3A_408 = tpu.memref_squeeze %dma_wait3A_407 : memref<1x128xi32, #tpu.memory_space<vmem>> -> memref<128xi32, #tpu.memory_space<vmem>>
      %dma_wait3A_409 = arith.constant 0 : i32
      %dma_wait3A_410 = arith.constant 0 : i32
      %dma_wait3A_411 = tpu.memref_slice %arg2[%dma_wait3A_409, %dma_wait3A_410] : memref<10000x128xf32, #tpu.memory_space<hbm>> -> memref<10000x128xf32, #tpu.memory_space<hbm>>
      tpu.wait_indirect_dma semaphore(%arg11 : memref<!tpu.dma_semaphore, #tpu.memory_space<semaphore_mem>>) src(%dma_wait3A_411 : memref<10000x128xf32, #tpu.memory_space<hbm>>) dst(%arg8 : memref<128x128xf32, #tpu.memory_space<vmem>>)
      "tpu.region"() ({
        %run_scoped3A = tpu.sem_alloc : memref<!tpu.dma_semaphore, #tpu.memory_space<semaphore_mem>>
        %dma_start3A_412 = arith.constant 0 : i32
        %dma_start3A_413 = tpu.memref_slice %arg7[%scan3A_401, %dma_start3A_412] : memref<79x128xi32, #tpu.memory_space<vmem>> -> memref<1x128xi32, #tpu.memory_space<vmem>>
        %dma_start3A_414 = tpu.memref_squeeze %dma_start3A_413 : memref<1x128xi32, #tpu.memory_space<vmem>> -> memref<128xi32, #tpu.memory_space<vmem>>
        %dma_start3A_415 = arith.constant 0 : i32
        %dma_start3A_416 = arith.constant 0 : i32
        %dma_start3A_417 = tpu.memref_slice %arg10[%dma_start3A_415, %dma_start3A_416] : memref<10112x128xf32, #tpu.memory_space<vmem_shared>> -> memref<10112x128xf32, #tpu.memory_space<vmem_shared>>
        tpu.enqueue_indirect_dma source(%arg8 : memref<128x128xf32, #tpu.memory_space<vmem>>) target(%dma_start3A_417 : memref<10112x128xf32, #tpu.memory_space<vmem_shared>>) offsets(%dma_start3A_414 : memref<128xi32, #tpu.memory_space<vmem>>) semaphore(%run_scoped3A : memref<!tpu.dma_semaphore, #tpu.memory_space<semaphore_mem>>) {add = true}
        %dma_wait3A_418 = arith.constant 0 : i32
        %dma_wait3A_419 = tpu.memref_slice %arg7[%scan3A_401, %dma_wait3A_418] : memref<79x128xi32, #tpu.memory_space<vmem>> -> memref<1x128xi32, #tpu.memory_space<vmem>>
        %dma_wait3A_420 = tpu.memref_squeeze %dma_wait3A_419 : memref<1x128xi32, #tpu.memory_space<vmem>> -> memref<128xi32, #tpu.memory_space<vmem>>
        %dma_wait3A_421 = arith.constant 0 : i32
        %dma_wait3A_422 = arith.constant 0 : i32
        %dma_wait3A_423 = tpu.memref_slice %arg10[%dma_wait3A_421, %dma_wait3A_422] : memref<10112x128xf32, #tpu.memory_space<vmem_shared>> -> memref<10112x128xf32, #tpu.memory_space<vmem_shared>>
        tpu.wait_indirect_dma semaphore(%run_scoped3A : memref<!tpu.dma_semaphore, #tpu.memory_space<semaphore_mem>>) src(%arg8 : memref<128x128xf32, #tpu.memory_space<vmem>>) dst(%dma_wait3A_423 : memref<10112x128xf32, #tpu.memory_space<vmem_shared>>)
        tpu.yield
      }) : () -> ()
    }
    %scan3A_395 = arith.constant 79 : i32
    %barrier3A_396 = arith.constant 0 : index
    tpu.barrier barrier_id(%barrier3A_396)
    %mul3A_397 = arith.constant 632 : i32
    %mul3A_398 = arith.muli %arg1, %mul3A_397 : i32
    %mul3A_399 = arith.constant 632 : i32
    %mul3A_400 = arith.muli %arg1, %mul3A_399 : i32
    "tpu.region"() ({
      %run_scoped3A = tpu.sem_alloc : memref<!tpu.dma_semaphore, #tpu.memory_space<semaphore_mem>>
      %dma_start3A = arith.constant 0 : i32
      %dma_start3A_401 = tpu.memref_slice %arg5[%arg0, %mul3A_400, %dma_start3A] : memref<2x10112x128xf32, #tpu.memory_space<hbm>> -> memref<1x632x128xf32, #tpu.memory_space<hbm>>
      %dma_start3A_402 = tpu.memref_squeeze %dma_start3A_401 : memref<1x632x128xf32, #tpu.memory_space<hbm>> -> memref<632x128xf32, #tpu.memory_space<hbm>>
      %dma_start3A_403 = arith.constant 0 : i32
      %dma_start3A_404 = tpu.memref_slice %arg10[%mul3A_398, %dma_start3A_403] : memref<10112x128xf32, #tpu.memory_space<vmem_shared>> -> memref<632x128xf32, #tpu.memory_space<vmem_shared>>
      tpu.enqueue_dma source(%dma_start3A_404 : memref<632x128xf32, #tpu.memory_space<vmem_shared>>) target(%dma_start3A_402 : memref<632x128xf32, #tpu.memory_space<hbm>>) target_semaphore(%run_scoped3A : memref<!tpu.dma_semaphore, #tpu.memory_space<semaphore_mem>>)
      %dma_wait3A = arith.constant 0 : i32
      %dma_wait3A_405 = tpu.memref_slice %arg5[%arg0, %mul3A_400, %dma_wait3A] : memref<2x10112x128xf32, #tpu.memory_space<hbm>> -> memref<1x632x128xf32, #tpu.memory_space<hbm>>
      %dma_wait3A_406 = tpu.memref_squeeze %dma_wait3A_405 : memref<1x632x128xf32, #tpu.memory_space<hbm>> -> memref<632x128xf32, #tpu.memory_space<hbm>>
      %dma_wait3A_407 = arith.constant 0 : i32
      %dma_wait3A_408 = tpu.memref_slice %arg10[%mul3A_398, %dma_wait3A_407] : memref<10112x128xf32, #tpu.memory_space<vmem_shared>> -> memref<632x128xf32, #tpu.memory_space<vmem_shared>>
      tpu.wait_dma2 semaphore(%run_scoped3A : memref<!tpu.dma_semaphore, #tpu.memory_space<semaphore_mem>>) src(%dma_wait3A_408 : memref<632x128xf32, #tpu.memory_space<vmem_shared>>) dst(%dma_wait3A_406 : memref<632x128xf32, #tpu.memory_space<hbm>>)
      tpu.yield
    }) : () -> ()
    return
  }
}

module attributes {stable_mosaic.version = 14 : i64} {
  func.func @_k1_body(%arg0: i32, %arg1: memref<2x1000x16xf32, #tpu.memory_space<vmem>>, %arg2: memref<1000x128xf32, #tpu.memory_space<vmem>>, %arg3: memref<128x128xf32, #tpu.memory_space<vmem>>, %arg4: memref<1000x128xf32, #tpu.memory_space<vmem>>) attributes {dimension_semantics = [#tpu.dimension_semantics<arbitrary>], iteration_bounds = array<i64: 10>, scalar_prefetch = 0 : i64, scratch_operands = 0 : i64, tpu.core_type = #tpu.core_type<tc>, window_params = [{transform_indices = @transform_0, window_bounds = array<i64: 2, 1000, 16>}, {transform_indices = @transform_1, window_bounds = array<i64: 1000, 128>}, {pipeline_mode = #tpu.pipeline_mode<synchronous>, transform_indices = @transform_2, window_bounds = array<i64: 128, 128>}, {transform_indices = @transform_3, window_bounds = array<i64: 1000, 128>}]} {
    %get3A = arith.constant 0 : index
    %get3A_0 = arith.constant 0 : index
    %get3A_1 = arith.constant 0 : index
    %get3A_2 = vector.load %arg1[%get3A, %get3A_0, %get3A_1] : memref<2x1000x16xf32, #tpu.memory_space<vmem>>, vector<2x1000x16xf32>
    %slice3A = vector.extract_strided_slice %get3A_2 {offsets = [0, 0, 0], sizes = [1, 1000, 16], strides = [1, 1, 1]} : vector<2x1000x16xf32> to vector<1x1000x16xf32>
    %squeeze3A = vector.shape_cast %slice3A : vector<1x1000x16xf32> to vector<1000x16xf32>
    %slice3A_3 = vector.extract_strided_slice %get3A_2 {offsets = [1, 0, 0], sizes = [1, 1000, 16], strides = [1, 1, 1]} : vector<2x1000x16xf32> to vector<1x1000x16xf32>
    %squeeze3A_4 = vector.shape_cast %slice3A_3 : vector<1x1000x16xf32> to vector<1000x16xf32>
    %add3A = arith.addf %squeeze3A, %squeeze3A_4 : vector<1000x16xf32>
    %reduce_sum3A = arith.constant dense<0.000000e+00> : vector<1000xf32>
    %reduce_sum3A_5 = vector.multi_reduction <add>, %add3A, %reduce_sum3A [1] : vector<1000x16xf32> to vector<1000xf32>
    %broadcast_in_dim3A = vector.shape_cast %reduce_sum3A_5 : vector<1000xf32> to vector<1000x1xf32>
    %mul3A = arith.constant 6.250000e-02 : f32
    %mul3A_6 = vector.broadcast %mul3A : f32 to vector<1000x1xf32>
    %mul3A_7 = arith.mulf %broadcast_in_dim3A, %mul3A_6 : vector<1000x1xf32>
    %add3A_8 = arith.constant 1.000000e+00 : f32
    %add3A_9 = vector.broadcast %add3A_8 : f32 to vector<1000x1xf32>
    %add3A_10 = arith.addf %mul3A_7, %add3A_9 : vector<1000x1xf32>
    %rsqrt3A = math.rsqrt %add3A_10 : vector<1000x1xf32>
    %get3A_11 = arith.constant 0 : index
    %get3A_12 = arith.constant 0 : index
    %get3A_13 = vector.load %arg2[%get3A_11, %get3A_12] : memref<1000x128xf32, #tpu.memory_space<vmem>>, vector<1000x128xf32>
    %get3A_14 = arith.constant 0 : index
    %get3A_15 = arith.constant 0 : index
    %get3A_16 = vector.load %arg3[%get3A_14, %get3A_15] : memref<128x128xf32, #tpu.memory_space<vmem>>, vector<128x128xf32>
    %dot_general3A = arith.constant dense<0.000000e+00> : vector<1000x128xf32>
    %dot_general3A_17 = tpu.matmul %get3A_13, %get3A_16, %dot_general3A {dimension_numbers = #tpu.dot_dimension_numbers<[1], [1], [0], [0], [0, 0, 1, 0], [], []>, transpose_lhs_hint = false} : vector<1000x128xf32>, vector<128x128xf32>, vector<1000x128xf32> -> vector<1000x128xf32>
    %mul3A_18 = vector.broadcast %rsqrt3A : vector<1000x1xf32> to vector<1000x128xf32>
    %mul3A_19 = arith.mulf %dot_general3A_17, %mul3A_18 : vector<1000x128xf32>
    %swap3A = arith.constant 0 : index
    %swap3A_20 = arith.constant 0 : index
    %swap3A_21 = vector.load %arg4[%swap3A, %swap3A_20] : memref<1000x128xf32, #tpu.memory_space<vmem>>, vector<1000x128xf32>
    tpu.vector_store %arg4[%swap3A, %swap3A_20], %mul3A_19 {strides = array<i32>} : memref<1000x128xf32, #tpu.memory_space<vmem>>, vector<1000x128xf32>,
    return
  }
  func.func @transform_0(%arg0: i32) -> (i32, i32, i32) {
    %c0_i32 = arith.constant 0 : i32
    %c0_i32_0 = arith.constant 0 : i32
    %c0_i32_1 = arith.constant 0 : i32
    return %c0_i32, %arg0, %c0_i32_0 : i32, i32, i32
  }
  func.func @transform_1(%arg0: i32) -> (i32, i32) {
    %c0_i32 = arith.constant 0 : i32
    %c0_i32_0 = arith.constant 0 : i32
    return %arg0, %c0_i32 : i32, i32
  }
  func.func @transform_2(%arg0: i32) -> (i32, i32) {
    %c0_i32 = arith.constant 0 : i32
    %c0_i32_0 = arith.constant 0 : i32
    %c0_i32_1 = arith.constant 0 : i32
    return %c0_i32, %c0_i32_0 : i32, i32
  }
  func.func @transform_3(%arg0: i32) -> (i32, i32) {
    %c0_i32 = arith.constant 0 : i32
    %c0_i32_0 = arith.constant 0 : i32
    return %arg0, %c0_i32 : i32, i32
  }
}

module attributes {stable_mosaic.version = 14 : i64} {
  func.func @_k2_body(%arg0: i32, %arg1: memref<2x1000x16xf32, #tpu.memory_space<vmem>>, %arg2: memref<2x1000x128xf32, #tpu.memory_space<vmem>>, %arg3: memref<1000x128xf32, #tpu.memory_space<vmem>>, %arg4: memref<1x128xf32, #tpu.memory_space<vmem>>, %arg5: memref<64x128xf32, #tpu.memory_space<vmem>>, %arg6: memref<1000x64xf32, #tpu.memory_space<vmem>>) attributes {dimension_semantics = [#tpu.dimension_semantics<arbitrary>], iteration_bounds = array<i64: 10>, scalar_prefetch = 0 : i64, scratch_operands = 0 : i64, tpu.core_type = #tpu.core_type<tc>, window_params = [{transform_indices = @transform_0, window_bounds = array<i64: 2, 1000, 16>}, {transform_indices = @transform_1, window_bounds = array<i64: 2, 1000, 128>}, {transform_indices = @transform_2, window_bounds = array<i64: 1000, 128>}, {pipeline_mode = #tpu.pipeline_mode<synchronous>, transform_indices = @transform_3, window_bounds = array<i64: 1, 128>}, {pipeline_mode = #tpu.pipeline_mode<synchronous>, transform_indices = @transform_4, window_bounds = array<i64: 64, 128>}, {transform_indices = @transform_5, window_bounds = array<i64: 1000, 64>}]} {
    %get3A = arith.constant 0 : index
    %get3A_0 = arith.constant 0 : index
    %get3A_1 = arith.constant 0 : index
    %get3A_2 = vector.load %arg1[%get3A, %get3A_0, %get3A_1] : memref<2x1000x16xf32, #tpu.memory_space<vmem>>, vector<2x1000x16xf32>
    %slice3A = vector.extract_strided_slice %get3A_2 {offsets = [0, 0, 0], sizes = [1, 1000, 16], strides = [1, 1, 1]} : vector<2x1000x16xf32> to vector<1x1000x16xf32>
    %squeeze3A = vector.shape_cast %slice3A : vector<1x1000x16xf32> to vector<1000x16xf32>
    %slice3A_3 = vector.extract_strided_slice %get3A_2 {offsets = [1, 0, 0], sizes = [1, 1000, 16], strides = [1, 1, 1]} : vector<2x1000x16xf32> to vector<1x1000x16xf32>
    %squeeze3A_4 = vector.shape_cast %slice3A_3 : vector<1x1000x16xf32> to vector<1000x16xf32>
    %add3A = arith.addf %squeeze3A, %squeeze3A_4 : vector<1000x16xf32>
    %reduce_sum3A = arith.constant dense<0.000000e+00> : vector<1000xf32>
    %reduce_sum3A_5 = vector.multi_reduction <add>, %add3A, %reduce_sum3A [1] : vector<1000x16xf32> to vector<1000xf32>
    %broadcast_in_dim3A = vector.shape_cast %reduce_sum3A_5 : vector<1000xf32> to vector<1000x1xf32>
    %mul3A = arith.constant 6.250000e-02 : f32
    %mul3A_6 = vector.broadcast %mul3A : f32 to vector<1000x1xf32>
    %mul3A_7 = arith.mulf %broadcast_in_dim3A, %mul3A_6 : vector<1000x1xf32>
    %add3A_8 = arith.constant 1.000000e+00 : f32
    %add3A_9 = vector.broadcast %add3A_8 : f32 to vector<1000x1xf32>
    %add3A_10 = arith.addf %mul3A_7, %add3A_9 : vector<1000x1xf32>
    %rsqrt3A = math.rsqrt %add3A_10 : vector<1000x1xf32>
    %get3A_11 = arith.constant 0 : index
    %get3A_12 = arith.constant 0 : index
    %get3A_13 = arith.constant 0 : index
    %get3A_14 = vector.load %arg2[%get3A_11, %get3A_12, %get3A_13] : memref<2x1000x128xf32, #tpu.memory_space<vmem>>, vector<2x1000x128xf32>
    %slice3A_15 = vector.extract_strided_slice %get3A_14 {offsets = [0, 0, 0], sizes = [1, 1000, 128], strides = [1, 1, 1]} : vector<2x1000x128xf32> to vector<1x1000x128xf32>
    %squeeze3A_16 = vector.shape_cast %slice3A_15 : vector<1x1000x128xf32> to vector<1000x128xf32>
    %slice3A_17 = vector.extract_strided_slice %get3A_14 {offsets = [1, 0, 0], sizes = [1, 1000, 128], strides = [1, 1, 1]} : vector<2x1000x128xf32> to vector<1x1000x128xf32>
    %squeeze3A_18 = vector.shape_cast %slice3A_17 : vector<1x1000x128xf32> to vector<1000x128xf32>
    %add3A_19 = arith.addf %squeeze3A_16, %squeeze3A_18 : vector<1000x128xf32>
    %get3A_20 = arith.constant 0 : index
    %get3A_21 = arith.constant 0 : index
    %get3A_22 = vector.load %arg3[%get3A_20, %get3A_21] : memref<1000x128xf32, #tpu.memory_space<vmem>>, vector<1000x128xf32>
    %add3A_23 = arith.addf %add3A_19, %get3A_22 : vector<1000x128xf32>
    %mul3A_24 = vector.broadcast %rsqrt3A : vector<1000x1xf32> to vector<1000x128xf32>
    %mul3A_25 = arith.mulf %add3A_23, %mul3A_24 : vector<1000x128xf32>
    %get3A_26 = arith.constant 0 : index
    %get3A_27 = arith.constant 0 : index
    %get3A_28 = vector.load %arg4[%get3A_26, %get3A_27] : memref<1x128xf32, #tpu.memory_space<vmem>>, vector<1x128xf32>
    %add3A_29 = vector.broadcast %get3A_28 : vector<1x128xf32> to vector<1000x128xf32>
    %add3A_30 = arith.addf %mul3A_25, %add3A_29 : vector<1000x128xf32>
    %max3A = arith.constant 0.000000e+00 : f32
    %max3A_31 = vector.broadcast %max3A : f32 to vector<1000x128xf32>
    %max3A_32 = arith.maximumf %add3A_30, %max3A_31 : vector<1000x128xf32>
    %get3A_33 = arith.constant 0 : index
    %get3A_34 = arith.constant 0 : index
    %get3A_35 = vector.load %arg5[%get3A_33, %get3A_34] : memref<64x128xf32, #tpu.memory_space<vmem>>, vector<64x128xf32>
    %dot_general3A = arith.constant dense<0.000000e+00> : vector<1000x64xf32>
    %dot_general3A_36 = tpu.matmul %max3A_32, %get3A_35, %dot_general3A {dimension_numbers = #tpu.dot_dimension_numbers<[1], [1], [0], [0], [0, 0, 1, 0], [], []>, transpose_lhs_hint = false} : vector<1000x128xf32>, vector<64x128xf32>, vector<1000x64xf32> -> vector<1000x64xf32>
    %mul3A_37 = vector.broadcast %rsqrt3A : vector<1000x1xf32> to vector<1000x64xf32>
    %mul3A_38 = arith.mulf %dot_general3A_36, %mul3A_37 : vector<1000x64xf32>
    %swap3A = arith.constant 0 : index
    %swap3A_39 = arith.constant 0 : index
    %swap3A_40 = vector.load %arg6[%swap3A, %swap3A_39] : memref<1000x64xf32, #tpu.memory_space<vmem>>, vector<1000x64xf32>
    tpu.vector_store %arg6[%swap3A, %swap3A_39], %mul3A_38 {strides = array<i32>} : memref<1000x64xf32, #tpu.memory_space<vmem>>, vector<1000x64xf32>,
    return
  }
  func.func @transform_0(%arg0: i32) -> (i32, i32, i32) {
    %c0_i32 = arith.constant 0 : i32
    %c0_i32_0 = arith.constant 0 : i32
    %c0_i32_1 = arith.constant 0 : i32
    return %c0_i32, %arg0, %c0_i32_0 : i32, i32, i32
  }
  func.func @transform_1(%arg0: i32) -> (i32, i32, i32) {
    %c0_i32 = arith.constant 0 : i32
    %c0_i32_0 = arith.constant 0 : i32
    %c0_i32_1 = arith.constant 0 : i32
    return %c0_i32, %arg0, %c0_i32_0 : i32, i32, i32
  }
  func.func @transform_2(%arg0: i32) -> (i32, i32) {
    %c0_i32 = arith.constant 0 : i32
    %c0_i32_0 = arith.constant 0 : i32
    return %arg0, %c0_i32 : i32, i32
  }
  func.func @transform_3(%arg0: i32) -> (i32, i32) {
    %c0_i32 = arith.constant 0 : i32
    %c0_i32_0 = arith.constant 0 : i32
    %c0_i32_1 = arith.constant 0 : i32
    return %c0_i32, %c0_i32_0 : i32, i32
  }
  func.func @transform_4(%arg0: i32) -> (i32, i32) {
    %c0_i32 = arith.constant 0 : i32
    %c0_i32_0 = arith.constant 0 : i32
    %c0_i32_1 = arith.constant 0 : i32
    return %c0_i32, %c0_i32_0 : i32, i32
  }
  func.func @transform_5(%arg0: i32) -> (i32, i32) {
    %c0_i32 = arith.constant 0 : i32
    %c0_i32_0 = arith.constant 0 : i32
    return %arg0, %c0_i32 : i32, i32
  }
}

module attributes {stable_mosaic.version = 14 : i64} {
  func.func @_k3_body(%arg0: i32, %arg1: memref<2x1000x16xf32, #tpu.memory_space<vmem>>, %arg2: memref<2x1000x64xf32, #tpu.memory_space<vmem>>, %arg3: memref<1000x64xf32, #tpu.memory_space<vmem>>, %arg4: memref<1x64xf32, #tpu.memory_space<vmem>>, %arg5: memref<1000x64xf32, #tpu.memory_space<vmem>>) attributes {dimension_semantics = [#tpu.dimension_semantics<arbitrary>], iteration_bounds = array<i64: 10>, scalar_prefetch = 0 : i64, scratch_operands = 0 : i64, tpu.core_type = #tpu.core_type<tc>, window_params = [{transform_indices = @transform_0, window_bounds = array<i64: 2, 1000, 16>}, {transform_indices = @transform_1, window_bounds = array<i64: 2, 1000, 64>}, {transform_indices = @transform_2, window_bounds = array<i64: 1000, 64>}, {pipeline_mode = #tpu.pipeline_mode<synchronous>, transform_indices = @transform_3, window_bounds = array<i64: 1, 64>}, {transform_indices = @transform_4, window_bounds = array<i64: 1000, 64>}]} {
    %get3A = arith.constant 0 : index
    %get3A_0 = arith.constant 0 : index
    %get3A_1 = arith.constant 0 : index
    %get3A_2 = vector.load %arg1[%get3A, %get3A_0, %get3A_1] : memref<2x1000x16xf32, #tpu.memory_space<vmem>>, vector<2x1000x16xf32>
    %slice3A = vector.extract_strided_slice %get3A_2 {offsets = [0, 0, 0], sizes = [1, 1000, 16], strides = [1, 1, 1]} : vector<2x1000x16xf32> to vector<1x1000x16xf32>
    %squeeze3A = vector.shape_cast %slice3A : vector<1x1000x16xf32> to vector<1000x16xf32>
    %slice3A_3 = vector.extract_strided_slice %get3A_2 {offsets = [1, 0, 0], sizes = [1, 1000, 16], strides = [1, 1, 1]} : vector<2x1000x16xf32> to vector<1x1000x16xf32>
    %squeeze3A_4 = vector.shape_cast %slice3A_3 : vector<1x1000x16xf32> to vector<1000x16xf32>
    %add3A = arith.addf %squeeze3A, %squeeze3A_4 : vector<1000x16xf32>
    %reduce_sum3A = arith.constant dense<0.000000e+00> : vector<1000xf32>
    %reduce_sum3A_5 = vector.multi_reduction <add>, %add3A, %reduce_sum3A [1] : vector<1000x16xf32> to vector<1000xf32>
    %broadcast_in_dim3A = vector.shape_cast %reduce_sum3A_5 : vector<1000xf32> to vector<1000x1xf32>
    %mul3A = arith.constant 6.250000e-02 : f32
    %mul3A_6 = vector.broadcast %mul3A : f32 to vector<1000x1xf32>
    %mul3A_7 = arith.mulf %broadcast_in_dim3A, %mul3A_6 : vector<1000x1xf32>
    %add3A_8 = arith.constant 1.000000e+00 : f32
    %add3A_9 = vector.broadcast %add3A_8 : f32 to vector<1000x1xf32>
    %add3A_10 = arith.addf %mul3A_7, %add3A_9 : vector<1000x1xf32>
    %rsqrt3A = math.rsqrt %add3A_10 : vector<1000x1xf32>
    %get3A_11 = arith.constant 0 : index
    %get3A_12 = arith.constant 0 : index
    %get3A_13 = arith.constant 0 : index
    %get3A_14 = vector.load %arg2[%get3A_11, %get3A_12, %get3A_13] : memref<2x1000x64xf32, #tpu.memory_space<vmem>>, vector<2x1000x64xf32>
    %slice3A_15 = vector.extract_strided_slice %get3A_14 {offsets = [0, 0, 0], sizes = [1, 1000, 64], strides = [1, 1, 1]} : vector<2x1000x64xf32> to vector<1x1000x64xf32>
    %squeeze3A_16 = vector.shape_cast %slice3A_15 : vector<1x1000x64xf32> to vector<1000x64xf32>
    %slice3A_17 = vector.extract_strided_slice %get3A_14 {offsets = [1, 0, 0], sizes = [1, 1000, 64], strides = [1, 1, 1]} : vector<2x1000x64xf32> to vector<1x1000x64xf32>
    %squeeze3A_18 = vector.shape_cast %slice3A_17 : vector<1x1000x64xf32> to vector<1000x64xf32>
    %add3A_19 = arith.addf %squeeze3A_16, %squeeze3A_18 : vector<1000x64xf32>
    %get3A_20 = arith.constant 0 : index
    %get3A_21 = arith.constant 0 : index
    %get3A_22 = vector.load %arg3[%get3A_20, %get3A_21] : memref<1000x64xf32, #tpu.memory_space<vmem>>, vector<1000x64xf32>
    %add3A_23 = arith.addf %add3A_19, %get3A_22 : vector<1000x64xf32>
    %mul3A_24 = vector.broadcast %rsqrt3A : vector<1000x1xf32> to vector<1000x64xf32>
    %mul3A_25 = arith.mulf %add3A_23, %mul3A_24 : vector<1000x64xf32>
    %get3A_26 = arith.constant 0 : index
    %get3A_27 = arith.constant 0 : index
    %get3A_28 = vector.load %arg4[%get3A_26, %get3A_27] : memref<1x64xf32, #tpu.memory_space<vmem>>, vector<1x64xf32>
    %add3A_29 = vector.broadcast %get3A_28 : vector<1x64xf32> to vector<1000x64xf32>
    %add3A_30 = arith.addf %mul3A_25, %add3A_29 : vector<1000x64xf32>
    %swap3A = arith.constant 0 : index
    %swap3A_31 = arith.constant 0 : index
    %swap3A_32 = vector.load %arg5[%swap3A, %swap3A_31] : memref<1000x64xf32, #tpu.memory_space<vmem>>, vector<1000x64xf32>
    tpu.vector_store %arg5[%swap3A, %swap3A_31], %add3A_30 {strides = array<i32>} : memref<1000x64xf32, #tpu.memory_space<vmem>>, vector<1000x64xf32>,
    return
  }
  func.func @transform_0(%arg0: i32) -> (i32, i32, i32) {
    %c0_i32 = arith.constant 0 : i32
    %c0_i32_0 = arith.constant 0 : i32
    %c0_i32_1 = arith.constant 0 : i32
    return %c0_i32, %arg0, %c0_i32_0 : i32, i32, i32
  }
  func.func @transform_1(%arg0: i32) -> (i32, i32, i32) {
    %c0_i32 = arith.constant 0 : i32
    %c0_i32_0 = arith.constant 0 : i32
    %c0_i32_1 = arith.constant 0 : i32
    return %c0_i32, %arg0, %c0_i32_0 : i32, i32, i32
  }
  func.func @transform_2(%arg0: i32) -> (i32, i32) {
    %c0_i32 = arith.constant 0 : i32
    %c0_i32_0 = arith.constant 0 : i32
    return %arg0, %c0_i32 : i32, i32
  }
  func.func @transform_3(%arg0: i32) -> (i32, i32) {
    %c0_i32 = arith.constant 0 : i32
    %c0_i32_0 = arith.constant 0 : i32
    %c0_i32_1 = arith.constant 0 : i32
    return %c0_i32, %c0_i32_0 : i32, i32
  }
  func.func @transform_4(%arg0: i32) -> (i32, i32) {
    %c0_i32 = arith.constant 0 : i32
    %c0_i32_0 = arith.constant 0 : i32
    return %arg0, %c0_i32 : i32, i32
  }
}

</mosaic_0001>

<sc_bundles>
// kernel: kernel.11.cloned.1.call-start
scs
__scs_entry_jumppad:
0x0: {  	(pc) =	sbr.rel $0x88, $3  }
0x1: {  	(tag) =	ssettag $0x0;
	lr =	simm.s32 $0x1  }
0x2: {  	[smem:$0x3F9B] =	sst lr;
	_ =	strace $0xD0000000  }
0x3: {  	_ = 	snop  }
0x4: {  	_ = 	snop  }
0x5: {  	_ = 	snop  }
0x6: {  	_ = 	snop  }
0x7: {  	_ = 	snop  }
__scs_overlays_trampoline_lowered:
0x8: {  	[smem:$0x3FAA] =	sst s0  }
0x9: {  	[smem:$0x3FAB] =	sst s1  }
0xa: {  	[smem:$0x3FAC] =	sst s2  }
0xb: {  	[smem:$0x3FAD] =	sst s3  }
0xc: {  	[smem:$0x3FAE] =	sst s4  }
0xd: {  	[smem:$0x3FAF] =	sst s5  }
0xe: {  	[smem:$0x3FB0] =	sst s6  }
0xf: {  	[smem:$0x3FB1] =	sst s7  }
0x10: {  	[smem:$0x3FB2] =	sst s8  }
0x11: {  	[smem:$0x3FB3] =	sst s9;
	s0 =	simm.s32 @!p0 $0x0  }
0x12: {  	s1 =	sld [smem:$0x3F99];
	s0 =	simm.s32 @p0 $0x1  }
0x13: {  	[smem:$0x3FB4] =	sst s0;
	s0 =	simm.s32 @!p1 $0x0  }
0x14: {  	s2 =	sld [smem:$0x3F98];
	s0 =	simm.s32 @p1 $0x1  }
0x15: {  	[smem:$0x3FB5] =	sst s0;
	s0 =	simm.s32 @!p2 $0x0  }
0x16: {  	s3 =	sld [smem:$0x3FDB];
	s0 =	simm.s32 @p2 $0x1  }
0x17: {  	s4 =	simm.s32 $0x1BF5;
	[smem:$0x3FB7] =	sst s0  }
0x18: {  	s0 =	sld [smem:$0x3F9A];
	_ =	swait.ge [sflag:s4], $0x0  }
0x19: {  	s7 =	sld [smem:$0x3F9B]  }
0x1a: {  	s8 =	sadd.s32 $0xFFFFE003, lr  }
0x1b: {  	s9 =	sadd.s32 $0xFFFFFEF7, lr;
	s5 =	simm.s32 $0xFFFFFFFF;
	p2 =	slt.u32 s8, $0xFFFFF086  }
0x1c: {  	p1 =	slt.u32 s9, $0xF7A;
	s5 =	simm.s32 @!p2 $0x0  }
0x1d: {  	s5 =	simm.s32 @p1 $0x1;
	p0 =	seq.s32 s7, s2  }
0x1e: {  	s7 =	smul.u32 @!p0 $0xF7A, s2;
	p2 =	seq.s32 @!p0 s5, $0x0  }
0x1f: {  	s9 =	smul.u32 $0xF7A, s1;
	s8 =	simm.s32 @!p0 $0x1BF5;
	p2 =	por !p2, p0  }
0x20: {  	[sflag:s8] =	ssyncset.s32 @!p0 $0xFFFFF086;
	s6 =	sadd.s32 @!p0 s3, s7;
	s7 =	simm.s32 @!p0 $0x108  }
0x21: {  	s3 =	sadd.s32 s3, s9;
	s6 =	sadd.s32 @!p0 $0x88, s6;
	s7 =	simm.s32 @p2 $0x1082  }
0x22: {  	[simem:s7], [sflag:s8] =	dma.local @!p0 [hbm:s6], $0xF7A  }
0x23: {  	s9 =	sor.u32 $0xD0000000, s2;
	s6 =	simm.s32 $0x108;
	_ =	swait.ge @!p0 [sflag:s8], $0x0  }
0x24: {  	s3 =	sadd.s32 $0x88, s3;
	s6 =	simm.s32 @!p1 $0x1082;
	[sflag:s4] =	ssyncset.s32 $0xFFFFF086  }
0x25: {  	[simem:s6], [sflag:s4] =	dma.local [hbm:s3], $0xF7A  }
0x26: {  	[smem:$0x3F9B] =	sst s1;
	(tag) =	ssettag s2;
	_ =	strace s9  }
0x27: {  	s1 =	sld [smem:$0x3FAB]  }
0x28: {  	s2 =	sld [smem:$0x3FAC]  }
0x29: {  	s4 =	sld [smem:$0x3FAE]  }
0x2a: {  	p0 =	seq.s32 s5, $0x0;
	s5 =	sld [smem:$0x3FAF]  }
0x2b: {  	s6 =	sld [smem:$0x3FB0]  }
0x2c: {  	s7 =	sld [smem:$0x3FB1]  }
0x2d: {  	s3 =	simm.s32 $0x108;
	s8 =	sld [smem:$0x3FB2]  }
0x2e: {  	s3 =	simm.s32 @!p0 $0x1082;
	s9 =	sld [smem:$0x3FB3]  }
0x2f: {  	lr =	sadd.s32 s0, s3;
	s0 =	sld [smem:$0x3FAA]  }
0x30: {  	s3 =	sld [smem:$0x3FAD]  }
0x31: {  	[smem:$0x3FB6] =	sst s10  }
0x32: {  	s10 =	sld [smem:$0x3FB4];
	_ =	sdelay $0x3  }
0x33: {  	p0 =	seq.s32 s10, $0x1;
	s10 =	sld [smem:$0x3FB6];
	_ =	sdelay $0x3  }
0x34: {  	[smem:$0x3FB6] =	sst s10  }
0x35: {  	s10 =	sld [smem:$0x3FB5];
	_ =	sdelay $0x3  }
0x36: {  	p1 =	seq.s32 s10, $0x1;
	s10 =	sld [smem:$0x3FB6];
	_ =	sdelay $0x3  }
0x37: {  	[smem:$0x3FB6] =	sst s10  }
0x38: {  	s10 =	sld [smem:$0x3FB7]  }
0x39: {  	_ = 	snop;
	(pc) =	sbr.ind lr, $3  }
0x3a: {  	_ = 	snop  }
0x3b: {  	_ = 	snop  }
0x3c: {  	p2 =	seq.s32 s10, $0x1;
	s10 =	sld [smem:$0x3FB6]  }
0x3d: {  	_ =	shalt  }
0x3e: {  	_ =	shalt  }
0x3f: {  	_ =	shalt  }
0x40: {  	_ =	shalt  }
0x41: {  	_ =	shalt  }
0x42: {  	_ =	shalt  }
0x43: {  	_ =	shalt  }
0x44: {  	_ =	shalt  }
0x45: {  	_ =	shalt  }
0x46: {  	_ =	shalt  }
0x47: {  	_ =	shalt  }
0x48: {  	_ =	shalt  }
0x49: {  	_ =	shalt  }
0x4a: {  	_ =	shalt  }
0x4b: {  	_ =	shalt  }
0x4c: {  	_ =	shalt  }
0x4d: {  	_ =	shalt  }
0x4e: {  	_ =	shalt  }
0x4f: {  	_ =	shalt  }
0x50: {  	_ =	shalt  }
0x51: {  	_ =	shalt  }
0x52: {  	_ =	shalt  }
0x53: {  	_ =	shalt  }
0x54: {  	_ =	shalt  }
0x55: {  	_ =	shalt  }
0x56: {  	_ =	shalt  }
0x57: {  	_ =	shalt  }
0x58: {  	_ =	shalt  }
0x59: {  	_ =	shalt  }
0x5a: {  	_ =	shalt  }
0x5b: {  	_ =	shalt  }
0x5c: {  	_ =	shalt  }
0x5d: {  	_ =	shalt  }
0x5e: {  	_ =	shalt  }
0x5f: {  	_ =	shalt  }
0x60: {  	_ =	shalt  }
0x61: {  	_ =	shalt  }
0x62: {  	_ =	shalt  }
0x63: {  	_ =	shalt  }
0x64: {  	_ =	shalt  }
0x65: {  	_ =	shalt  }
0x66: {  	_ =	shalt  }
0x67: {  	_ =	shalt  }
0x68: {  	_ =	shalt  }
0x69: {  	_ =	shalt  }
0x6a: {  	_ =	shalt  }
0x6b: {  	_ =	shalt  }
0x6c: {  	_ =	shalt  }
0x6d: {  	_ =	shalt  }
0x6e: {  	_ =	shalt  }
0x6f: {  	_ =	shalt  }
0x70: {  	_ =	shalt  }
0x71: {  	_ =	shalt  }
0x72: {  	_ =	shalt  }
0x73: {  	_ =	shalt  }
0x74: {  	_ =	shalt  }
0x75: {  	_ =	shalt  }
0x76: {  	_ =	shalt  }
0x77: {  	_ =	shalt  }
0x78: {  	_ =	shalt  }
0x79: {  	_ =	shalt  }
0x7a: {  	_ =	shalt  }
0x7b: {  	_ =	shalt  }
0x7c: {  	_ =	shalt  }
0x7d: {  	_ =	shalt  }
0x7e: {  	_ =	shalt  }
0x7f: {  	_ =	shalt  }
0x80: {  	_ =	shalt  }
0x81: {  	_ =	shalt  }
0x82: {  	_ =	shalt  }
0x83: {  	_ =	shalt  }
0x84: {  	_ =	shalt  }
0x85: {  	_ =	shalt  }
0x86: {  	_ =	shalt  }
0x87: {  	_ =	shalt  }
.Lfunc_end0:
.L_simem_size_0:
called_computation.1_lowered:
.L_overlay_start_0:
0x88: {  	s2 =	sld [smem:$0x3FD9]  }
0x89: {  	s3 =	sld [smem:$0x3FFE];
	_ =	sdelay $0x1  }
0x8a: {  	s1 =	srdreg.scid  }
0x8b: {  	s0 =	sand.u32 $0x1, s1  }
0x8c: {  	s17 =	sshll.u32 s0, $0xA;
	s2 =	sadd.s32 s3, s2  }
0x8d: {  	s2 =	sadd.s32 s2, s17  }
0x8e: {  	[smem:$0x3FC2] =	sst s2  }
0x8f: {  	_ = 	snop  }
0x90: {  	s2 =	sld [smem:$0x3FD0];
	(tm) =	ssettm $0x1  }
0x91: {  	s18 =	sld [smem:$0x3FFB];
	_ =	sdelay $0x3  }
0x92: {  	_ =	strace s18  }
0x93: {  	s3 =	sld [smem:$0x3FFC];
	_ =	sdelay $0x3  }
0x94: {  	_ =	strace s3  }
0x95: {  	s3 =	sld [smem:$0x3FFD];
	_ =	sdelay $0x3  }
0x96: {  	_ =	strace s3  }
0x97: {  	_ =	strace $0x8FFFFFFF  }
0x98: {  	s19 =	sld [smem:$0x3FDB];
	_ =	sdelay $0x1  }
0x99: {  	s4 =	simm.s32 $_scs_section_size  }
0x9a: {  	s5 =	simm.s32 $_size__tile_overlayer_lowered;
	s6 =	simm.s32 $_tile_overlayer_lowered  }
0x9b: {  	s22 =	simm.s32 $0x1BFF;
	s21 =	sshll.u32 s6, $0x1;
	s3 =	sadd.s32 s4, s19  }
0x9c: {  	s7 =	simm.s32 $0x0;
	s20 =	sshll.u32 s5, $0x1;
	s5 =	sadd.s32 s21, s3  }
0x9d: {  	[timem:s7], [sflag:s22] =	dma.local [hbm:s5], s20  }
0x9e: {  	_ =	swait.ge [sflag:s22], s20  }
0x9f: {  	s4 =	ssub.s32 $0x0, s20;
	[sflag:s22] =	ssyncset.done $0x0  }
0xa0: {  	[sflag:s22] =	ssyncadd.s32 s4;
	_ =	sdelay $0x1  }
0xa1: {  	s23 =	simm.s32 $0x1B8B  }
0xa2: {  	_ =	swait.ge [sflag:s23], $0x1  }
0xa3: {  	[sflag:s23] =	ssyncset.done $0x0  }
0xa4: {  	s25 =	simm.s32 $0x1B8E;
	s24 =	sld [smem:$0x3FFE];
	[sflag:s23] =	ssyncadd.s32 $0xFFFFFFFF  }
0xa5: {  	s26 =	simm.s32 $execute0_lowered;
	[smem:$0x3FD2] =	sst s25  }
0xa6: {  	s5 =	sshll.u32 s26, $0x1;
	_ =	strace $0x80000049;
	[dreg:$0x1] =	wrdreg $0xFFFFFFFF  }
0xa7: {  	s28 =	simm.s32 $_size_execute0_lowered;
	s3 =	sadd.s32 s3, s5;
	[dreg:$0x0] =	wrdreg $0x0  }
0xa8: {  	s5 =	sshll.u32 s28, $0x1;
	[dreg:$0x2] =	wrdreg s3  }
0xa9: {  	[dreg:$0x3] =	wrdreg s5  }
0xaa: {  	[dreg:$0x4] =	wrdreg $0xC0  }
0xab: {  	_ =	task [dreg:s7], $0x5FFFF  }
0xac: {  	[dreg:$0x1] =	wrdreg $0xFFFFFFFF  }
0xad: {  	[dreg:$0x0] =	wrdreg $0x60  }
0xae: {  	[dreg:$0x2] =	wrdreg s24  }
0xaf: {  	[dreg:$0x3] =	wrdreg s2  }
0xb0: {  	[dreg:$0x4] =	wrdreg $0x94000  }
0xb1: {  	[dreg:$0x5] =	wrdreg $0x9  }
0xb2: {  	_ =	task.clear_ibuf [dreg:s7], $0x6FFFF;
	_ =	strace $0x90000049  }
0xb3: {  	s29 =	simm.s32 $0x9;
	_ =	strace $0x8000004B  }
0xb4: {  	_ =	swait.ge [sflag:s29], $0x1  }
0xb5: {  	[sflag:s29] =	ssyncadd.s32 $0xFFFFFFFF  }
0xb6: {  	_ =	strace $0x9000004B  }
0xb7: {  	_ =	sfence  }
0xb8: {  	s30 =	sld [smem:$0x0];
	_ =	sdelay $0x2  }
0xb9: {  	s31 =	sshll.u32 s1, $0xD;
	s1 =	sshrl.u32 s1, $0x2  }
0xba: {  	s3 =	sand.u32 $0x4000, s31;
	s1 =	sadd.s32 s1, s30  }
0xbb: {  	s0 =	sor.u32 s3, s0;
	s1 =	sshll.u32 s1, $0x11  }
0xbc: {  	s0 =	sor.u32 s1, s0  }
0xbd: {  	s0 =	sadd.s32 $0x8F2B, s0  }
0xbe: {  	[sflag:s0] =	ssyncadd.remote.s32 $0x1  }
0xbf: {  	_ =	sfence.sel $0xFFFF  }
0xc0: {  	[dreg:$0x0] =	wrdreg $0xFFFFFFFF;
	(pc) =	sbr.abs _section_cstart, $3  }
0xc1: {  	[dreg:$0x1] =	wrdreg $0xFFFFFFFF  }
0xc2: {  	_ =	task.clear_ibuf [dreg:s7], $0x2FFFF;
	_ =	strace $0x9FFFFFFF  }
0xc3: {  	(tm) =	ssettm $0x7FFFFFFF  }
tec
execute0_lowered:
.L_overlay_start_1:
0x0: {  	(tag) =	ssettag $0x1  }
0x1: {  	s5 =	rddreg [dreg:$0x0]  }
0x2: {  	s6 =	rddreg [dreg:$0x1]  }
0x3: {  	s1 =	rddreg [dreg:$0x2]  }
0x4: {  	s2 =	srdreg.scid;
	s0 =	rddreg [dreg:$0x3];
	s3 =	simm.s32 $0x0  }
0x5: {  	s13 =	simm.s32 $0x80;
	s14 =	simm.s32 $0x5000;
	s7 =	sand.u32 $0x1, s2  }
0x6: {  	s15 =	simm.s32 $0x1;
	s2 =	stileid.u32;
	s8 =	smul.u32 $0x13C000, s7  }
0x7: {  	[smem:$0x7FF] =	sst s3;
	s4 =	sshll.u32 s7, $0x4;
	s9 =	smul.u32 $0x13C00, s2  }
0x8: {  	_ =	strace $0x8000004A;
	s30 =	smul.u32 $0x4F000, s2;
	s7 =	ssub.s32 $0x2, s7  }
0x9: {  	s16 =	sshll.u32 s2, $0x6;
	s4 =	sor.u32 s2, s4;
	s31 =	sshrl.u32 s7, $0x1  }
0xa: {  	s16 =	sor.u32 $0x1C02, s16;
	s10 =	smul.u32 $0x500, s4;
	s8 =	sadd.s32 s9, s8  }
0xb: {  	s4 =	sadd.s32 $0x29600, s5;
	s9 =	sshrl.u32 s30, $0x2;
	s8 =	sshrl.u32 s8, $0x3  }
0xc: {  	s12 =	ssub.s32 s7, s31;
	s11 =	sadd.s32 s10, s5;
	s8 =	sadd.s32 s8, s5  }
0xd: {  	s5 =	sadd.s32 s9, s1;
	s6 =	sadd.s32 s6, s10;
	s9 =	smax.u32 s12, $0x1  }
0xe: {  	s10 =	simm.s32 $0x9000;
	s12 =	simm.s32 $0x2800;
	s7 =	sadd.s32 $0x15800, s11  }
0xf: {  	v0 =	vimm.f32 $0.0e+00;
	s8 =	sadd.s32 $0x50800, s8;
	s11 =	simm.s32 $0x2;
	s17 =	sshrl.u32 s5, $0x3  }
.LBB2_1:
0x10: {  	[tilespmem:$0x9000] =	vst v0  }
0x11: {  	[tilespmem:$0x9010] =	vst v0  }
0x12: {  	[tilespmem:$0x9020] =	vst v0  }
0x13: {  	[tilespmem:$0x9030] =	vst v0  }
0x14: {  	[tilespmem:$0x9040] =	vst v0  }
0x15: {  	[tilespmem:$0x9050] =	vst v0  }
0x16: {  	[tilespmem:$0x9060] =	vst v0  }
0x17: {  	[tilespmem:$0x9070] =	vst v0  }
0x18: {  	[tilespmem:$0x9080] =	vst v0  }
0x19: {  	[tilespmem:$0x9090] =	vst v0  }
0x1a: {  	[tilespmem:$0x90A0] =	vst v0  }
0x1b: {  	[tilespmem:$0x90B0] =	vst v0  }
0x1c: {  	[tilespmem:$0x90C0] =	vst v0  }
0x1d: {  	[tilespmem:$0x90D0] =	vst v0  }
0x1e: {  	[tilespmem:$0x90E0] =	vst v0  }
0x1f: {  	[tilespmem:$0x90F0] =	vst v0  }
0x20: {  	[tilespmem:$0x9100] =	vst v0  }
0x21: {  	[tilespmem:$0x9110] =	vst v0  }
0x22: {  	[tilespmem:$0x9120] =	vst v0  }
0x23: {  	[tilespmem:$0x9130] =	vst v0  }
0x24: {  	[tilespmem:$0x9140] =	vst v0  }
0x25: {  	[tilespmem:$0x9150] =	vst v0  }
0x26: {  	[tilespmem:$0x9160] =	vst v0  }
0x27: {  	[tilespmem:$0x9170] =	vst v0  }
0x28: {  	[tilespmem:$0x9180] =	vst v0  }
0x29: {  	[tilespmem:$0x9190] =	vst v0  }
0x2a: {  	[tilespmem:$0x91A0] =	vst v0  }
0x2b: {  	[tilespmem:$0x91B0] =	vst v0  }
0x2c: {  	[tilespmem:$0x91C0] =	vst v0  }
0x2d: {  	[tilespmem:$0x91D0] =	vst v0  }
0x2e: {  	[tilespmem:$0x91E0] =	vst v0  }
0x2f: {  	[tilespmem:$0x91F0] =	vst v0  }
0x30: {  	[tilespmem:$0x9200] =	vst v0  }
0x31: {  	[tilespmem:$0x9210] =	vst v0  }
0x32: {  	[tilespmem:$0x9220] =	vst v0  }
0x33: {  	[tilespmem:$0x9230] =	vst v0  }
0x34: {  	[tilespmem:$0x9240] =	vst v0  }
0x35: {  	[tilespmem:$0x9250] =	vst v0  }
0x36: {  	[tilespmem:$0x9260] =	vst v0  }
0x37: {  	[tilespmem:$0x9270] =	vst v0  }
0x38: {  	[tilespmem:$0x9280] =	vst v0  }
0x39: {  	[tilespmem:$0x9290] =	vst v0  }
0x3a: {  	[tilespmem:$0x92A0] =	vst v0  }
0x3b: {  	[tilespmem:$0x92B0] =	vst v0  }
0x3c: {  	[tilespmem:$0x92C0] =	vst v0  }
0x3d: {  	[tilespmem:$0x92D0] =	vst v0  }
0x3e: {  	[tilespmem:$0x92E0] =	vst v0  }
0x3f: {  	[tilespmem:$0x92F0] =	vst v0  }
0x40: {  	[tilespmem:$0x9300] =	vst v0  }
0x41: {  	[tilespmem:$0x9310] =	vst v0  }
0x42: {  	[tilespmem:$0x9320] =	vst v0  }
0x43: {  	[tilespmem:$0x9330] =	vst v0  }
0x44: {  	[tilespmem:$0x9340] =	vst v0  }
0x45: {  	[tilespmem:$0x9350] =	vst v0  }
0x46: {  	[tilespmem:$0x9360] =	vst v0  }
0x47: {  	[tilespmem:$0x9370] =	vst v0  }
0x48: {  	[tilespmem:$0x9380] =	vst v0  }
0x49: {  	[tilespmem:$0x9390] =	vst v0  }
0x4a: {  	[tilespmem:$0x93A0] =	vst v0  }
0x4b: {  	[tilespmem:$0x93B0] =	vst v0  }
0x4c: {  	[tilespmem:$0x93C0] =	vst v0  }
0x4d: {  	[tilespmem:$0x93D0] =	vst v0  }
0x4e: {  	[tilespmem:$0x93E0] =	vst v0  }
0x4f: {  	[tilespmem:$0x93F0] =	vst v0;
	s18 =	sadd.s32 $0x0, s5  }
0x50: {  	[spmem:s18] =	stream.linear.scatter [tilespmem:s10], [sflag:$0x2], $0x400, $0x38;
	[tilespmem:$0x1D000] =	vst v63  }
0x51: {  	s18 =	simm.s32 $0x1000;
	_ =	swait.ge [sflag:s11], $0x400  }
.LBB2_2:
0x52: {  	s19 =	sshra.s32 s18, $0x2;
	[sflag:s11] =	ssyncset.done $0x0;
	p0 =	sne.s32 s18, $0x4E000  }
.Ltmp0:
0x53: {  	s19 =	sadd.s32 s19, s5;
	[sflag:s11] =	ssyncadd.s32 $0xFFFFFC00;
	(pc) =	sbr.rel @p0 .LBB2_2-.Ltmp0, $3  }
0x54: {  	[spmem:s19] =	stream.linear.scatter [tilespmem:s10], [sflag:$0x2], $0x400, $0x38;
	[tilespmem:$0x1D000] =	vst v63  }
0x55: {  	s18 =	sadd.s32 $0x1000, s18;
	_ =	sdelay $0x1  }
0x56: {  	_ =	swait.ge [sflag:s11], $0x400  }
0x57: {  	[sflag:s11] =	ssyncset.done $0x0  }
0x58: {  	s18 =	simm.s32 $0x0;
	[sflag:s11] =	ssyncadd.s32 $0xFFFFFC00  }
0x59: {  	[tilespmem:s18], [sflag:$0x2] =	stream.linear.gather [hbm4b:s6+s18], $0x2780, $0x38;
	[tilespmem:$0x1D000] =	vst v63  }
0x5a: {  	_ =	swait.ge [sflag:s11], $0x2780  }
0x5b: {  	[sflag:s11] =	ssyncset.done $0x0  }
0x5c: {  	[sflag:s11] =	ssyncadd.s32 $0xFFFFD880  }
0x5d: {  	[tilespmem:s12], [sflag:$0x2] =	stream.linear.gather [hbm4b:s7+s18], $0x2780, $0x38;
	[tilespmem:$0x1D000] =	vst v63  }
0x5e: {  	_ =	swait.ge [sflag:s11], $0x2780  }
0x5f: {  	[sflag:s11] =	ssyncset.done $0x0  }
0x60: {  	[sflag:s11] =	ssyncadd.s32 $0xFFFFD880  }
0x61: {  	s30 =	simm.s32 $0x0;
	[bflag:$0x0] =	sbarrier.arrive $0xFFFF  }
0x62: {  	[tilespmem:s14], [sflag:$0x1] =	stream.indirect.gather [hbm4b:s4+s13], $0x80, s30, s13, $0xb8;
	[tilespmem:$0x1D000] =	vst v63  }
0x63: {  	_ =	swait.ge [sflag:s15], $0x4000  }
0x64: {  	[sflag:s15] =	ssyncset.done $0x0  }
0x65: {  	s31 =	simm.s32 $0x2800;
	[sflag:s15] =	ssyncadd.s32 $0xFFFFC000  }
0x66: {  	[spmem:s1] =	stream.indirect.scatter.add.f32 [tilespmem:s14], [sflag:$0x2], $0x80, s31, s13, $0xb8;
	[tilespmem:$0x1D000] =	vst v63  }
0x67: {  	_ =	swait.ge [sflag:s11], $0x4000  }
0x68: {  	s19 =	simm.s32 $0x400;
	s18 =	simm.s32 $0x200;
	[sflag:s11] =	ssyncset.done $0x0  }
.LBB2_4:
0x69: {  	s20 =	sshra.s32 s18, $0x2  }
0x6a: {  	[sflag:s11] =	ssyncadd.s32 $0xFFFFC000;
	s18 =	smov.u32 s19;
	s21 =	sadd.s32 $0x200, s19  }
0x6b: {  	[tilespmem:s14], [sflag:$0x1] =	stream.indirect.gather [hbm4b:s4+s13], $0x80, s20, s13, $0xb8;
	[tilespmem:$0x1D000] =	vst v63  }
0x6c: {  	p0 =	sne.s32 s19, $0x9C00;
	_ =	swait.ge [sflag:s15], $0x4000  }
.Ltmp1:
0x6d: {  	[sflag:s15] =	ssyncset.done $0x0;
	(pc) =	sbr.rel @p0 .LBB2_4-.Ltmp1, $4  }
0x6e: {  	s19 =	sadd.s32 $0x2800, s20;
	[sflag:s15] =	ssyncadd.s32 $0xFFFFC000  }
0x6f: {  	[spmem:s1] =	stream.indirect.scatter.add.f32 [tilespmem:s14], [sflag:$0x2], $0x80, s19, s13, $0xb8;
	[tilespmem:$0x1D000] =	vst v63  }
0x70: {  	_ =	swait.ge [sflag:s11], $0x4000  }
0x71: {  	s19 =	smov.u32 s21;
	[sflag:s11] =	ssyncset.done $0x0  }
0x72: {  	s18 =	sshra.s32 s18, $0x2;
	[sflag:s11] =	ssyncadd.s32 $0xFFFFC000  }
0x73: {  	[tilespmem:s14], [sflag:$0x1] =	stream.indirect.gather [hbm4b:s4+s13], $0x80, s18, s13, $0xb8;
	[tilespmem:$0x1D000] =	vst v63  }
0x74: {  	_ =	swait.ge [sflag:s15], $0x4000  }
0x75: {  	[sflag:s15] =	ssyncset.done $0x0  }
0x76: {  	s18 =	sadd.s32 $0x2800, s18;
	[sflag:s15] =	ssyncadd.s32 $0xFFFFC000  }
0x77: {  	[spmem:s1] =	stream.indirect.scatter.add.f32 [tilespmem:s14], [sflag:$0x2], $0x80, s18, s13, $0xb8;
	[tilespmem:$0x1D000] =	vst v63  }
0x78: {  	_ =	swait.ge [sflag:s11], $0x4000  }
0x79: {  	s3 =	sadd.s32 $0x1, s3;
	[sflag:s11] =	ssyncset.done $0x0  }
0x7a: {  	p0 =	sne.s32 s3, s9;
	[sflag:s11] =	ssyncadd.s32 $0xFFFFC000  }
.Ltmp2:
0x7b: {  	[bflag:$0x0] =	sbarrier.arrive $0xFFFF;
	(pc) =	sbr.rel @p0 .LBB2_1-.Ltmp2, $4  }
0x7c: {  	[hbm:s8], [sflag:s16] =	dma.local [spmem:s17], $0x2780  }
0x7d: {  	_ =	swait.ge [sflag:s11], $0x2780  }
0x7e: {  	[sflag:s11] =	ssyncset.done $0x0  }
0x7f: {  	[sflag:s11] =	ssyncadd.s32 $0xFFFFD880  }
0x80: {  	_ =	sfence.sel $0x180000  }
0x81: {  	[bflag:$0x0] =	sbarrier.arrive $0xFFFF  }
0x82: {  	p0 =	sne.s32 s2, $0x0;
	_ =	strace $0x9000004A  }
0x83: {  	s0 =	sadd.s32 @!p0 $0x100000, s0;
	[bflag:$0x2] =	sbarrier.arrive $0xFFFF  }
0x84: {  	[sflag:s0] =	ssyncadd.tile.s32 @!p0 $0x1;
	_ =	shalt  }
.Lfunc_end2:
_tile_overlayer_lowered:
.L_overlay_start_2:
0x85: {  	(tag) =	ssettag $0x2  }
0x86: {  	s0 =	rddreg [dreg:$0x0];
	s2 =	stileid.u32  }
0x87: {  	s1 =	rddreg [dreg:$0x1];
	p0 =	sne.s32 s2, $0x0  }
0x88: {  	s3 =	rddreg [dreg:$0x2];
	[bflag:$0x3] =	sbarrier.arrive $0xFFFF;
	s2 =	simm.s32 @!p0 $0x1C02  }
0x89: {  	[timem:s3], [sflag:s2] =	dma.local @!p0 [hbm:s0], s1  }
0x8a: {  	s0 =	simm.s32 @!p0 $0x2  }
0x8b: {  	_ =	swait.ge @!p0 [sflag:s0], s1  }
0x8c: {  	s1 =	ssub.s32 @!p0 $0x0, s1;
	[sflag:s0] =	ssyncset.done @!p0 $0x0  }
0x8d: {  	[sflag:s0] =	ssyncadd.s32 @!p0 s1  }
0x8e: {  	[bflag:$0x3] =	sbarrier.arrive $0xFFFF  }
0x8f: {  	_ =	shalt  }

// kernel: kernel.14.cloned.1.call-start
scs
__scs_entry_jumppad:
0x0: {  	(pc) =	sbr.rel $0x88, $3  }
0x1: {  	(tag) =	ssettag $0x0;
	lr =	simm.s32 $0x1  }
0x2: {  	[smem:$0x3F9B] =	sst lr;
	_ =	strace $0xD0000000  }
0x3: {  	_ = 	snop  }
0x4: {  	_ = 	snop  }
0x5: {  	_ = 	snop  }
0x6: {  	_ = 	snop  }
0x7: {  	_ = 	snop  }
__scs_overlays_trampoline_lowered:
0x8: {  	[smem:$0x3FAA] =	sst s0  }
0x9: {  	[smem:$0x3FAB] =	sst s1  }
0xa: {  	[smem:$0x3FAC] =	sst s2  }
0xb: {  	[smem:$0x3FAD] =	sst s3  }
0xc: {  	[smem:$0x3FAE] =	sst s4  }
0xd: {  	[smem:$0x3FAF] =	sst s5  }
0xe: {  	[smem:$0x3FB0] =	sst s6  }
0xf: {  	[smem:$0x3FB1] =	sst s7  }
0x10: {  	[smem:$0x3FB2] =	sst s8  }
0x11: {  	[smem:$0x3FB3] =	sst s9;
	s0 =	simm.s32 @!p0 $0x0  }
0x12: {  	s1 =	sld [smem:$0x3F99];
	s0 =	simm.s32 @p0 $0x1  }
0x13: {  	[smem:$0x3FB4] =	sst s0;
	s0 =	simm.s32 @!p1 $0x0  }
0x14: {  	s2 =	sld [smem:$0x3F98];
	s0 =	simm.s32 @p1 $0x1  }
0x15: {  	[smem:$0x3FB5] =	sst s0;
	s0 =	simm.s32 @!p2 $0x0  }
0x16: {  	s3 =	sld [smem:$0x3FDB];
	s0 =	simm.s32 @p2 $0x1  }
0x17: {  	s4 =	simm.s32 $0x1BF5;
	[smem:$0x3FB7] =	sst s0  }
0x18: {  	s0 =	sld [smem:$0x3F9A];
	_ =	swait.ge [sflag:s4], $0x0  }
0x19: {  	s7 =	sld [smem:$0x3F9B]  }
0x1a: {  	s8 =	sadd.s32 $0xFFFFE003, lr  }
0x1b: {  	s9 =	sadd.s32 $0xFFFFFEF7, lr;
	s5 =	simm.s32 $0xFFFFFFFF;
	p2 =	slt.u32 s8, $0xFFFFF086  }
0x1c: {  	p1 =	slt.u32 s9, $0xF7A;
	s5 =	simm.s32 @!p2 $0x0  }
0x1d: {  	s5 =	simm.s32 @p1 $0x1;
	p0 =	seq.s32 s7, s2  }
0x1e: {  	s7 =	smul.u32 @!p0 $0xF7A, s2;
	p2 =	seq.s32 @!p0 s5, $0x0  }
0x1f: {  	s9 =	smul.u32 $0xF7A, s1;
	s8 =	simm.s32 @!p0 $0x1BF5;
	p2 =	por !p2, p0  }
0x20: {  	[sflag:s8] =	ssyncset.s32 @!p0 $0xFFFFF086;
	s6 =	sadd.s32 @!p0 s3, s7;
	s7 =	simm.s32 @!p0 $0x108  }
0x21: {  	s3 =	sadd.s32 s3, s9;
	s6 =	sadd.s32 @!p0 $0x88, s6;
	s7 =	simm.s32 @p2 $0x1082  }
0x22: {  	[simem:s7], [sflag:s8] =	dma.local @!p0 [hbm:s6], $0xF7A  }
0x23: {  	s9 =	sor.u32 $0xD0000000, s2;
	s6 =	simm.s32 $0x108;
	_ =	swait.ge @!p0 [sflag:s8], $0x0  }
0x24: {  	s3 =	sadd.s32 $0x88, s3;
	s6 =	simm.s32 @!p1 $0x1082;
	[sflag:s4] =	ssyncset.s32 $0xFFFFF086  }
0x25: {  	[simem:s6], [sflag:s4] =	dma.local [hbm:s3], $0xF7A  }
0x26: {  	[smem:$0x3F9B] =	sst s1;
	(tag) =	ssettag s2;
	_ =	strace s9  }
0x27: {  	s1 =	sld [smem:$0x3FAB]  }
0x28: {  	s2 =	sld [smem:$0x3FAC]  }
0x29: {  	s4 =	sld [smem:$0x3FAE]  }
0x2a: {  	p0 =	seq.s32 s5, $0x0;
	s5 =	sld [smem:$0x3FAF]  }
0x2b: {  	s6 =	sld [smem:$0x3FB0]  }
0x2c: {  	s7 =	sld [smem:$0x3FB1]  }
0x2d: {  	s3 =	simm.s32 $0x108;
	s8 =	sld [smem:$0x3FB2]  }
0x2e: {  	s3 =	simm.s32 @!p0 $0x1082;
	s9 =	sld [smem:$0x3FB3]  }
0x2f: {  	lr =	sadd.s32 s0, s3;
	s0 =	sld [smem:$0x3FAA]  }
0x30: {  	s3 =	sld [smem:$0x3FAD]  }
0x31: {  	[smem:$0x3FB6] =	sst s10  }
0x32: {  	s10 =	sld [smem:$0x3FB4];
	_ =	sdelay $0x3  }
0x33: {  	p0 =	seq.s32 s10, $0x1;
	s10 =	sld [smem:$0x3FB6];
	_ =	sdelay $0x3  }
0x34: {  	[smem:$0x3FB6] =	sst s10  }
0x35: {  	s10 =	sld [smem:$0x3FB5];
	_ =	sdelay $0x3  }
0x36: {  	p1 =	seq.s32 s10, $0x1;
	s10 =	sld [smem:$0x3FB6];
	_ =	sdelay $0x3  }
0x37: {  	[smem:$0x3FB6] =	sst s10  }
0x38: {  	s10 =	sld [smem:$0x3FB7]  }
0x39: {  	_ = 	snop;
	(pc) =	sbr.ind lr, $3  }
0x3a: {  	_ = 	snop  }
0x3b: {  	_ = 	snop  }
0x3c: {  	p2 =	seq.s32 s10, $0x1;
	s10 =	sld [smem:$0x3FB6]  }
0x3d: {  	_ =	shalt  }
0x3e: {  	_ =	shalt  }
0x3f: {  	_ =	shalt  }
0x40: {  	_ =	shalt  }
0x41: {  	_ =	shalt  }
0x42: {  	_ =	shalt  }
0x43: {  	_ =	shalt  }
0x44: {  	_ =	shalt  }
0x45: {  	_ =	shalt  }
0x46: {  	_ =	shalt  }
0x47: {  	_ =	shalt  }
0x48: {  	_ =	shalt  }
0x49: {  	_ =	shalt  }
0x4a: {  	_ =	shalt  }
0x4b: {  	_ =	shalt  }
0x4c: {  	_ =	shalt  }
0x4d: {  	_ =	shalt  }
0x4e: {  	_ =	shalt  }
0x4f: {  	_ =	shalt  }
0x50: {  	_ =	shalt  }
0x51: {  	_ =	shalt  }
0x52: {  	_ =	shalt  }
0x53: {  	_ =	shalt  }
0x54: {  	_ =	shalt  }
0x55: {  	_ =	shalt  }
0x56: {  	_ =	shalt  }
0x57: {  	_ =	shalt  }
0x58: {  	_ =	shalt  }
0x59: {  	_ =	shalt  }
0x5a: {  	_ =	shalt  }
0x5b: {  	_ =	shalt  }
0x5c: {  	_ =	shalt  }
0x5d: {  	_ =	shalt  }
0x5e: {  	_ =	shalt  }
0x5f: {  	_ =	shalt  }
0x60: {  	_ =	shalt  }
0x61: {  	_ =	shalt  }
0x62: {  	_ =	shalt  }
0x63: {  	_ =	shalt  }
0x64: {  	_ =	shalt  }
0x65: {  	_ =	shalt  }
0x66: {  	_ =	shalt  }
0x67: {  	_ =	shalt  }
0x68: {  	_ =	shalt  }
0x69: {  	_ =	shalt  }
0x6a: {  	_ =	shalt  }
0x6b: {  	_ =	shalt  }
0x6c: {  	_ =	shalt  }
0x6d: {  	_ =	shalt  }
0x6e: {  	_ =	shalt  }
0x6f: {  	_ =	shalt  }
0x70: {  	_ =	shalt  }
0x71: {  	_ =	shalt  }
0x72: {  	_ =	shalt  }
0x73: {  	_ =	shalt  }
0x74: {  	_ =	shalt  }
0x75: {  	_ =	shalt  }
0x76: {  	_ =	shalt  }
0x77: {  	_ =	shalt  }
0x78: {  	_ =	shalt  }
0x79: {  	_ =	shalt  }
0x7a: {  	_ =	shalt  }
0x7b: {  	_ =	shalt  }
0x7c: {  	_ =	shalt  }
0x7d: {  	_ =	shalt  }
0x7e: {  	_ =	shalt  }
0x7f: {  	_ =	shalt  }
0x80: {  	_ =	shalt  }
0x81: {  	_ =	shalt  }
0x82: {  	_ =	shalt  }
0x83: {  	_ =	shalt  }
0x84: {  	_ =	shalt  }
0x85: {  	_ =	shalt  }
0x86: {  	_ =	shalt  }
0x87: {  	_ =	shalt  }
.Lfunc_end0:
.L_simem_size_0:
called_computation.2_lowered:
.L_overlay_start_0:
0x88: {  	s2 =	sld [smem:$0x3FD9]  }
0x89: {  	s3 =	sld [smem:$0x3FFE];
	_ =	sdelay $0x1  }
0x8a: {  	s1 =	srdreg.scid  }
0x8b: {  	s0 =	sand.u32 $0x1, s1  }
0x8c: {  	s17 =	sshll.u32 s0, $0xA;
	s2 =	sadd.s32 s3, s2  }
0x8d: {  	s2 =	sadd.s32 s2, s17  }
0x8e: {  	[smem:$0x3FC2] =	sst s2  }
0x8f: {  	_ = 	snop  }
0x90: {  	s2 =	sld [smem:$0x3FD0];
	(tm) =	ssettm $0x1  }
0x91: {  	s18 =	sld [smem:$0x3FFB];
	_ =	sdelay $0x3  }
0x92: {  	_ =	strace s18  }
0x93: {  	s3 =	sld [smem:$0x3FFC];
	_ =	sdelay $0x3  }
0x94: {  	_ =	strace s3  }
0x95: {  	s3 =	sld [smem:$0x3FFD];
	_ =	sdelay $0x3  }
0x96: {  	_ =	strace s3  }
0x97: {  	_ =	strace $0x8FFFFFFF  }
0x98: {  	s19 =	sld [smem:$0x3FDB];
	_ =	sdelay $0x1  }
0x99: {  	s4 =	simm.s32 $_scs_section_size  }
0x9a: {  	s5 =	simm.s32 $_size__tile_overlayer_lowered;
	s6 =	simm.s32 $_tile_overlayer_lowered  }
0x9b: {  	s22 =	simm.s32 $0x1BFF;
	s21 =	sshll.u32 s6, $0x1;
	s3 =	sadd.s32 s4, s19  }
0x9c: {  	s7 =	simm.s32 $0x0;
	s20 =	sshll.u32 s5, $0x1;
	s5 =	sadd.s32 s21, s3  }
0x9d: {  	[timem:s7], [sflag:s22] =	dma.local [hbm:s5], s20  }
0x9e: {  	_ =	swait.ge [sflag:s22], s20  }
0x9f: {  	s4 =	ssub.s32 $0x0, s20;
	[sflag:s22] =	ssyncset.done $0x0  }
0xa0: {  	[sflag:s22] =	ssyncadd.s32 s4;
	_ =	sdelay $0x1  }
0xa1: {  	s23 =	simm.s32 $0x1B8B  }
0xa2: {  	_ =	swait.ge [sflag:s23], $0x1  }
0xa3: {  	[sflag:s23] =	ssyncset.done $0x0  }
0xa4: {  	s25 =	simm.s32 $0x1B8E;
	s24 =	sld [smem:$0x3FFE];
	[sflag:s23] =	ssyncadd.s32 $0xFFFFFFFF  }
0xa5: {  	s26 =	simm.s32 $execute0_lowered;
	[smem:$0x3FD2] =	sst s25  }
0xa6: {  	s5 =	sshll.u32 s26, $0x1;
	_ =	strace $0x8000004C;
	[dreg:$0x1] =	wrdreg $0xFFFFFFFF  }
0xa7: {  	s28 =	simm.s32 $_size_execute0_lowered;
	s3 =	sadd.s32 s3, s5;
	[dreg:$0x0] =	wrdreg $0x0  }
0xa8: {  	s5 =	sshll.u32 s28, $0x1;
	[dreg:$0x2] =	wrdreg s3  }
0xa9: {  	[dreg:$0x3] =	wrdreg s5  }
0xaa: {  	[dreg:$0x4] =	wrdreg $0xC0  }
0xab: {  	_ =	task [dreg:s7], $0x5FFFF  }
0xac: {  	[dreg:$0x1] =	wrdreg $0xFFFFFFFF  }
0xad: {  	[dreg:$0x0] =	wrdreg $0x60  }
0xae: {  	[dreg:$0x2] =	wrdreg s2  }
0xaf: {  	[dreg:$0x3] =	wrdreg s24  }
0xb0: {  	[dreg:$0x4] =	wrdreg $0x91000  }
0xb1: {  	[dreg:$0x5] =	wrdreg $0x9  }
0xb2: {  	_ =	task.clear_ibuf [dreg:s7], $0x6FFFF;
	_ =	strace $0x9000004C  }
0xb3: {  	s29 =	simm.s32 $0x9;
	_ =	strace $0x8000004E  }
0xb4: {  	_ =	swait.ge [sflag:s29], $0x1  }
0xb5: {  	[sflag:s29] =	ssyncadd.s32 $0xFFFFFFFF  }
0xb6: {  	_ =	strace $0x9000004E  }
0xb7: {  	_ =	sfence  }
0xb8: {  	s30 =	sld [smem:$0x0];
	_ =	sdelay $0x2  }
0xb9: {  	s31 =	sshll.u32 s1, $0xD;
	s1 =	sshrl.u32 s1, $0x2  }
0xba: {  	s3 =	sand.u32 $0x4000, s31;
	s1 =	sadd.s32 s1, s30  }
0xbb: {  	s0 =	sor.u32 s3, s0;
	s1 =	sshll.u32 s1, $0x11  }
0xbc: {  	s0 =	sor.u32 s1, s0  }
0xbd: {  	s0 =	sadd.s32 $0x8F2B, s0  }
0xbe: {  	[sflag:s0] =	ssyncadd.remote.s32 $0x1  }
0xbf: {  	_ =	sfence.sel $0xFFFF  }
0xc0: {  	[dreg:$0x0] =	wrdreg $0xFFFFFFFF;
	(pc) =	sbr.abs _section_cstart, $3  }
0xc1: {  	[dreg:$0x1] =	wrdreg $0xFFFFFFFF  }
0xc2: {  	_ =	task.clear_ibuf [dreg:s7], $0x2FFFF;
	_ =	strace $0x9FFFFFFF  }
0xc3: {  	(tm) =	ssettm $0x7FFFFFFF  }
tec
execute0_lowered:
.L_overlay_start_1:
0x0: {  	(tag) =	ssettag $0x1  }
0x1: {  	s1 =	rddreg [dreg:$0x0]  }
0x2: {  	s6 =	rddreg [dreg:$0x1]  }
0x3: {  	s0 =	srdreg.scid;
	s3 =	rddreg [dreg:$0x2]  }
0x4: {  	s4 =	simm.s32 $0x0;
	s12 =	simm.s32 $0x2780;
	s13 =	simm.s32 $0x80  }
0x5: {  	s14 =	simm.s32 $0x4F00;
	s15 =	simm.s32 $0x6F00;
	s16 =	simm.s32 $0x1  }
0x6: {  	s17 =	simm.s32 $0x2;
	s18 =	simm.s32 $0x2700;
	s5 =	sand.u32 $0x1, s0  }
0x7: {  	s19 =	simm.s32 $0x4E80;
	s0 =	stileid.u32;
	s8 =	smul.u32 $0x9E000, s5  }
0x8: {  	[smem:$0x7FF] =	sst s4;
	s2 =	sshll.u32 s5, $0x4;
	s9 =	smul.u32 $0x9E00, s0  }
0x9: {  	s10 =	smul.u32 $0x27800, s0;
	s5 =	ssub.s32 $0x2, s5;
	s20 =	sshll.u32 s0, $0x6  }
0xa: {  	s2 =	sor.u32 s0, s2;
	s11 =	sshrl.u32 s5, $0x1;
	s20 =	sor.u32 $0x1C03, s20  }
0xb: {  	s7 =	smul.u32 $0x4F0, s2;
	s2 =	rddreg [dreg:$0x3];
	_ =	strace $0x8000004D  }
0xc: {  	s8 =	sadd.s32 s9, s8;
	s10 =	sshrl.u32 s10, $0x2;
	s11 =	ssub.s32 s5, s11  }
0xd: {  	s21 =	sadd.s32 s9, s3;
	s8 =	sshrl.u32 s8, $0x3;
	s5 =	sadd.s32 s10, s3  }
0xe: {  	s9 =	smax.u32 s11, $0x1;
	s10 =	simm.s32 $0x8F00;
	s11 =	simm.s32 $0x3  }
0xf: {  	s21 =	sshrl.u32 s21, $0x3;
	s7 =	sadd.s32 s7, s6;
	s8 =	sadd.s32 s8, s6  }
0x10: {  	v0 =	vimm.f32 $0.0e+00;
	s6 =	sadd.s32 $0x1F800, s7;
	s7 =	sadd.s32 $0x1C00, s7;
	s8 =	sadd.s32 $0x29600, s8  }
.LBB2_1:
0x11: {  	[tilespmem:$0x8F00] =	vst v0  }
0x12: {  	[tilespmem:$0x8F10] =	vst v0  }
0x13: {  	[tilespmem:$0x8F20] =	vst v0  }
0x14: {  	[tilespmem:$0x8F30] =	vst v0  }
0x15: {  	[tilespmem:$0x8F40] =	vst v0  }
0x16: {  	[tilespmem:$0x8F50] =	vst v0  }
0x17: {  	[tilespmem:$0x8F60] =	vst v0  }
0x18: {  	[tilespmem:$0x8F70] =	vst v0  }
0x19: {  	[tilespmem:$0x8F80] =	vst v0  }
0x1a: {  	[tilespmem:$0x8F90] =	vst v0  }
0x1b: {  	[tilespmem:$0x8FA0] =	vst v0  }
0x1c: {  	[tilespmem:$0x8FB0] =	vst v0  }
0x1d: {  	[tilespmem:$0x8FC0] =	vst v0  }
0x1e: {  	[tilespmem:$0x8FD0] =	vst v0  }
0x1f: {  	[tilespmem:$0x8FE0] =	vst v0  }
0x20: {  	[tilespmem:$0x8FF0] =	vst v0  }
0x21: {  	[tilespmem:$0x9000] =	vst v0  }
0x22: {  	[tilespmem:$0x9010] =	vst v0  }
0x23: {  	[tilespmem:$0x9020] =	vst v0  }
0x24: {  	[tilespmem:$0x9030] =	vst v0  }
0x25: {  	[tilespmem:$0x9040] =	vst v0  }
0x26: {  	[tilespmem:$0x9050] =	vst v0  }
0x27: {  	[tilespmem:$0x9060] =	vst v0  }
0x28: {  	[tilespmem:$0x9070] =	vst v0  }
0x29: {  	[tilespmem:$0x9080] =	vst v0  }
0x2a: {  	[tilespmem:$0x9090] =	vst v0  }
0x2b: {  	[tilespmem:$0x90A0] =	vst v0  }
0x2c: {  	[tilespmem:$0x90B0] =	vst v0  }
0x2d: {  	[tilespmem:$0x90C0] =	vst v0  }
0x2e: {  	[tilespmem:$0x90D0] =	vst v0  }
0x2f: {  	[tilespmem:$0x90E0] =	vst v0  }
0x30: {  	[tilespmem:$0x90F0] =	vst v0;
	s22 =	sadd.s32 $0x0, s5  }
0x31: {  	[spmem:s22] =	stream.linear.scatter [tilespmem:s10], [sflag:$0x3], $0x200, $0x38;
	[tilespmem:$0x12F00] =	vst v63  }
0x32: {  	s22 =	simm.s32 $0x800;
	_ =	swait.ge [sflag:s11], $0x200  }
.LBB2_2:
0x33: {  	s23 =	sshra.s32 s22, $0x2;
	[sflag:s11] =	ssyncset.done $0x0;
	p0 =	sne.s32 s22, $0x27000  }
.Ltmp0:
0x34: {  	s23 =	sadd.s32 s23, s5;
	[sflag:s11] =	ssyncadd.s32 $0xFFFFFE00;
	(pc) =	sbr.rel @p0 .LBB2_2-.Ltmp0, $3  }
0x35: {  	[spmem:s23] =	stream.linear.scatter [tilespmem:s10], [sflag:$0x3], $0x200, $0x38;
	[tilespmem:$0x12F00] =	vst v63  }
0x36: {  	s22 =	sadd.s32 $0x800, s22;
	_ =	sdelay $0x1  }
0x37: {  	_ =	swait.ge [sflag:s11], $0x200  }
0x38: {  	[sflag:s11] =	ssyncset.done $0x0  }
0x39: {  	s22 =	simm.s32 $0x0;
	[sflag:s11] =	ssyncadd.s32 $0xFFFFFE00  }
0x3a: {  	[tilespmem:s22], [sflag:$0x3] =	stream.linear.gather [hbm4b:s6+s22], $0x2780, $0x38;
	[tilespmem:$0x12F00] =	vst v63  }
0x3b: {  	_ =	swait.ge [sflag:s11], $0x2780  }
0x3c: {  	[sflag:s11] =	ssyncset.done $0x0  }
0x3d: {  	[sflag:s11] =	ssyncadd.s32 $0xFFFFD880  }
0x3e: {  	[tilespmem:s12], [sflag:$0x3] =	stream.linear.gather [hbm4b:s7+s22], $0x2780, $0x38;
	[tilespmem:$0x12F00] =	vst v63  }
0x3f: {  	_ =	swait.ge [sflag:s11], $0x2780  }
0x40: {  	[sflag:s11] =	ssyncset.done $0x0  }
0x41: {  	[sflag:s11] =	ssyncadd.s32 $0xFFFFD880  }
0x42: {  	s28 =	simm.s32 $0x0;
	[bflag:$0x0] =	sbarrier.arrive $0xFFFF  }
0x43: {  	[tilespmem:s14], [sflag:$0x1] =	stream.indirect.gather [hbm4b:s1+s13], $0x40, s28, s13, $0xb8;
	[tilespmem:$0x12F00] =	vst v63  }
0x44: {  	s29 =	simm.s32 $0x80  }
0x45: {  	[tilespmem:s15], [sflag:$0x2] =	stream.indirect.gather [hbm4b:s1+s13], $0x40, s29, s13, $0xb8;
	[tilespmem:$0x12F00] =	vst v63  }
0x46: {  	_ =	swait.ge [sflag:s16], $0x2000  }
0x47: {  	[sflag:s16] =	ssyncset.done $0x0  }
0x48: {  	s30 =	simm.s32 $0x2780;
	[sflag:s16] =	ssyncadd.s32 $0xFFFFE000  }
0x49: {  	[spmem:s3] =	stream.indirect.scatter.add.f32 [tilespmem:s14], [sflag:$0x3], $0x40, s30, s13, $0xb8;
	[tilespmem:$0x12F00] =	vst v63  }
0x4a: {  	_ =	swait.ge [sflag:s11], $0x2000  }
0x4b: {  	[sflag:s11] =	ssyncset.done $0x0  }
0x4c: {  	[sflag:s11] =	ssyncadd.s32 $0xFFFFE000  }
0x4d: {  	_ =	swait.ge [sflag:s17], $0x2000  }
0x4e: {  	[sflag:s17] =	ssyncset.done $0x0  }
0x4f: {  	s31 =	simm.s32 $0x2800;
	[sflag:s17] =	ssyncadd.s32 $0xFFFFE000  }
0x50: {  	[spmem:s3] =	stream.indirect.scatter.add.f32 [tilespmem:s15], [sflag:$0x3], $0x40, s31, s13, $0xb8;
	[tilespmem:$0x12F00] =	vst v63  }
0x51: {  	_ =	swait.ge [sflag:s11], $0x2000  }
0x52: {  	s23 =	simm.s32 $0x800;
	s22 =	simm.s32 $0x400;
	[sflag:s11] =	ssyncset.done $0x0  }
.LBB2_4:
0x53: {  	s24 =	sshra.s32 s22, $0x2  }
0x54: {  	[sflag:s11] =	ssyncadd.s32 $0xFFFFE000;
	s22 =	smov.u32 s23;
	s25 =	sadd.s32 $0x400, s23  }
0x55: {  	[tilespmem:s14], [sflag:$0x1] =	stream.indirect.gather [hbm4b:s1+s13], $0x40, s24, s13, $0xb8;
	[tilespmem:$0x12F00] =	vst v63  }
0x56: {  	p0 =	sne.s32 s23, $0x9800;
	s23 =	sadd.s32 $0x80, s24  }
0x57: {  	[tilespmem:s15], [sflag:$0x2] =	stream.indirect.gather [hbm4b:s1+s13], $0x40, s23, s13, $0xb8;
	[tilespmem:$0x12F00] =	vst v63  }
0x58: {  	_ =	swait.ge [sflag:s16], $0x2000  }
0x59: {  	[sflag:s16] =	ssyncset.done $0x0  }
0x5a: {  	s23 =	sadd.s32 $0x2780, s24;
	[sflag:s16] =	ssyncadd.s32 $0xFFFFE000  }
0x5b: {  	[spmem:s3] =	stream.indirect.scatter.add.f32 [tilespmem:s14], [sflag:$0x3], $0x40, s23, s13, $0xb8;
	[tilespmem:$0x12F00] =	vst v63  }
0x5c: {  	_ =	swait.ge [sflag:s11], $0x2000  }
0x5d: {  	[sflag:s11] =	ssyncset.done $0x0  }
0x5e: {  	[sflag:s11] =	ssyncadd.s32 $0xFFFFE000  }
0x5f: {  	_ =	swait.ge [sflag:s17], $0x2000  }
.Ltmp1:
0x60: {  	[sflag:s17] =	ssyncset.done $0x0;
	(pc) =	sbr.rel @p0 .LBB2_4-.Ltmp1, $4  }
0x61: {  	s23 =	sadd.s32 $0x2800, s24;
	[sflag:s17] =	ssyncadd.s32 $0xFFFFE000  }
0x62: {  	[spmem:s3] =	stream.indirect.scatter.add.f32 [tilespmem:s15], [sflag:$0x3], $0x40, s23, s13, $0xb8;
	[tilespmem:$0x12F00] =	vst v63  }
0x63: {  	_ =	swait.ge [sflag:s11], $0x2000  }
0x64: {  	s23 =	smov.u32 s25;
	[sflag:s11] =	ssyncset.done $0x0  }
0x65: {  	s22 =	sshra.s32 s22, $0x2;
	[sflag:s11] =	ssyncadd.s32 $0xFFFFE000  }
0x66: {  	[tilespmem:s14], [sflag:$0x1] =	stream.indirect.gather [hbm4b:s1+s13], $0x40, s22, s13, $0xb8;
	[tilespmem:$0x12F00] =	vst v63  }
0x67: {  	s23 =	sadd.s32 $0x80, s22  }
0x68: {  	[tilespmem:s15], [sflag:$0x2] =	stream.indirect.gather [hbm4b:s1+s13], $0x40, s23, s13, $0xb8;
	[tilespmem:$0x12F00] =	vst v63  }
0x69: {  	_ =	swait.ge [sflag:s16], $0x2000  }
0x6a: {  	[sflag:s16] =	ssyncset.done $0x0  }
0x6b: {  	s31 =	sadd.s32 $0x2780, s22;
	[sflag:s16] =	ssyncadd.s32 $0xFFFFE000  }
0x6c: {  	[spmem:s3] =	stream.indirect.scatter.add.f32 [tilespmem:s14], [sflag:$0x3], $0x40, s31, s13, $0xb8;
	[tilespmem:$0x12F00] =	vst v63  }
0x6d: {  	_ =	swait.ge [sflag:s11], $0x2000  }
0x6e: {  	[sflag:s11] =	ssyncset.done $0x0  }
0x6f: {  	[sflag:s11] =	ssyncadd.s32 $0xFFFFE000  }
0x70: {  	_ =	swait.ge [sflag:s17], $0x2000  }
0x71: {  	[sflag:s17] =	ssyncset.done $0x0  }
0x72: {  	s22 =	sadd.s32 $0x2800, s22;
	[sflag:s17] =	ssyncadd.s32 $0xFFFFE000  }
0x73: {  	[spmem:s3] =	stream.indirect.scatter.add.f32 [tilespmem:s15], [sflag:$0x3], $0x40, s22, s13, $0xb8;
	[tilespmem:$0x12F00] =	vst v63  }
0x74: {  	_ =	swait.ge [sflag:s11], $0x2000  }
0x75: {  	[sflag:s11] =	ssyncset.done $0x0  }
0x76: {  	[sflag:s11] =	ssyncadd.s32 $0xFFFFE000  }
0x77: {  	[tilespmem:s14], [sflag:$0x1] =	stream.indirect.gather [hbm4b:s1+s13], $0x40, s18, s13, $0xb8;
	[tilespmem:$0x12F00] =	vst v63  }
0x78: {  	_ =	swait.ge [sflag:s16], $0x2000  }
0x79: {  	[sflag:s16] =	ssyncset.done $0x0  }
0x7a: {  	[sflag:s16] =	ssyncadd.s32 $0xFFFFE000  }
0x7b: {  	[spmem:s3] =	stream.indirect.scatter.add.f32 [tilespmem:s14], [sflag:$0x3], $0x40, s19, s13, $0xb8;
	[tilespmem:$0x12F00] =	vst v63  }
0x7c: {  	_ =	swait.ge [sflag:s11], $0x2000  }
0x7d: {  	s4 =	sadd.s32 $0x1, s4;
	[sflag:s11] =	ssyncset.done $0x0  }
0x7e: {  	p0 =	sne.s32 s4, s9;
	[sflag:s11] =	ssyncadd.s32 $0xFFFFE000  }
.Ltmp2:
0x7f: {  	[bflag:$0x0] =	sbarrier.arrive $0xFFFF;
	(pc) =	sbr.rel @p0 .LBB2_1-.Ltmp2, $4  }
0x80: {  	[hbm:s8], [sflag:s20] =	dma.local [spmem:s21], $0x13C0  }
0x81: {  	_ =	swait.ge [sflag:s11], $0x13C0  }
0x82: {  	[sflag:s11] =	ssyncset.done $0x0  }
0x83: {  	[sflag:s11] =	ssyncadd.s32 $0xFFFFEC40  }
0x84: {  	_ =	sfence.sel $0x180000  }
0x85: {  	[bflag:$0x0] =	sbarrier.arrive $0xFFFF  }
0x86: {  	p0 =	sne.s32 s0, $0x0;
	_ =	strace $0x9000004D  }
0x87: {  	s0 =	sadd.s32 @!p0 $0x100000, s2;
	[bflag:$0x2] =	sbarrier.arrive $0xFFFF  }
0x88: {  	[sflag:s0] =	ssyncadd.tile.s32 @!p0 $0x1;
	_ =	shalt  }
.Lfunc_end2:
_tile_overlayer_lowered:
.L_overlay_start_2:
0x89: {  	(tag) =	ssettag $0x2  }
0x8a: {  	s0 =	rddreg [dreg:$0x0];
	s2 =	stileid.u32  }
0x8b: {  	s1 =	rddreg [dreg:$0x1];
	p0 =	sne.s32 s2, $0x0  }
0x8c: {  	s3 =	rddreg [dreg:$0x2];
	[bflag:$0x3] =	sbarrier.arrive $0xFFFF;
	s2 =	simm.s32 @!p0 $0x1C03  }
0x8d: {  	[timem:s3], [sflag:s2] =	dma.local @!p0 [hbm:s0], s1  }
0x8e: {  	s0 =	simm.s32 @!p0 $0x3  }
0x8f: {  	_ =	swait.ge @!p0 [sflag:s0], s1  }
0x90: {  	s1 =	ssub.s32 @!p0 $0x0, s1;
	[sflag:s0] =	ssyncset.done @!p0 $0x0  }
0x91: {  	[sflag:s0] =	ssyncadd.s32 @!p0 s1  }
0x92: {  	[bflag:$0x3] =	sbarrier.arrive $0xFFFF  }
0x93: {  	_ =	shalt  }

// kernel: kernel.8.cloned.1.call-start
scs
__scs_entry_jumppad:
0x0: {  	(pc) =	sbr.rel $0x88, $3  }
0x1: {  	(tag) =	ssettag $0x0;
	lr =	simm.s32 $0x1  }
0x2: {  	[smem:$0x3F9B] =	sst lr;
	_ =	strace $0xD0000000  }
0x3: {  	_ = 	snop  }
0x4: {  	_ = 	snop  }
0x5: {  	_ = 	snop  }
0x6: {  	_ = 	snop  }
0x7: {  	_ = 	snop  }
__scs_overlays_trampoline_lowered:
0x8: {  	[smem:$0x3FAA] =	sst s0  }
0x9: {  	[smem:$0x3FAB] =	sst s1  }
0xa: {  	[smem:$0x3FAC] =	sst s2  }
0xb: {  	[smem:$0x3FAD] =	sst s3  }
0xc: {  	[smem:$0x3FAE] =	sst s4  }
0xd: {  	[smem:$0x3FAF] =	sst s5  }
0xe: {  	[smem:$0x3FB0] =	sst s6  }
0xf: {  	[smem:$0x3FB1] =	sst s7  }
0x10: {  	[smem:$0x3FB2] =	sst s8  }
0x11: {  	[smem:$0x3FB3] =	sst s9;
	s0 =	simm.s32 @!p0 $0x0  }
0x12: {  	s1 =	sld [smem:$0x3F99];
	s0 =	simm.s32 @p0 $0x1  }
0x13: {  	[smem:$0x3FB4] =	sst s0;
	s0 =	simm.s32 @!p1 $0x0  }
0x14: {  	s2 =	sld [smem:$0x3F98];
	s0 =	simm.s32 @p1 $0x1  }
0x15: {  	[smem:$0x3FB5] =	sst s0;
	s0 =	simm.s32 @!p2 $0x0  }
0x16: {  	s3 =	sld [smem:$0x3FDB];
	s0 =	simm.s32 @p2 $0x1  }
0x17: {  	s4 =	simm.s32 $0x1BF5;
	[smem:$0x3FB7] =	sst s0  }
0x18: {  	s0 =	sld [smem:$0x3F9A];
	_ =	swait.ge [sflag:s4], $0x0  }
0x19: {  	s7 =	sld [smem:$0x3F9B]  }
0x1a: {  	s8 =	sadd.s32 $0xFFFFE003, lr  }
0x1b: {  	s9 =	sadd.s32 $0xFFFFFEF7, lr;
	s5 =	simm.s32 $0xFFFFFFFF;
	p2 =	slt.u32 s8, $0xFFFFF086  }
0x1c: {  	p1 =	slt.u32 s9, $0xF7A;
	s5 =	simm.s32 @!p2 $0x0  }
0x1d: {  	s5 =	simm.s32 @p1 $0x1;
	p0 =	seq.s32 s7, s2  }
0x1e: {  	s7 =	smul.u32 @!p0 $0xF7A, s2;
	p2 =	seq.s32 @!p0 s5, $0x0  }
0x1f: {  	s9 =	smul.u32 $0xF7A, s1;
	s8 =	simm.s32 @!p0 $0x1BF5;
	p2 =	por !p2, p0  }
0x20: {  	[sflag:s8] =	ssyncset.s32 @!p0 $0xFFFFF086;
	s6 =	sadd.s32 @!p0 s3, s7;
	s7 =	simm.s32 @!p0 $0x108  }
0x21: {  	s3 =	sadd.s32 s3, s9;
	s6 =	sadd.s32 @!p0 $0x88, s6;
	s7 =	simm.s32 @p2 $0x1082  }
0x22: {  	[simem:s7], [sflag:s8] =	dma.local @!p0 [hbm:s6], $0xF7A  }
0x23: {  	s9 =	sor.u32 $0xD0000000, s2;
	s6 =	simm.s32 $0x108;
	_ =	swait.ge @!p0 [sflag:s8], $0x0  }
0x24: {  	s3 =	sadd.s32 $0x88, s3;
	s6 =	simm.s32 @!p1 $0x1082;
	[sflag:s4] =	ssyncset.s32 $0xFFFFF086  }
0x25: {  	[simem:s6], [sflag:s4] =	dma.local [hbm:s3], $0xF7A  }
0x26: {  	[smem:$0x3F9B] =	sst s1;
	(tag) =	ssettag s2;
	_ =	strace s9  }
0x27: {  	s1 =	sld [smem:$0x3FAB]  }
0x28: {  	s2 =	sld [smem:$0x3FAC]  }
0x29: {  	s4 =	sld [smem:$0x3FAE]  }
0x2a: {  	p0 =	seq.s32 s5, $0x0;
	s5 =	sld [smem:$0x3FAF]  }
0x2b: {  	s6 =	sld [smem:$0x3FB0]  }
0x2c: {  	s7 =	sld [smem:$0x3FB1]  }
0x2d: {  	s3 =	simm.s32 $0x108;
	s8 =	sld [smem:$0x3FB2]  }
0x2e: {  	s3 =	simm.s32 @!p0 $0x1082;
	s9 =	sld [smem:$0x3FB3]  }
0x2f: {  	lr =	sadd.s32 s0, s3;
	s0 =	sld [smem:$0x3FAA]  }
0x30: {  	s3 =	sld [smem:$0x3FAD]  }
0x31: {  	[smem:$0x3FB6] =	sst s10  }
0x32: {  	s10 =	sld [smem:$0x3FB4];
	_ =	sdelay $0x3  }
0x33: {  	p0 =	seq.s32 s10, $0x1;
	s10 =	sld [smem:$0x3FB6];
	_ =	sdelay $0x3  }
0x34: {  	[smem:$0x3FB6] =	sst s10  }
0x35: {  	s10 =	sld [smem:$0x3FB5];
	_ =	sdelay $0x3  }
0x36: {  	p1 =	seq.s32 s10, $0x1;
	s10 =	sld [smem:$0x3FB6];
	_ =	sdelay $0x3  }
0x37: {  	[smem:$0x3FB6] =	sst s10  }
0x38: {  	s10 =	sld [smem:$0x3FB7]  }
0x39: {  	_ = 	snop;
	(pc) =	sbr.ind lr, $3  }
0x3a: {  	_ = 	snop  }
0x3b: {  	_ = 	snop  }
0x3c: {  	p2 =	seq.s32 s10, $0x1;
	s10 =	sld [smem:$0x3FB6]  }
0x3d: {  	_ =	shalt  }
0x3e: {  	_ =	shalt  }
0x3f: {  	_ =	shalt  }
0x40: {  	_ =	shalt  }
0x41: {  	_ =	shalt  }
0x42: {  	_ =	shalt  }
0x43: {  	_ =	shalt  }
0x44: {  	_ =	shalt  }
0x45: {  	_ =	shalt  }
0x46: {  	_ =	shalt  }
0x47: {  	_ =	shalt  }
0x48: {  	_ =	shalt  }
0x49: {  	_ =	shalt  }
0x4a: {  	_ =	shalt  }
0x4b: {  	_ =	shalt  }
0x4c: {  	_ =	shalt  }
0x4d: {  	_ =	shalt  }
0x4e: {  	_ =	shalt  }
0x4f: {  	_ =	shalt  }
0x50: {  	_ =	shalt  }
0x51: {  	_ =	shalt  }
0x52: {  	_ =	shalt  }
0x53: {  	_ =	shalt  }
0x54: {  	_ =	shalt  }
0x55: {  	_ =	shalt  }
0x56: {  	_ =	shalt  }
0x57: {  	_ =	shalt  }
0x58: {  	_ =	shalt  }
0x59: {  	_ =	shalt  }
0x5a: {  	_ =	shalt  }
0x5b: {  	_ =	shalt  }
0x5c: {  	_ =	shalt  }
0x5d: {  	_ =	shalt  }
0x5e: {  	_ =	shalt  }
0x5f: {  	_ =	shalt  }
0x60: {  	_ =	shalt  }
0x61: {  	_ =	shalt  }
0x62: {  	_ =	shalt  }
0x63: {  	_ =	shalt  }
0x64: {  	_ =	shalt  }
0x65: {  	_ =	shalt  }
0x66: {  	_ =	shalt  }
0x67: {  	_ =	shalt  }
0x68: {  	_ =	shalt  }
0x69: {  	_ =	shalt  }
0x6a: {  	_ =	shalt  }
0x6b: {  	_ =	shalt  }
0x6c: {  	_ =	shalt  }
0x6d: {  	_ =	shalt  }
0x6e: {  	_ =	shalt  }
0x6f: {  	_ =	shalt  }
0x70: {  	_ =	shalt  }
0x71: {  	_ =	shalt  }
0x72: {  	_ =	shalt  }
0x73: {  	_ =	shalt  }
0x74: {  	_ =	shalt  }
0x75: {  	_ =	shalt  }
0x76: {  	_ =	shalt  }
0x77: {  	_ =	shalt  }
0x78: {  	_ =	shalt  }
0x79: {  	_ =	shalt  }
0x7a: {  	_ =	shalt  }
0x7b: {  	_ =	shalt  }
0x7c: {  	_ =	shalt  }
0x7d: {  	_ =	shalt  }
0x7e: {  	_ =	shalt  }
0x7f: {  	_ =	shalt  }
0x80: {  	_ =	shalt  }
0x81: {  	_ =	shalt  }
0x82: {  	_ =	shalt  }
0x83: {  	_ =	shalt  }
0x84: {  	_ =	shalt  }
0x85: {  	_ =	shalt  }
0x86: {  	_ =	shalt  }
0x87: {  	_ =	shalt  }
.Lfunc_end0:
.L_simem_size_0:
called_computation_lowered:
.L_overlay_start_0:
0x88: {  	s2 =	sld [smem:$0x3FD9]  }
0x89: {  	s3 =	sld [smem:$0x3FFE];
	_ =	sdelay $0x1  }
0x8a: {  	s1 =	srdreg.scid  }
0x8b: {  	s0 =	sand.u32 $0x1, s1  }
0x8c: {  	s16 =	sshll.u32 s0, $0xA;
	s2 =	sadd.s32 s3, s2  }
0x8d: {  	s2 =	sadd.s32 s2, s16  }
0x8e: {  	[smem:$0x3FC2] =	sst s2  }
0x8f: {  	_ = 	snop  }
0x90: {  	(tm) =	ssettm $0x1  }
0x91: {  	s17 =	sld [smem:$0x3FFB];
	_ =	sdelay $0x3  }
0x92: {  	_ =	strace s17  }
0x93: {  	s2 =	sld [smem:$0x3FFC];
	_ =	sdelay $0x3  }
0x94: {  	_ =	strace s2  }
0x95: {  	s2 =	sld [smem:$0x3FFD];
	_ =	sdelay $0x3  }
0x96: {  	_ =	strace s2  }
0x97: {  	_ =	strace $0x8FFFFFFF  }
0x98: {  	s18 =	sld [smem:$0x3FDB];
	_ =	sdelay $0x1  }
0x99: {  	s19 =	simm.s32 $_scs_section_size  }
0x9a: {  	s4 =	simm.s32 $_size__tile_overlayer_lowered;
	s5 =	simm.s32 $_tile_overlayer_lowered  }
0x9b: {  	s22 =	simm.s32 $0x1BFF;
	s21 =	sshll.u32 s5, $0x1;
	s2 =	sadd.s32 s19, s18  }
0x9c: {  	s6 =	simm.s32 $0x0;
	s20 =	sshll.u32 s4, $0x1;
	s4 =	sadd.s32 s21, s2  }
0x9d: {  	[timem:s6], [sflag:s22] =	dma.local [hbm:s4], s20  }
0x9e: {  	_ =	swait.ge [sflag:s22], s20  }
0x9f: {  	s3 =	ssub.s32 $0x0, s20;
	[sflag:s22] =	ssyncset.done $0x0  }
0xa0: {  	[sflag:s22] =	ssyncadd.s32 s3;
	_ =	sdelay $0x1  }
0xa1: {  	s23 =	simm.s32 $0x1B8B  }
0xa2: {  	_ =	swait.ge [sflag:s23], $0x1  }
0xa3: {  	[sflag:s23] =	ssyncset.done $0x0  }
0xa4: {  	s25 =	simm.s32 $0x1B8E;
	s24 =	sld [smem:$0x3FFE];
	[sflag:s23] =	ssyncadd.s32 $0xFFFFFFFF  }
0xa5: {  	s26 =	simm.s32 $execute0_lowered;
	[smem:$0x3FD2] =	sst s25  }
0xa6: {  	s4 =	sshll.u32 s26, $0x1;
	_ =	strace $0x80000046;
	[dreg:$0x1] =	wrdreg $0xFFFFFFFF  }
0xa7: {  	s28 =	simm.s32 $_size_execute0_lowered;
	s2 =	sadd.s32 s2, s4;
	[dreg:$0x0] =	wrdreg $0x0  }
0xa8: {  	s4 =	sshll.u32 s28, $0x1;
	[dreg:$0x2] =	wrdreg s2  }
0xa9: {  	[dreg:$0x3] =	wrdreg s4  }
0xaa: {  	[dreg:$0x4] =	wrdreg $0xC0  }
0xab: {  	_ =	task [dreg:s6], $0x5FFFF  }
0xac: {  	[dreg:$0x1] =	wrdreg $0xFFFFFFFF  }
0xad: {  	[dreg:$0x0] =	wrdreg $0x60  }
0xae: {  	[dreg:$0x2] =	wrdreg s24  }
0xaf: {  	[dreg:$0x3] =	wrdreg $0x30000  }
0xb0: {  	[dreg:$0x4] =	wrdreg $0x9  }
0xb1: {  	_ =	task.clear_ibuf [dreg:s6], $0x5FFFF;
	_ =	strace $0x90000046  }
0xb2: {  	s29 =	simm.s32 $0x9;
	_ =	strace $0x80000048  }
0xb3: {  	_ =	swait.ge [sflag:s29], $0x1  }
0xb4: {  	[sflag:s29] =	ssyncadd.s32 $0xFFFFFFFF  }
0xb5: {  	_ =	strace $0x90000048  }
0xb6: {  	_ =	sfence  }
0xb7: {  	s30 =	sld [smem:$0x0];
	_ =	sdelay $0x2  }
0xb8: {  	s31 =	sshll.u32 s1, $0xD;
	s1 =	sshrl.u32 s1, $0x2  }
0xb9: {  	s3 =	sand.u32 $0x4000, s31;
	s1 =	sadd.s32 s1, s30  }
0xba: {  	s0 =	sor.u32 s3, s0;
	s1 =	sshll.u32 s1, $0x11  }
0xbb: {  	s0 =	sor.u32 s1, s0  }
0xbc: {  	s0 =	sadd.s32 $0x8F2B, s0  }
0xbd: {  	[sflag:s0] =	ssyncadd.remote.s32 $0x1  }
0xbe: {  	_ =	sfence.sel $0xFFFF  }
0xbf: {  	[dreg:$0x0] =	wrdreg $0xFFFFFFFF;
	(pc) =	sbr.abs _section_cstart, $3  }
0xc0: {  	[dreg:$0x1] =	wrdreg $0xFFFFFFFF  }
0xc1: {  	_ =	task.clear_ibuf [dreg:s6], $0x2FFFF;
	_ =	strace $0x9FFFFFFF  }
0xc2: {  	(tm) =	ssettm $0x7FFFFFFF  }
0xc3: {  	_ =	shalt  }
tec
execute0_lowered:
.L_overlay_start_1:
0x0: {  	(tag) =	ssettag $0x1  }
0x1: {  	s4 =	rddreg [dreg:$0x0]  }
0x2: {  	s1 =	rddreg [dreg:$0x1]  }
0x3: {  	s2 =	srdreg.scid;
	s0 =	rddreg [dreg:$0x2];
	s3 =	simm.s32 $0x0  }
0x4: {  	s11 =	simm.s32 $0x2780;
	s5 =	sand.u32 $0x1, s2;
	s2 =	stileid.u32  }
0x5: {  	[smem:$0x7FF] =	sst s3;
	s6 =	sshll.u32 s5, $0x4;
	s7 =	smul.u32 $0x27800, s5  }
0x6: {  	s8 =	smul.u32 $0x2780, s2;
	_ =	strace $0x80000047;
	s5 =	ssub.s32 $0x2, s5  }
0x7: {  	s9 =	smul.u32 $0x9E00, s2;
	s12 =	sshll.u32 s2, $0x6;
	s6 =	sor.u32 s2, s6  }
0x8: {  	s10 =	sshrl.u32 s5, $0x1;
	s12 =	sor.u32 $0x1C01, s12;
	s6 =	smul.u32 $0x4F0, s6  }
0x9: {  	s7 =	sadd.s32 s8, s7;
	s10 =	ssub.s32 s5, s10;
	s31 =	sshrl.u32 s9, $0x2  }
0xa: {  	s13 =	sadd.s32 s8, s1;
	s8 =	simm.s32 $0x2F80;
	s9 =	simm.s32 $0x1  }
0xb: {  	s7 =	sshrl.u32 s7, $0x3;
	s13 =	sshrl.u32 s13, $0x3;
	s6 =	sadd.s32 s6, s4  }
0xc: {  	s7 =	sadd.s32 s7, s4;
	s4 =	sadd.s32 s31, s1;
	s5 =	sadd.s32 $0x1C00, s6  }
0xd: {  	v0 =	vimm.f32 $0.0e+00;
	v1 =	vimm.f32 $1.000000000e+00;
	s6 =	sadd.s32 $0xBA00, s7;
	s7 =	smax.u32 s10, $0x1;
	s10 =	simm.s32 $0x80  }
.LBB2_1:
0xe: {  	[tilespmem:$0x2F80] =	vst v0  }
0xf: {  	[tilespmem:$0x2F90] =	vst v0  }
0x10: {  	[tilespmem:$0x2FA0] =	vst v0  }
0x11: {  	[tilespmem:$0x2FB0] =	vst v0  }
0x12: {  	[tilespmem:$0x2FC0] =	vst v0  }
0x13: {  	[tilespmem:$0x2FD0] =	vst v0  }
0x14: {  	[tilespmem:$0x2FE0] =	vst v0  }
0x15: {  	[tilespmem:$0x2FF0] =	vst v0;
	s14 =	sadd.s32 $0x0, s4  }
0x16: {  	[spmem:s14] =	stream.linear.scatter [tilespmem:s8], [sflag:$0x1], $0x80, $0x38;
	[tilespmem:$0x5780] =	vst v63  }
0x17: {  	s14 =	simm.s32 $0x200;
	_ =	swait.ge [sflag:s9], $0x80  }
.LBB2_2:
0x18: {  	s15 =	sshra.s32 s14, $0x2;
	[sflag:s9] =	ssyncset.done $0x0;
	p0 =	sne.s32 s14, $0x9C00  }
.Ltmp0:
0x19: {  	s15 =	sadd.s32 s15, s4;
	[sflag:s9] =	ssyncadd.s32 $0xFFFFFF80;
	(pc) =	sbr.rel @p0 .LBB2_2-.Ltmp0, $3  }
0x1a: {  	[spmem:s15] =	stream.linear.scatter [tilespmem:s8], [sflag:$0x1], $0x80, $0x38;
	[tilespmem:$0x5780] =	vst v63  }
0x1b: {  	s14 =	sadd.s32 $0x200, s14;
	_ =	sdelay $0x1  }
0x1c: {  	_ =	swait.ge [sflag:s9], $0x80  }
0x1d: {  	[sflag:s9] =	ssyncset.done $0x0  }
0x1e: {  	[sflag:s9] =	ssyncadd.s32 $0xFFFFFF80  }
0x1f: {  	[tilespmem:$0x2780] =	vst v1  }
0x20: {  	[tilespmem:$0x2790] =	vst v1  }
0x21: {  	[tilespmem:$0x27A0] =	vst v1  }
0x22: {  	[tilespmem:$0x27B0] =	vst v1  }
0x23: {  	[tilespmem:$0x27C0] =	vst v1  }
0x24: {  	[tilespmem:$0x27D0] =	vst v1  }
0x25: {  	[tilespmem:$0x27E0] =	vst v1  }
0x26: {  	[tilespmem:$0x27F0] =	vst v1  }
0x27: {  	[tilespmem:$0x2800] =	vst v1  }
0x28: {  	[tilespmem:$0x2810] =	vst v1  }
0x29: {  	[tilespmem:$0x2820] =	vst v1  }
0x2a: {  	[tilespmem:$0x2830] =	vst v1  }
0x2b: {  	[tilespmem:$0x2840] =	vst v1  }
0x2c: {  	[tilespmem:$0x2850] =	vst v1  }
0x2d: {  	[tilespmem:$0x2860] =	vst v1  }
0x2e: {  	[tilespmem:$0x2870] =	vst v1  }
0x2f: {  	[tilespmem:$0x2880] =	vst v1  }
0x30: {  	[tilespmem:$0x2890] =	vst v1  }
0x31: {  	[tilespmem:$0x28A0] =	vst v1  }
0x32: {  	[tilespmem:$0x28B0] =	vst v1  }
0x33: {  	[tilespmem:$0x28C0] =	vst v1  }
0x34: {  	[tilespmem:$0x28D0] =	vst v1  }
0x35: {  	[tilespmem:$0x28E0] =	vst v1  }
0x36: {  	[tilespmem:$0x28F0] =	vst v1  }
0x37: {  	[tilespmem:$0x2900] =	vst v1  }
0x38: {  	[tilespmem:$0x2910] =	vst v1  }
0x39: {  	[tilespmem:$0x2920] =	vst v1  }
0x3a: {  	[tilespmem:$0x2930] =	vst v1  }
0x3b: {  	[tilespmem:$0x2940] =	vst v1  }
0x3c: {  	[tilespmem:$0x2950] =	vst v1  }
0x3d: {  	[tilespmem:$0x2960] =	vst v1  }
0x3e: {  	[tilespmem:$0x2970] =	vst v1  }
0x3f: {  	[tilespmem:$0x2980] =	vst v1  }
0x40: {  	[tilespmem:$0x2990] =	vst v1  }
0x41: {  	[tilespmem:$0x29A0] =	vst v1  }
0x42: {  	[tilespmem:$0x29B0] =	vst v1  }
0x43: {  	[tilespmem:$0x29C0] =	vst v1  }
0x44: {  	[tilespmem:$0x29D0] =	vst v1  }
0x45: {  	[tilespmem:$0x29E0] =	vst v1  }
0x46: {  	[tilespmem:$0x29F0] =	vst v1  }
0x47: {  	[tilespmem:$0x2A00] =	vst v1  }
0x48: {  	[tilespmem:$0x2A10] =	vst v1  }
0x49: {  	[tilespmem:$0x2A20] =	vst v1  }
0x4a: {  	[tilespmem:$0x2A30] =	vst v1  }
0x4b: {  	[tilespmem:$0x2A40] =	vst v1  }
0x4c: {  	[tilespmem:$0x2A50] =	vst v1  }
0x4d: {  	[tilespmem:$0x2A60] =	vst v1  }
0x4e: {  	[tilespmem:$0x2A70] =	vst v1  }
0x4f: {  	[tilespmem:$0x2A80] =	vst v1  }
0x50: {  	[tilespmem:$0x2A90] =	vst v1  }
0x51: {  	[tilespmem:$0x2AA0] =	vst v1  }
0x52: {  	[tilespmem:$0x2AB0] =	vst v1  }
0x53: {  	[tilespmem:$0x2AC0] =	vst v1  }
0x54: {  	[tilespmem:$0x2AD0] =	vst v1  }
0x55: {  	[tilespmem:$0x2AE0] =	vst v1  }
0x56: {  	[tilespmem:$0x2AF0] =	vst v1  }
0x57: {  	[tilespmem:$0x2B00] =	vst v1  }
0x58: {  	[tilespmem:$0x2B10] =	vst v1  }
0x59: {  	[tilespmem:$0x2B20] =	vst v1  }
0x5a: {  	[tilespmem:$0x2B30] =	vst v1  }
0x5b: {  	[tilespmem:$0x2B40] =	vst v1  }
0x5c: {  	[tilespmem:$0x2B50] =	vst v1  }
0x5d: {  	[tilespmem:$0x2B60] =	vst v1  }
0x5e: {  	[tilespmem:$0x2B70] =	vst v1  }
0x5f: {  	[tilespmem:$0x2B80] =	vst v1  }
0x60: {  	[tilespmem:$0x2B90] =	vst v1  }
0x61: {  	[tilespmem:$0x2BA0] =	vst v1  }
0x62: {  	[tilespmem:$0x2BB0] =	vst v1  }
0x63: {  	[tilespmem:$0x2BC0] =	vst v1  }
0x64: {  	[tilespmem:$0x2BD0] =	vst v1  }
0x65: {  	[tilespmem:$0x2BE0] =	vst v1  }
0x66: {  	[tilespmem:$0x2BF0] =	vst v1  }
0x67: {  	[tilespmem:$0x2C00] =	vst v1  }
0x68: {  	[tilespmem:$0x2C10] =	vst v1  }
0x69: {  	[tilespmem:$0x2C20] =	vst v1  }
0x6a: {  	[tilespmem:$0x2C30] =	vst v1  }
0x6b: {  	[tilespmem:$0x2C40] =	vst v1  }
0x6c: {  	[tilespmem:$0x2C50] =	vst v1  }
0x6d: {  	[tilespmem:$0x2C60] =	vst v1  }
0x6e: {  	[tilespmem:$0x2C70] =	vst v1  }
0x6f: {  	[tilespmem:$0x2C80] =	vst v1  }
0x70: {  	[tilespmem:$0x2C90] =	vst v1  }
0x71: {  	[tilespmem:$0x2CA0] =	vst v1  }
0x72: {  	[tilespmem:$0x2CB0] =	vst v1  }
0x73: {  	[tilespmem:$0x2CC0] =	vst v1  }
0x74: {  	[tilespmem:$0x2CD0] =	vst v1  }
0x75: {  	[tilespmem:$0x2CE0] =	vst v1  }
0x76: {  	[tilespmem:$0x2CF0] =	vst v1  }
0x77: {  	[tilespmem:$0x2D00] =	vst v1  }
0x78: {  	[tilespmem:$0x2D10] =	vst v1  }
0x79: {  	[tilespmem:$0x2D20] =	vst v1  }
0x7a: {  	[tilespmem:$0x2D30] =	vst v1  }
0x7b: {  	[tilespmem:$0x2D40] =	vst v1  }
0x7c: {  	[tilespmem:$0x2D50] =	vst v1  }
0x7d: {  	[tilespmem:$0x2D60] =	vst v1  }
0x7e: {  	[tilespmem:$0x2D70] =	vst v1  }
0x7f: {  	[tilespmem:$0x2D80] =	vst v1  }
0x80: {  	[tilespmem:$0x2D90] =	vst v1  }
0x81: {  	[tilespmem:$0x2DA0] =	vst v1  }
0x82: {  	[tilespmem:$0x2DB0] =	vst v1  }
0x83: {  	[tilespmem:$0x2DC0] =	vst v1  }
0x84: {  	[tilespmem:$0x2DD0] =	vst v1  }
0x85: {  	[tilespmem:$0x2DE0] =	vst v1  }
0x86: {  	[tilespmem:$0x2DF0] =	vst v1  }
0x87: {  	[tilespmem:$0x2E00] =	vst v1  }
0x88: {  	[tilespmem:$0x2E10] =	vst v1  }
0x89: {  	[tilespmem:$0x2E20] =	vst v1  }
0x8a: {  	[tilespmem:$0x2E30] =	vst v1  }
0x8b: {  	[tilespmem:$0x2E40] =	vst v1  }
0x8c: {  	[tilespmem:$0x2E50] =	vst v1  }
0x8d: {  	[tilespmem:$0x2E60] =	vst v1  }
0x8e: {  	[tilespmem:$0x2E70] =	vst v1  }
0x8f: {  	[tilespmem:$0x2E80] =	vst v1  }
0x90: {  	[tilespmem:$0x2E90] =	vst v1  }
0x91: {  	[tilespmem:$0x2EA0] =	vst v1  }
0x92: {  	[tilespmem:$0x2EB0] =	vst v1  }
0x93: {  	[tilespmem:$0x2EC0] =	vst v1  }
0x94: {  	[tilespmem:$0x2ED0] =	vst v1  }
0x95: {  	[tilespmem:$0x2EE0] =	vst v1  }
0x96: {  	[tilespmem:$0x2EF0] =	vst v1  }
0x97: {  	[tilespmem:$0x2F00] =	vst v1  }
0x98: {  	[tilespmem:$0x2F10] =	vst v1  }
0x99: {  	[tilespmem:$0x2F20] =	vst v1  }
0x9a: {  	[tilespmem:$0x2F30] =	vst v1  }
0x9b: {  	[tilespmem:$0x2F40] =	vst v1  }
0x9c: {  	[tilespmem:$0x2F50] =	vst v1  }
0x9d: {  	[tilespmem:$0x2F60] =	vst v1  }
0x9e: {  	s14 =	simm.s32 $0x0;
	[tilespmem:$0x2F70] =	vst v1  }
0x9f: {  	[tilespmem:s14], [sflag:$0x1] =	stream.linear.gather [hbm4b:s5+s14], $0x2780, $0x38;
	[tilespmem:$0x5780] =	vst v63  }
0xa0: {  	_ =	swait.ge [sflag:s9], $0x2780  }
0xa1: {  	[sflag:s9] =	ssyncset.done $0x0  }
0xa2: {  	[sflag:s9] =	ssyncadd.s32 $0xFFFFD880  }
0xa3: {  	s31 =	simm.s32 $0x0;
	[bflag:$0x0] =	sbarrier.arrive $0xFFFF  }
0xa4: {  	[spmem:s1] =	stream.indirect.scatter.add.f32 [tilespmem:s11], [sflag:$0x1], $0x10, s31, s10, $0xb8;
	[tilespmem:$0x5780] =	vst v63  }
0xa5: {  	_ =	swait.ge [sflag:s9], $0x800  }
0xa6: {  	s14 =	simm.s32 $0x200;
	[sflag:s9] =	ssyncset.done $0x0  }
.LBB2_4:
0xa7: {  	s15 =	sshra.s32 s14, $0x2;
	[sflag:s9] =	ssyncadd.s32 $0xFFFFF800;
	p0 =	sne.s32 s14, $0x9C00  }
0xa8: {  	[spmem:s1] =	stream.indirect.scatter.add.f32 [tilespmem:s11], [sflag:$0x1], $0x10, s15, s10, $0xb8;
	[tilespmem:$0x5780] =	vst v63  }
.Ltmp1:
0xa9: {  	_ = 	snop;
	(pc) =	sbr.rel @p0 .LBB2_4-.Ltmp1, $4  }
0xaa: {  	_ = 	snop  }
0xab: {  	s14 =	sadd.s32 $0x200, s14  }
0xac: {  	_ =	swait.ge [sflag:s9], $0x800  }
0xad: {  	[sflag:s9] =	ssyncset.done $0x0  }
0xae: {  	s3 =	sadd.s32 $0x1, s3  }
0xaf: {  	[sflag:s9] =	ssyncadd.s32 $0xFFFFF800;
	p0 =	sne.s32 s3, s7  }
.Ltmp2:
0xb0: {  	[bflag:$0x0] =	sbarrier.arrive $0xFFFF;
	(pc) =	sbr.rel @p0 .LBB2_1-.Ltmp2, $4  }
0xb1: {  	[hbm:s6], [sflag:s12] =	dma.local [spmem:s13], $0x4F0  }
0xb2: {  	_ =	swait.ge [sflag:s9], $0x4F0  }
0xb3: {  	[sflag:s9] =	ssyncset.done $0x0  }
0xb4: {  	[sflag:s9] =	ssyncadd.s32 $0xFFFFFB10  }
0xb5: {  	_ =	sfence.sel $0x180000  }
0xb6: {  	[bflag:$0x0] =	sbarrier.arrive $0xFFFF  }
0xb7: {  	p0 =	sne.s32 s2, $0x0;
	_ =	strace $0x90000047  }
0xb8: {  	s0 =	sadd.s32 @!p0 $0x100000, s0;
	[bflag:$0x2] =	sbarrier.arrive $0xFFFF  }
0xb9: {  	[sflag:s0] =	ssyncadd.tile.s32 @!p0 $0x1;
	_ =	shalt  }
.Lfunc_end2:
_tile_overlayer_lowered:
.L_overlay_start_2:
0xba: {  	(tag) =	ssettag $0x2  }
0xbb: {  	s0 =	rddreg [dreg:$0x0];
	s2 =	stileid.u32  }
0xbc: {  	s1 =	rddreg [dreg:$0x1];
	p0 =	sne.s32 s2, $0x0  }
0xbd: {  	s3 =	rddreg [dreg:$0x2];
	[bflag:$0x3] =	sbarrier.arrive $0xFFFF;
	s2 =	simm.s32 @!p0 $0x1C01  }
0xbe: {  	[timem:s3], [sflag:s2] =	dma.local @!p0 [hbm:s0], s1  }
0xbf: {  	s0 =	simm.s32 @!p0 $0x1  }
0xc0: {  	_ =	swait.ge @!p0 [sflag:s0], s1  }
0xc1: {  	s1 =	ssub.s32 @!p0 $0x0, s1;
	[sflag:s0] =	ssyncset.done @!p0 $0x0  }
0xc2: {  	[sflag:s0] =	ssyncadd.s32 @!p0 s1  }
0xc3: {  	[bflag:$0x3] =	sbarrier.arrive $0xFFFF  }
0xc4: {  	_ =	shalt  }

</sc_bundles>
